<compile_context>
chip_gen: v7x
topology: tpu7x:2x2x1
jax: 0.10.2.dev20260603
libtpu: 0.0.44.dev20260713+nightly
codegen_flags: <defaults>
</compile_context>

<pallas_src>
import functools

import jax
import jax.numpy as jnp
from jax import lax
from jax.experimental import pallas as pl
from jax.experimental.pallas import tpu as pltpu
from jax.experimental.pallas import tpu_sc as plsc

_N = 10000
_E = 320000
_D = 128
_H = 128
_M = 3
_DEPTH = 3
_H3 = _H // 3
_H9 = _H3 // 3

_NC = 2
_NS = 16
_NW = _NC * _NS
_EPT = _E // _NW
_K = 125
_EPTP = 10000
_NCHUNK = _EPTP // _K
_NPAD = 10240
_RPT = _NPAD // _NS

@functools.partial(
    pl.kernel,
    out_type=jax.ShapeDtypeStruct((_M * 2 * _NPAD, _H), jnp.float32),
    mesh=plsc.VectorSubcoreMesh(core_axis_name="c", subcore_axis_name="s"),
    scratch_types=[
        pltpu.VMEM((_NCHUNK, _K), jnp.int32),
        pltpu.VMEM((_NCHUNK, _K), jnp.int32),
        pltpu.VMEM((_K, _H), jnp.float32),
        pltpu.VMEM_SHARED((_NPAD, _H), jnp.float32),
        pltpu.SemaphoreType.DMA,
    ],
)
def _sc_segsum(h_hbm, src_hbm, dst_hbm, zeros_hbm, agg_hbm,
               src_v, dst_v, rows_v, acc, sem):
    c = lax.axis_index("c")
    s = lax.axis_index("s")
    wid = c * _NS + s
    pltpu.sync_copy(dst_hbm.at[wid], dst_v)
    for m in range(_M):
        pltpu.sync_copy(src_hbm.at[m * _NW + wid], src_v)
        pltpu.sync_copy(zeros_hbm, acc.at[pl.ds(s * _RPT, _RPT)])
        plsc.subcore_barrier()

        def chunk(j, carry):
            pltpu.async_copy(h_hbm.at[src_v.at[j]], rows_v, sem).wait()
            pltpu.sync_copy(rows_v, acc.at[dst_v.at[j]], add=True)
            return carry

        lax.fori_loop(0, _NCHUNK, chunk, 0)
        plsc.subcore_barrier()
        row0 = (2 * m + c) * _NPAD + s * _RPT
        pltpu.sync_copy(acc.at[pl.ds(s * _RPT, _RPT)],
                        agg_hbm.at[pl.ds(row0, _RPT)])


_BN = 1000
_NB = _N // _BN


def _h0_body(x_ref, wi_ref, out_ref):
    x = x_ref[...]
    for m in range(_M):
        out_ref[m] = jnp.maximum(lax.dot(x, wi_ref[m]), 0.0)


_h0_call = pl.pallas_call(
    _h0_body,
    grid=(_NB,),
    in_specs=[
        pl.BlockSpec((_BN, _D), lambda i: (i, 0)),
        pl.BlockSpec((_M, _D, _H), lambda i: (0, 0, 0)),
    ],
    out_specs=pl.BlockSpec((_M, _BN, _H), lambda i: (0, i, 0)),
    out_shape=jax.ShapeDtypeStruct((_M, _N, _H), jnp.float32),
)


def _upd_body(h0_ref, agg_ref, wh_ref, out_ref):
    for m in range(_M):
        a = agg_ref[m, 0] + agg_ref[m, 1]
        out_ref[m] = jnp.maximum(
            h0_ref[m] + lax.dot(a, wh_ref[m]), 0.0)


_upd_call = pl.pallas_call(
    _upd_body,
    grid=(_NB,),
    in_specs=[
        pl.BlockSpec((_M, _BN, _H), lambda i: (0, i, 0)),
        pl.BlockSpec((_M, 2, _BN, _H), lambda i: (0, 0, i, 0)),
        pl.BlockSpec((_M, _H, _H), lambda i: (0, 0, 0)),
    ],
    out_specs=pl.BlockSpec((_M, _BN, _H), lambda i: (0, i, 0)),
    out_shape=jax.ShapeDtypeStruct((_M, _N, _H), jnp.float32),
)


def _readout_body(x_ref, h_ref, wo_ref, bo_ref, w1_ref, b1_ref, w2_ref,
                  b2_ref, cw1_ref, cb1_ref, cw2_ref, cb2_ref, cw3_ref,
                  cb3_ref, out_ref, acc_ref):
    i = pl.program_id(0)

    @pl.when(i == 0)
    def _():
        acc_ref[...] = jnp.zeros_like(acc_ref)

    x = x_ref[...]
    for m in range(_M):
        ah = jnp.maximum(
            lax.dot(x, wo_ref[m, :_D, :])
            + lax.dot(h_ref[m], wo_ref[m, _D:, :])
            + bo_ref[m][None, :], 0.0)
        acc_ref[m, :] = acc_ref[m, :] + jnp.sum(ah, axis=0)

    @pl.when(i == _NB - 1)
    def _():
        def rb(v):
            return v.astype(jnp.bfloat16).astype(jnp.float32)

        total = 0.0
        for m in range(_M):
            e = rb(acc_ref[m, :] * (1.0 / _N))
            t = jnp.maximum(
                jnp.sum(e[:, None] * rb(w1_ref[m]), axis=0) + b1_ref[m], 0.0)
            temp = jnp.sum(rb(t) * rb(w2_ref[m])) + b2_ref[m]
            z = jnp.maximum(
                jnp.sum(e[:, None] * rb(cw1_ref[m]), axis=0) + cb1_ref[m], 0.0)
            z2 = jnp.maximum(
                jnp.sum(rb(z)[:, None] * rb(cw2_ref[m]), axis=0) + cb2_ref[m], 0.0)
            coef = jnp.sum(rb(z2) * rb(cw3_ref[m])) + cb3_ref[m]
            total = total + temp * coef
        out_ref[...] = jnp.reshape(total, (1, 1))


_readout_call = pl.pallas_call(
    _readout_body,
    grid=(_NB,),
    in_specs=[
        pl.BlockSpec((_BN, _D), lambda i: (i, 0)),
        pl.BlockSpec((_M, _BN, _H), lambda i: (0, i, 0)),
        pl.BlockSpec((_M, _D + _H, _H), lambda i: (0, 0, 0)),
        pl.BlockSpec((_M, _H), lambda i: (0, 0)),
        pl.BlockSpec((_M, _H, _H), lambda i: (0, 0, 0)),
        pl.BlockSpec((_M, _H), lambda i: (0, 0)),
        pl.BlockSpec((_M, _H), lambda i: (0, 0)),
        pl.BlockSpec((_M,), lambda i: (0,)),
        pl.BlockSpec((_M, _H, _H3), lambda i: (0, 0, 0)),
        pl.BlockSpec((_M, _H3), lambda i: (0, 0)),
        pl.BlockSpec((_M, _H3, _H9), lambda i: (0, 0, 0)),
        pl.BlockSpec((_M, _H9), lambda i: (0, 0)),
        pl.BlockSpec((_M, _H9), lambda i: (0, 0)),
        pl.BlockSpec((_M,), lambda i: (0,)),
    ],
    out_specs=pl.BlockSpec((1, 1), lambda i: (0, 0)),
    out_shape=jax.ShapeDtypeStruct((1, 1), jnp.float32),
    scratch_shapes=[pltpu.VMEM((_M, _H), jnp.float32)],
)


def kernel(x, edge_index, W_i, W_h, W_o, b_o, ffn_W1, ffn_b1, ffn_W2, ffn_b2,
           c_W1, c_b1, c_W2, c_b2, c_W3, c_b3):
    src = edge_index[0]
    dst = edge_index[1]
    offs = (jnp.arange(_M, dtype=jnp.int32) * _N)[:, None]
    src_m = (src[None, :] + offs).reshape(_M * _NW, _NCHUNK, _K)
    dst_r = dst.reshape(_NW, _NCHUNK, _K)
    zeros = jnp.zeros((_RPT, _H), jnp.float32)

    h0 = _h0_call(x, W_i)
    h = h0
    for _ in range(_DEPTH):
        agg_flat = _sc_segsum(h.reshape(_M * _N, _H), src_m, dst_r, zeros)
        agg = agg_flat.reshape(_M, 2, _NPAD, _H)
        h = _upd_call(h0, agg, W_h)
    out = _readout_call(x, h, W_o, b_o, ffn_W1, ffn_b1, ffn_W2[..., 0],
                        ffn_b2[..., 0], c_W1, c_b1, c_W2, c_b2, c_W3[..., 0],
                        c_b3[..., 0])
    return out

# --- scband reference (transcript-rebuilt; emitter-appended) ---
"""Pipeline reference for scband-molecule-model-multiple-56272661512628 (READ-ONLY COPY).

The authoritative reference and input builder live on the scoring server;
editing this copy changes nothing except your own understanding.
"""

import jax, jax.numpy as jnp
import numpy as np

N = 10000
E = 320000
D = 128
H = 128
M = 3
DEPTH = 3
T = 1
H3 = H // 3
H9 = H3 // 3


def setup_inputs(seed: int = 0) -> dict:
    key = jax.random.key(seed)
    ks = jax.random.split(key, 20)
    s = 0.05
    inp = {}
    inp['x'] = jax.random.normal(ks[0], (N, D), dtype=jnp.float32)
    inp['edge_index'] = jax.random.randint(ks[1], (2, E), 0, N, dtype=jnp.int32)
    # per-model stacked parameters (leading dim = num_models)
    inp['W_i'] = jax.random.normal(ks[2], (M, D, H), dtype=jnp.float32) * s
    inp['W_h'] = jax.random.normal(ks[3], (M, H, H), dtype=jnp.float32) * s
    inp['W_o'] = jax.random.normal(ks[4], (M, D + H, H), dtype=jnp.float32) * s
    inp['b_o'] = jnp.zeros((M, H), dtype=jnp.float32)
    inp['ffn_W1'] = jax.random.normal(ks[5], (M, H, H), dtype=jnp.float32) * s
    inp['ffn_b1'] = jnp.zeros((M, H), dtype=jnp.float32)
    inp['ffn_W2'] = jax.random.normal(ks[6], (M, H, T), dtype=jnp.float32) * s
    inp['ffn_b2'] = jnp.zeros((M, T), dtype=jnp.float32)
    inp['c_W1'] = jax.random.normal(ks[7], (M, H, H3), dtype=jnp.float32) * s
    inp['c_b1'] = jnp.zeros((M, H3), dtype=jnp.float32)
    inp['c_W2'] = jax.random.normal(ks[8], (M, H3, H9), dtype=jnp.float32) * s
    inp['c_b2'] = jnp.zeros((M, H9), dtype=jnp.float32)
    inp['c_W3'] = jax.random.normal(ks[9], (M, H9, 1), dtype=jnp.float32) * s
    inp['c_b3'] = jnp.zeros((M, 1), dtype=jnp.float32)
    return inp


def reference(x, edge_index, W_i, W_h, W_o, b_o, ffn_W1, ffn_b1, ffn_W2, ffn_b2,
              c_W1, c_b1, c_W2, c_b2, c_W3, c_b3):
    src = edge_index[0]
    dst = edge_index[1]
    outputs_lst = []
    for m in range(M):
        # D-MPNN-style encoder (chemprop MPNEncoder: W_i, W_h, W_o)
        h0 = jax.nn.relu(x @ W_i[m])
        h = h0
        for _ in range(DEPTH):
            msg = jnp.take(h, src, axis=0)              # gather over edges
            agg = jax.ops.segment_sum(msg, dst, num_segments=N)  # scatter-add
            h = jax.nn.relu(h0 + agg @ W_h[m])
        atom_h = jax.nn.relu(jnp.concatenate([x, h], axis=1) @ W_o[m] + b_o[m])
        embedding = jnp.mean(atom_h, axis=0, keepdims=True)  # readout over atoms -> [1, H]
        # MoleculeModel FFN head -> temp
        t = jax.nn.relu(embedding @ ffn_W1[m] + ffn_b1[m])
        temp = t @ ffn_W2[m] + ffn_b2[m]
        # coefficient readout: Linear(H,H//3)-ReLU-Linear(H//3,H//9)-ReLU-Linear(H//9,1)
        z = jax.nn.relu(embedding @ c_W1[m] + c_b1[m])
        z = jax.nn.relu(z @ c_W2[m] + c_b2[m])
        coefficient = z @ c_W3[m] + c_b3[m]
        outputs_lst.append(temp * coefficient)
    output = outputs_lst[0]
    for idx in (1, M - 1):  # faithful to original quirky loop
        output = output + outputs_lst[idx]
    return output

if __name__ == "__main__":
    import jax
    _d = setup_inputs()
    print(jax.jit(kernel)(*tuple(_d.values())))

</pallas_src>

<mosaic_0001>
#map = affine_map<(d0, d1) -> (0, 0)>
#map1 = affine_map<(d0, d1) -> (0, 0, 0)>
module attributes {stable_mosaic.version = 14 : i64} {
  func.func @_sc_segsum(%arg0: i32, %arg1: i32, %arg2: memref<30000x128xf32, #tpu.memory_space<hbm>>, %arg3: memref<96x80x125xi32, #tpu.memory_space<hbm>>, %arg4: memref<32x80x125xi32, #tpu.memory_space<hbm>>, %arg5: memref<640x128xf32, #tpu.memory_space<hbm>>, %arg6: memref<61440x128xf32, #tpu.memory_space<hbm>>, %arg7: memref<80x125xi32, #tpu.memory_space<vmem>>, %arg8: memref<80x125xi32, #tpu.memory_space<vmem>>, %arg9: memref<125x128xf32, #tpu.memory_space<vmem>>, %arg10: memref<10240x128xf32, #tpu.memory_space<vmem_shared>>, %arg11: memref<!tpu.dma_semaphore, #tpu.memory_space<semaphore_mem>>) attributes {dimension_semantics = [#tpu.dimension_semantics<core_parallel>, #tpu.dimension_semantics<subcore_parallel>], iteration_bounds = array<i64: 2, 16>, scalar_prefetch = 0 : i64, scratch_operands = 5 : i64, tpu.core_type = #tpu.core_type<sc_vector_subcore>, window_params = [{transform_indices = #map}, {transform_indices = #map1}, {transform_indices = #map1}, {transform_indices = #map}, {transform_indices = #map}]} {
    %mul3A = arith.constant 16 : i32
    %mul3A_0 = arith.muli %arg0, %mul3A : i32
    %add3A = arith.addi %mul3A_0, %arg1 : i32
    "tpu.region"() ({
      %run_scoped3A = tpu.sem_alloc : memref<!tpu.dma_semaphore, #tpu.memory_space<semaphore_mem>>
      %dma_start3A = arith.constant 0 : i32
      %dma_start3A_62 = arith.constant 0 : i32
      %dma_start3A_63 = tpu.memref_slice %arg4[%add3A, %dma_start3A, %dma_start3A_62] : memref<32x80x125xi32, #tpu.memory_space<hbm>> -> memref<1x80x125xi32, #tpu.memory_space<hbm>>
      %dma_start3A_64 = tpu.memref_squeeze %dma_start3A_63 : memref<1x80x125xi32, #tpu.memory_space<hbm>> -> memref<80x125xi32, #tpu.memory_space<hbm>>
      %dma_start3A_65 = arith.constant 0 : i32
      %dma_start3A_66 = arith.constant 0 : i32
      %dma_start3A_67 = tpu.memref_slice %arg4[%add3A, %dma_start3A_65, %dma_start3A_66] : memref<32x80x125xi32, #tpu.memory_space<hbm>> -> memref<1x80x125xi32, #tpu.memory_space<hbm>>
      %dma_start3A_68 = tpu.memref_squeeze %dma_start3A_67 : memref<1x80x125xi32, #tpu.memory_space<hbm>> -> memref<80x125xi32, #tpu.memory_space<hbm>>
      tpu.enqueue_dma source(%dma_start3A_68 : memref<80x125xi32, #tpu.memory_space<hbm>>) target(%arg8 : memref<80x125xi32, #tpu.memory_space<vmem>>) target_semaphore(%run_scoped3A : memref<!tpu.dma_semaphore, #tpu.memory_space<semaphore_mem>>)
      %dma_wait3A = arith.constant 0 : i32
      %dma_wait3A_69 = arith.constant 0 : i32
      %dma_wait3A_70 = tpu.memref_slice %arg4[%add3A, %dma_wait3A, %dma_wait3A_69] : memref<32x80x125xi32, #tpu.memory_space<hbm>> -> memref<1x80x125xi32, #tpu.memory_space<hbm>>
      %dma_wait3A_71 = tpu.memref_squeeze %dma_wait3A_70 : memref<1x80x125xi32, #tpu.memory_space<hbm>> -> memref<80x125xi32, #tpu.memory_space<hbm>>
      %dma_wait3A_72 = arith.constant 0 : i32
      %dma_wait3A_73 = arith.constant 0 : i32
      %dma_wait3A_74 = tpu.memref_slice %arg4[%add3A, %dma_wait3A_72, %dma_wait3A_73] : memref<32x80x125xi32, #tpu.memory_space<hbm>> -> memref<1x80x125xi32, #tpu.memory_space<hbm>>
      %dma_wait3A_75 = tpu.memref_squeeze %dma_wait3A_74 : memref<1x80x125xi32, #tpu.memory_space<hbm>> -> memref<80x125xi32, #tpu.memory_space<hbm>>
      tpu.wait_dma2 semaphore(%run_scoped3A : memref<!tpu.dma_semaphore, #tpu.memory_space<semaphore_mem>>) src(%dma_wait3A_75 : memref<80x125xi32, #tpu.memory_space<hbm>>) dst(%arg8 : memref<80x125xi32, #tpu.memory_space<vmem>>)
      tpu.yield
    }) : () -> ()
    %add3A_1 = arith.constant 0 : i32
    %add3A_2 = arith.addi %add3A_1, %add3A : i32
    "tpu.region"() ({
      %run_scoped3A = tpu.sem_alloc : memref<!tpu.dma_semaphore, #tpu.memory_space<semaphore_mem>>
      %dma_start3A = arith.constant 0 : i32
      %dma_start3A_62 = arith.constant 0 : i32
      %dma_start3A_63 = tpu.memref_slice %arg3[%add3A_2, %dma_start3A, %dma_start3A_62] : memref<96x80x125xi32, #tpu.memory_space<hbm>> -> memref<1x80x125xi32, #tpu.memory_space<hbm>>
      %dma_start3A_64 = tpu.memref_squeeze %dma_start3A_63 : memref<1x80x125xi32, #tpu.memory_space<hbm>> -> memref<80x125xi32, #tpu.memory_space<hbm>>
      %dma_start3A_65 = arith.constant 0 : i32
      %dma_start3A_66 = arith.constant 0 : i32
      %dma_start3A_67 = tpu.memref_slice %arg3[%add3A_2, %dma_start3A_65, %dma_start3A_66] : memref<96x80x125xi32, #tpu.memory_space<hbm>> -> memref<1x80x125xi32, #tpu.memory_space<hbm>>
      %dma_start3A_68 = tpu.memref_squeeze %dma_start3A_67 : memref<1x80x125xi32, #tpu.memory_space<hbm>> -> memref<80x125xi32, #tpu.memory_space<hbm>>
      tpu.enqueue_dma source(%dma_start3A_68 : memref<80x125xi32, #tpu.memory_space<hbm>>) target(%arg7 : memref<80x125xi32, #tpu.memory_space<vmem>>) target_semaphore(%run_scoped3A : memref<!tpu.dma_semaphore, #tpu.memory_space<semaphore_mem>>)
      %dma_wait3A = arith.constant 0 : i32
      %dma_wait3A_69 = arith.constant 0 : i32
      %dma_wait3A_70 = tpu.memref_slice %arg3[%add3A_2, %dma_wait3A, %dma_wait3A_69] : memref<96x80x125xi32, #tpu.memory_space<hbm>> -> memref<1x80x125xi32, #tpu.memory_space<hbm>>
      %dma_wait3A_71 = tpu.memref_squeeze %dma_wait3A_70 : memref<1x80x125xi32, #tpu.memory_space<hbm>> -> memref<80x125xi32, #tpu.memory_space<hbm>>
      %dma_wait3A_72 = arith.constant 0 : i32
      %dma_wait3A_73 = arith.constant 0 : i32
      %dma_wait3A_74 = tpu.memref_slice %arg3[%add3A_2, %dma_wait3A_72, %dma_wait3A_73] : memref<96x80x125xi32, #tpu.memory_space<hbm>> -> memref<1x80x125xi32, #tpu.memory_space<hbm>>
      %dma_wait3A_75 = tpu.memref_squeeze %dma_wait3A_74 : memref<1x80x125xi32, #tpu.memory_space<hbm>> -> memref<80x125xi32, #tpu.memory_space<hbm>>
      tpu.wait_dma2 semaphore(%run_scoped3A : memref<!tpu.dma_semaphore, #tpu.memory_space<semaphore_mem>>) src(%dma_wait3A_75 : memref<80x125xi32, #tpu.memory_space<hbm>>) dst(%arg7 : memref<80x125xi32, #tpu.memory_space<vmem>>)
      tpu.yield
    }) : () -> ()
    %mul3A_3 = arith.constant 640 : i32
    %mul3A_4 = arith.muli %arg1, %mul3A_3 : i32
    "tpu.region"() ({
      %run_scoped3A = tpu.sem_alloc : memref<!tpu.dma_semaphore, #tpu.memory_space<semaphore_mem>>
      %dma_start3A = arith.constant 0 : i32
      %dma_start3A_62 = tpu.memref_slice %arg10[%mul3A_4, %dma_start3A] : memref<10240x128xf32, #tpu.memory_space<vmem_shared>> -> memref<640x128xf32, #tpu.memory_space<vmem_shared>>
      tpu.enqueue_dma source(%arg5 : memref<640x128xf32, #tpu.memory_space<hbm>>) target(%dma_start3A_62 : memref<640x128xf32, #tpu.memory_space<vmem_shared>>) target_semaphore(%run_scoped3A : memref<!tpu.dma_semaphore, #tpu.memory_space<semaphore_mem>>)
      %dma_wait3A = arith.constant 0 : i32
      %dma_wait3A_63 = tpu.memref_slice %arg10[%mul3A_4, %dma_wait3A] : memref<10240x128xf32, #tpu.memory_space<vmem_shared>> -> memref<640x128xf32, #tpu.memory_space<vmem_shared>>
      tpu.wait_dma2 semaphore(%run_scoped3A : memref<!tpu.dma_semaphore, #tpu.memory_space<semaphore_mem>>) src(%arg5 : memref<640x128xf32, #tpu.memory_space<hbm>>) dst(%dma_wait3A_63 : memref<640x128xf32, #tpu.memory_space<vmem_shared>>)
      tpu.yield
    }) : () -> ()
    %barrier3A = arith.constant 0 : index
    tpu.barrier barrier_id(%barrier3A)
    %scan3A = arith.constant 0 : i32
    %scan3A_5 = arith.constant 0 : i32
    %scan3A_6 = arith.constant 80 : i32
    %scan3A_7 = arith.addi %scan3A_5, %scan3A_6 : i32
    %scan3A_8 = arith.constant 1 : i32
    scf.for %scan3A_62 = %scan3A_5 to %scan3A_7 step %scan3A_8  : i32 {
      %dma_start3A = arith.constant 0 : i32
      %dma_start3A_63 = tpu.memref_slice %arg7[%scan3A_62, %dma_start3A] : memref<80x125xi32, #tpu.memory_space<vmem>> -> memref<1x125xi32, #tpu.memory_space<vmem>>
      %dma_start3A_64 = tpu.memref_squeeze %dma_start3A_63 : memref<1x125xi32, #tpu.memory_space<vmem>> -> memref<125xi32, #tpu.memory_space<vmem>>
      %dma_start3A_65 = arith.constant 0 : i32
      %dma_start3A_66 = arith.constant 0 : i32
      %dma_start3A_67 = tpu.memref_slice %arg2[%dma_start3A_65, %dma_start3A_66] : memref<30000x128xf32, #tpu.memory_space<hbm>> -> memref<30000x128xf32, #tpu.memory_space<hbm>>
      tpu.enqueue_indirect_dma source(%dma_start3A_67 : memref<30000x128xf32, #tpu.memory_space<hbm>>) target(%arg9 : memref<125x128xf32, #tpu.memory_space<vmem>>) offsets(%dma_start3A_64 : memref<125xi32, #tpu.memory_space<vmem>>) semaphore(%arg11 : memref<!tpu.dma_semaphore, #tpu.memory_space<semaphore_mem>>)
      %dma_wait3A = arith.constant 0 : i32
      %dma_wait3A_68 = tpu.memref_slice %arg7[%scan3A_62, %dma_wait3A] : memref<80x125xi32, #tpu.memory_space<vmem>> -> memref<1x125xi32, #tpu.memory_space<vmem>>
      %dma_wait3A_69 = tpu.memref_squeeze %dma_wait3A_68 : memref<1x125xi32, #tpu.memory_space<vmem>> -> memref<125xi32, #tpu.memory_space<vmem>>
      %dma_wait3A_70 = arith.constant 0 : i32
      %dma_wait3A_71 = arith.constant 0 : i32
      %dma_wait3A_72 = tpu.memref_slice %arg2[%dma_wait3A_70, %dma_wait3A_71] : memref<30000x128xf32, #tpu.memory_space<hbm>> -> memref<30000x128xf32, #tpu.memory_space<hbm>>
      tpu.wait_indirect_dma semaphore(%arg11 : memref<!tpu.dma_semaphore, #tpu.memory_space<semaphore_mem>>) src(%dma_wait3A_72 : memref<30000x128xf32, #tpu.memory_space<hbm>>) dst(%arg9 : memref<125x128xf32, #tpu.memory_space<vmem>>)
      "tpu.region"() ({
        %run_scoped3A = tpu.sem_alloc : memref<!tpu.dma_semaphore, #tpu.memory_space<semaphore_mem>>
        %dma_start3A_73 = arith.constant 0 : i32
        %dma_start3A_74 = tpu.memref_slice %arg8[%scan3A_62, %dma_start3A_73] : memref<80x125xi32, #tpu.memory_space<vmem>> -> memref<1x125xi32, #tpu.memory_space<vmem>>
        %dma_start3A_75 = tpu.memref_squeeze %dma_start3A_74 : memref<1x125xi32, #tpu.memory_space<vmem>> -> memref<125xi32, #tpu.memory_space<vmem>>
        %dma_start3A_76 = arith.constant 0 : i32
        %dma_start3A_77 = arith.constant 0 : i32
        %dma_start3A_78 = tpu.memref_slice %arg10[%dma_start3A_76, %dma_start3A_77] : memref<10240x128xf32, #tpu.memory_space<vmem_shared>> -> memref<10240x128xf32, #tpu.memory_space<vmem_shared>>
        tpu.enqueue_indirect_dma source(%arg9 : memref<125x128xf32, #tpu.memory_space<vmem>>) target(%dma_start3A_78 : memref<10240x128xf32, #tpu.memory_space<vmem_shared>>) offsets(%dma_start3A_75 : memref<125xi32, #tpu.memory_space<vmem>>) semaphore(%run_scoped3A : memref<!tpu.dma_semaphore, #tpu.memory_space<semaphore_mem>>) {add = true}
        %dma_wait3A_79 = arith.constant 0 : i32
        %dma_wait3A_80 = tpu.memref_slice %arg8[%scan3A_62, %dma_wait3A_79] : memref<80x125xi32, #tpu.memory_space<vmem>> -> memref<1x125xi32, #tpu.memory_space<vmem>>
        %dma_wait3A_81 = tpu.memref_squeeze %dma_wait3A_80 : memref<1x125xi32, #tpu.memory_space<vmem>> -> memref<125xi32, #tpu.memory_space<vmem>>
        %dma_wait3A_82 = arith.constant 0 : i32
        %dma_wait3A_83 = arith.constant 0 : i32
        %dma_wait3A_84 = tpu.memref_slice %arg10[%dma_wait3A_82, %dma_wait3A_83] : memref<10240x128xf32, #tpu.memory_space<vmem_shared>> -> memref<10240x128xf32, #tpu.memory_space<vmem_shared>>
        tpu.wait_indirect_dma semaphore(%run_scoped3A : memref<!tpu.dma_semaphore, #tpu.memory_space<semaphore_mem>>) src(%arg9 : memref<125x128xf32, #tpu.memory_space<vmem>>) dst(%dma_wait3A_84 : memref<10240x128xf32, #tpu.memory_space<vmem_shared>>)
        tpu.yield
      }) : () -> ()
    }
    %scan3A_9 = arith.constant 80 : i32
    %barrier3A_10 = arith.constant 0 : index
    tpu.barrier barrier_id(%barrier3A_10)
    %add3A_11 = arith.constant 0 : i32
    %add3A_12 = arith.addi %add3A_11, %arg0 : i32
    %mul3A_13 = arith.constant 10240 : i32
    %mul3A_14 = arith.muli %add3A_12, %mul3A_13 : i32
    %mul3A_15 = arith.constant 640 : i32
    %mul3A_16 = arith.muli %arg1, %mul3A_15 : i32
    %add3A_17 = arith.addi %mul3A_14, %mul3A_16 : i32
    %mul3A_18 = arith.constant 640 : i32
    %mul3A_19 = arith.muli %arg1, %mul3A_18 : i32
    "tpu.region"() ({
      %run_scoped3A = tpu.sem_alloc : memref<!tpu.dma_semaphore, #tpu.memory_space<semaphore_mem>>
      %dma_start3A = arith.constant 0 : i32
      %dma_start3A_62 = tpu.memref_slice %arg6[%add3A_17, %dma_start3A] : memref<61440x128xf32, #tpu.memory_space<hbm>> -> memref<640x128xf32, #tpu.memory_space<hbm>>
      %dma_start3A_63 = arith.constant 0 : i32
      %dma_start3A_64 = tpu.memref_slice %arg10[%mul3A_19, %dma_start3A_63] : memref<10240x128xf32, #tpu.memory_space<vmem_shared>> -> memref<640x128xf32, #tpu.memory_space<vmem_shared>>
      tpu.enqueue_dma source(%dma_start3A_64 : memref<640x128xf32, #tpu.memory_space<vmem_shared>>) target(%dma_start3A_62 : memref<640x128xf32, #tpu.memory_space<hbm>>) target_semaphore(%run_scoped3A : memref<!tpu.dma_semaphore, #tpu.memory_space<semaphore_mem>>)
      %dma_wait3A = arith.constant 0 : i32
      %dma_wait3A_65 = tpu.memref_slice %arg6[%add3A_17, %dma_wait3A] : memref<61440x128xf32, #tpu.memory_space<hbm>> -> memref<640x128xf32, #tpu.memory_space<hbm>>
      %dma_wait3A_66 = arith.constant 0 : i32
      %dma_wait3A_67 = tpu.memref_slice %arg10[%mul3A_19, %dma_wait3A_66] : memref<10240x128xf32, #tpu.memory_space<vmem_shared>> -> memref<640x128xf32, #tpu.memory_space<vmem_shared>>
      tpu.wait_dma2 semaphore(%run_scoped3A : memref<!tpu.dma_semaphore, #tpu.memory_space<semaphore_mem>>) src(%dma_wait3A_67 : memref<640x128xf32, #tpu.memory_space<vmem_shared>>) dst(%dma_wait3A_65 : memref<640x128xf32, #tpu.memory_space<hbm>>)
      tpu.yield
    }) : () -> ()
    %add3A_20 = arith.constant 32 : i32
    %add3A_21 = arith.addi %add3A_20, %add3A : i32
    "tpu.region"() ({
      %run_scoped3A = tpu.sem_alloc : memref<!tpu.dma_semaphore, #tpu.memory_space<semaphore_mem>>
      %dma_start3A = arith.constant 0 : i32
      %dma_start3A_62 = arith.constant 0 : i32
      %dma_start3A_63 = tpu.memref_slice %arg3[%add3A_21, %dma_start3A, %dma_start3A_62] : memref<96x80x125xi32, #tpu.memory_space<hbm>> -> memref<1x80x125xi32, #tpu.memory_space<hbm>>
      %dma_start3A_64 = tpu.memref_squeeze %dma_start3A_63 : memref<1x80x125xi32, #tpu.memory_space<hbm>> -> memref<80x125xi32, #tpu.memory_space<hbm>>
      %dma_start3A_65 = arith.constant 0 : i32
      %dma_start3A_66 = arith.constant 0 : i32
      %dma_start3A_67 = tpu.memref_slice %arg3[%add3A_21, %dma_start3A_65, %dma_start3A_66] : memref<96x80x125xi32, #tpu.memory_space<hbm>> -> memref<1x80x125xi32, #tpu.memory_space<hbm>>
      %dma_start3A_68 = tpu.memref_squeeze %dma_start3A_67 : memref<1x80x125xi32, #tpu.memory_space<hbm>> -> memref<80x125xi32, #tpu.memory_space<hbm>>
      tpu.enqueue_dma source(%dma_start3A_68 : memref<80x125xi32, #tpu.memory_space<hbm>>) target(%arg7 : memref<80x125xi32, #tpu.memory_space<vmem>>) target_semaphore(%run_scoped3A : memref<!tpu.dma_semaphore, #tpu.memory_space<semaphore_mem>>)
      %dma_wait3A = arith.constant 0 : i32
      %dma_wait3A_69 = arith.constant 0 : i32
      %dma_wait3A_70 = tpu.memref_slice %arg3[%add3A_21, %dma_wait3A, %dma_wait3A_69] : memref<96x80x125xi32, #tpu.memory_space<hbm>> -> memref<1x80x125xi32, #tpu.memory_space<hbm>>
      %dma_wait3A_71 = tpu.memref_squeeze %dma_wait3A_70 : memref<1x80x125xi32, #tpu.memory_space<hbm>> -> memref<80x125xi32, #tpu.memory_space<hbm>>
      %dma_wait3A_72 = arith.constant 0 : i32
      %dma_wait3A_73 = arith.constant 0 : i32
      %dma_wait3A_74 = tpu.memref_slice %arg3[%add3A_21, %dma_wait3A_72, %dma_wait3A_73] : memref<96x80x125xi32, #tpu.memory_space<hbm>> -> memref<1x80x125xi32, #tpu.memory_space<hbm>>
      %dma_wait3A_75 = tpu.memref_squeeze %dma_wait3A_74 : memref<1x80x125xi32, #tpu.memory_space<hbm>> -> memref<80x125xi32, #tpu.memory_space<hbm>>
      tpu.wait_dma2 semaphore(%run_scoped3A : memref<!tpu.dma_semaphore, #tpu.memory_space<semaphore_mem>>) src(%dma_wait3A_75 : memref<80x125xi32, #tpu.memory_space<hbm>>) dst(%arg7 : memref<80x125xi32, #tpu.memory_space<vmem>>)
      tpu.yield
    }) : () -> ()
    %mul3A_22 = arith.constant 640 : i32
    %mul3A_23 = arith.muli %arg1, %mul3A_22 : i32
    "tpu.region"() ({
      %run_scoped3A = tpu.sem_alloc : memref<!tpu.dma_semaphore, #tpu.memory_space<semaphore_mem>>
      %dma_start3A = arith.constant 0 : i32
      %dma_start3A_62 = tpu.memref_slice %arg10[%mul3A_23, %dma_start3A] : memref<10240x128xf32, #tpu.memory_space<vmem_shared>> -> memref<640x128xf32, #tpu.memory_space<vmem_shared>>
      tpu.enqueue_dma source(%arg5 : memref<640x128xf32, #tpu.memory_space<hbm>>) target(%dma_start3A_62 : memref<640x128xf32, #tpu.memory_space<vmem_shared>>) target_semaphore(%run_scoped3A : memref<!tpu.dma_semaphore, #tpu.memory_space<semaphore_mem>>)
      %dma_wait3A = arith.constant 0 : i32
      %dma_wait3A_63 = tpu.memref_slice %arg10[%mul3A_23, %dma_wait3A] : memref<10240x128xf32, #tpu.memory_space<vmem_shared>> -> memref<640x128xf32, #tpu.memory_space<vmem_shared>>
      tpu.wait_dma2 semaphore(%run_scoped3A : memref<!tpu.dma_semaphore, #tpu.memory_space<semaphore_mem>>) src(%arg5 : memref<640x128xf32, #tpu.memory_space<hbm>>) dst(%dma_wait3A_63 : memref<640x128xf32, #tpu.memory_space<vmem_shared>>)
      tpu.yield
    }) : () -> ()
    %barrier3A_24 = arith.constant 0 : index
    tpu.barrier barrier_id(%barrier3A_24)
    %scan3A_25 = arith.constant 0 : i32
    %scan3A_26 = arith.constant 0 : i32
    %scan3A_27 = arith.constant 80 : i32
    %scan3A_28 = arith.addi %scan3A_26, %scan3A_27 : i32
    %scan3A_29 = arith.constant 1 : i32
    scf.for %scan3A_62 = %scan3A_26 to %scan3A_28 step %scan3A_29  : i32 {
      %dma_start3A = arith.constant 0 : i32
      %dma_start3A_63 = tpu.memref_slice %arg7[%scan3A_62, %dma_start3A] : memref<80x125xi32, #tpu.memory_space<vmem>> -> memref<1x125xi32, #tpu.memory_space<vmem>>
      %dma_start3A_64 = tpu.memref_squeeze %dma_start3A_63 : memref<1x125xi32, #tpu.memory_space<vmem>> -> memref<125xi32, #tpu.memory_space<vmem>>
      %dma_start3A_65 = arith.constant 0 : i32
      %dma_start3A_66 = arith.constant 0 : i32
      %dma_start3A_67 = tpu.memref_slice %arg2[%dma_start3A_65, %dma_start3A_66] : memref<30000x128xf32, #tpu.memory_space<hbm>> -> memref<30000x128xf32, #tpu.memory_space<hbm>>
      tpu.enqueue_indirect_dma source(%dma_start3A_67 : memref<30000x128xf32, #tpu.memory_space<hbm>>) target(%arg9 : memref<125x128xf32, #tpu.memory_space<vmem>>) offsets(%dma_start3A_64 : memref<125xi32, #tpu.memory_space<vmem>>) semaphore(%arg11 : memref<!tpu.dma_semaphore, #tpu.memory_space<semaphore_mem>>)
      %dma_wait3A = arith.constant 0 : i32
      %dma_wait3A_68 = tpu.memref_slice %arg7[%scan3A_62, %dma_wait3A] : memref<80x125xi32, #tpu.memory_space<vmem>> -> memref<1x125xi32, #tpu.memory_space<vmem>>
      %dma_wait3A_69 = tpu.memref_squeeze %dma_wait3A_68 : memref<1x125xi32, #tpu.memory_space<vmem>> -> memref<125xi32, #tpu.memory_space<vmem>>
      %dma_wait3A_70 = arith.constant 0 : i32
      %dma_wait3A_71 = arith.constant 0 : i32
      %dma_wait3A_72 = tpu.memref_slice %arg2[%dma_wait3A_70, %dma_wait3A_71] : memref<30000x128xf32, #tpu.memory_space<hbm>> -> memref<30000x128xf32, #tpu.memory_space<hbm>>
      tpu.wait_indirect_dma semaphore(%arg11 : memref<!tpu.dma_semaphore, #tpu.memory_space<semaphore_mem>>) src(%dma_wait3A_72 : memref<30000x128xf32, #tpu.memory_space<hbm>>) dst(%arg9 : memref<125x128xf32, #tpu.memory_space<vmem>>)
      "tpu.region"() ({
        %run_scoped3A = tpu.sem_alloc : memref<!tpu.dma_semaphore, #tpu.memory_space<semaphore_mem>>
        %dma_start3A_73 = arith.constant 0 : i32
        %dma_start3A_74 = tpu.memref_slice %arg8[%scan3A_62, %dma_start3A_73] : memref<80x125xi32, #tpu.memory_space<vmem>> -> memref<1x125xi32, #tpu.memory_space<vmem>>
        %dma_start3A_75 = tpu.memref_squeeze %dma_start3A_74 : memref<1x125xi32, #tpu.memory_space<vmem>> -> memref<125xi32, #tpu.memory_space<vmem>>
        %dma_start3A_76 = arith.constant 0 : i32
        %dma_start3A_77 = arith.constant 0 : i32
        %dma_start3A_78 = tpu.memref_slice %arg10[%dma_start3A_76, %dma_start3A_77] : memref<10240x128xf32, #tpu.memory_space<vmem_shared>> -> memref<10240x128xf32, #tpu.memory_space<vmem_shared>>
        tpu.enqueue_indirect_dma source(%arg9 : memref<125x128xf32, #tpu.memory_space<vmem>>) target(%dma_start3A_78 : memref<10240x128xf32, #tpu.memory_space<vmem_shared>>) offsets(%dma_start3A_75 : memref<125xi32, #tpu.memory_space<vmem>>) semaphore(%run_scoped3A : memref<!tpu.dma_semaphore, #tpu.memory_space<semaphore_mem>>) {add = true}
        %dma_wait3A_79 = arith.constant 0 : i32
        %dma_wait3A_80 = tpu.memref_slice %arg8[%scan3A_62, %dma_wait3A_79] : memref<80x125xi32, #tpu.memory_space<vmem>> -> memref<1x125xi32, #tpu.memory_space<vmem>>
        %dma_wait3A_81 = tpu.memref_squeeze %dma_wait3A_80 : memref<1x125xi32, #tpu.memory_space<vmem>> -> memref<125xi32, #tpu.memory_space<vmem>>
        %dma_wait3A_82 = arith.constant 0 : i32
        %dma_wait3A_83 = arith.constant 0 : i32
        %dma_wait3A_84 = tpu.memref_slice %arg10[%dma_wait3A_82, %dma_wait3A_83] : memref<10240x128xf32, #tpu.memory_space<vmem_shared>> -> memref<10240x128xf32, #tpu.memory_space<vmem_shared>>
        tpu.wait_indirect_dma semaphore(%run_scoped3A : memref<!tpu.dma_semaphore, #tpu.memory_space<semaphore_mem>>) src(%arg9 : memref<125x128xf32, #tpu.memory_space<vmem>>) dst(%dma_wait3A_84 : memref<10240x128xf32, #tpu.memory_space<vmem_shared>>)
        tpu.yield
      }) : () -> ()
    }
    %scan3A_30 = arith.constant 80 : i32
    %barrier3A_31 = arith.constant 0 : index
    tpu.barrier barrier_id(%barrier3A_31)
    %add3A_32 = arith.constant 2 : i32
    %add3A_33 = arith.addi %add3A_32, %arg0 : i32
    %mul3A_34 = arith.constant 10240 : i32
    %mul3A_35 = arith.muli %add3A_33, %mul3A_34 : i32
    %mul3A_36 = arith.constant 640 : i32
    %mul3A_37 = arith.muli %arg1, %mul3A_36 : i32
    %add3A_38 = arith.addi %mul3A_35, %mul3A_37 : i32
    %mul3A_39 = arith.constant 640 : i32
    %mul3A_40 = arith.muli %arg1, %mul3A_39 : i32
    "tpu.region"() ({
      %run_scoped3A = tpu.sem_alloc : memref<!tpu.dma_semaphore, #tpu.memory_space<semaphore_mem>>
      %dma_start3A = arith.constant 0 : i32
      %dma_start3A_62 = tpu.memref_slice %arg6[%add3A_38, %dma_start3A] : memref<61440x128xf32, #tpu.memory_space<hbm>> -> memref<640x128xf32, #tpu.memory_space<hbm>>
      %dma_start3A_63 = arith.constant 0 : i32
      %dma_start3A_64 = tpu.memref_slice %arg10[%mul3A_40, %dma_start3A_63] : memref<10240x128xf32, #tpu.memory_space<vmem_shared>> -> memref<640x128xf32, #tpu.memory_space<vmem_shared>>
      tpu.enqueue_dma source(%dma_start3A_64 : memref<640x128xf32, #tpu.memory_space<vmem_shared>>) target(%dma_start3A_62 : memref<640x128xf32, #tpu.memory_space<hbm>>) target_semaphore(%run_scoped3A : memref<!tpu.dma_semaphore, #tpu.memory_space<semaphore_mem>>)
      %dma_wait3A = arith.constant 0 : i32
      %dma_wait3A_65 = tpu.memref_slice %arg6[%add3A_38, %dma_wait3A] : memref<61440x128xf32, #tpu.memory_space<hbm>> -> memref<640x128xf32, #tpu.memory_space<hbm>>
      %dma_wait3A_66 = arith.constant 0 : i32
      %dma_wait3A_67 = tpu.memref_slice %arg10[%mul3A_40, %dma_wait3A_66] : memref<10240x128xf32, #tpu.memory_space<vmem_shared>> -> memref<640x128xf32, #tpu.memory_space<vmem_shared>>
      tpu.wait_dma2 semaphore(%run_scoped3A : memref<!tpu.dma_semaphore, #tpu.memory_space<semaphore_mem>>) src(%dma_wait3A_67 : memref<640x128xf32, #tpu.memory_space<vmem_shared>>) dst(%dma_wait3A_65 : memref<640x128xf32, #tpu.memory_space<hbm>>)
      tpu.yield
    }) : () -> ()
    %add3A_41 = arith.constant 64 : i32
    %add3A_42 = arith.addi %add3A_41, %add3A : i32
    "tpu.region"() ({
      %run_scoped3A = tpu.sem_alloc : memref<!tpu.dma_semaphore, #tpu.memory_space<semaphore_mem>>
      %dma_start3A = arith.constant 0 : i32
      %dma_start3A_62 = arith.constant 0 : i32
      %dma_start3A_63 = tpu.memref_slice %arg3[%add3A_42, %dma_start3A, %dma_start3A_62] : memref<96x80x125xi32, #tpu.memory_space<hbm>> -> memref<1x80x125xi32, #tpu.memory_space<hbm>>
      %dma_start3A_64 = tpu.memref_squeeze %dma_start3A_63 : memref<1x80x125xi32, #tpu.memory_space<hbm>> -> memref<80x125xi32, #tpu.memory_space<hbm>>
      %dma_start3A_65 = arith.constant 0 : i32
      %dma_start3A_66 = arith.constant 0 : i32
      %dma_start3A_67 = tpu.memref_slice %arg3[%add3A_42, %dma_start3A_65, %dma_start3A_66] : memref<96x80x125xi32, #tpu.memory_space<hbm>> -> memref<1x80x125xi32, #tpu.memory_space<hbm>>
      %dma_start3A_68 = tpu.memref_squeeze %dma_start3A_67 : memref<1x80x125xi32, #tpu.memory_space<hbm>> -> memref<80x125xi32, #tpu.memory_space<hbm>>
      tpu.enqueue_dma source(%dma_start3A_68 : memref<80x125xi32, #tpu.memory_space<hbm>>) target(%arg7 : memref<80x125xi32, #tpu.memory_space<vmem>>) target_semaphore(%run_scoped3A : memref<!tpu.dma_semaphore, #tpu.memory_space<semaphore_mem>>)
      %dma_wait3A = arith.constant 0 : i32
      %dma_wait3A_69 = arith.constant 0 : i32
      %dma_wait3A_70 = tpu.memref_slice %arg3[%add3A_42, %dma_wait3A, %dma_wait3A_69] : memref<96x80x125xi32, #tpu.memory_space<hbm>> -> memref<1x80x125xi32, #tpu.memory_space<hbm>>
      %dma_wait3A_71 = tpu.memref_squeeze %dma_wait3A_70 : memref<1x80x125xi32, #tpu.memory_space<hbm>> -> memref<80x125xi32, #tpu.memory_space<hbm>>
      %dma_wait3A_72 = arith.constant 0 : i32
      %dma_wait3A_73 = arith.constant 0 : i32
      %dma_wait3A_74 = tpu.memref_slice %arg3[%add3A_42, %dma_wait3A_72, %dma_wait3A_73] : memref<96x80x125xi32, #tpu.memory_space<hbm>> -> memref<1x80x125xi32, #tpu.memory_space<hbm>>
      %dma_wait3A_75 = tpu.memref_squeeze %dma_wait3A_74 : memref<1x80x125xi32, #tpu.memory_space<hbm>> -> memref<80x125xi32, #tpu.memory_space<hbm>>
      tpu.wait_dma2 semaphore(%run_scoped3A : memref<!tpu.dma_semaphore, #tpu.memory_space<semaphore_mem>>) src(%dma_wait3A_75 : memref<80x125xi32, #tpu.memory_space<hbm>>) dst(%arg7 : memref<80x125xi32, #tpu.memory_space<vmem>>)
      tpu.yield
    }) : () -> ()
    %mul3A_43 = arith.constant 640 : i32
    %mul3A_44 = arith.muli %arg1, %mul3A_43 : i32
    "tpu.region"() ({
      %run_scoped3A = tpu.sem_alloc : memref<!tpu.dma_semaphore, #tpu.memory_space<semaphore_mem>>
      %dma_start3A = arith.constant 0 : i32
      %dma_start3A_62 = tpu.memref_slice %arg10[%mul3A_44, %dma_start3A] : memref<10240x128xf32, #tpu.memory_space<vmem_shared>> -> memref<640x128xf32, #tpu.memory_space<vmem_shared>>
      tpu.enqueue_dma source(%arg5 : memref<640x128xf32, #tpu.memory_space<hbm>>) target(%dma_start3A_62 : memref<640x128xf32, #tpu.memory_space<vmem_shared>>) target_semaphore(%run_scoped3A : memref<!tpu.dma_semaphore, #tpu.memory_space<semaphore_mem>>)
      %dma_wait3A = arith.constant 0 : i32
      %dma_wait3A_63 = tpu.memref_slice %arg10[%mul3A_44, %dma_wait3A] : memref<10240x128xf32, #tpu.memory_space<vmem_shared>> -> memref<640x128xf32, #tpu.memory_space<vmem_shared>>
      tpu.wait_dma2 semaphore(%run_scoped3A : memref<!tpu.dma_semaphore, #tpu.memory_space<semaphore_mem>>) src(%arg5 : memref<640x128xf32, #tpu.memory_space<hbm>>) dst(%dma_wait3A_63 : memref<640x128xf32, #tpu.memory_space<vmem_shared>>)
      tpu.yield
    }) : () -> ()
    %barrier3A_45 = arith.constant 0 : index
    tpu.barrier barrier_id(%barrier3A_45)
    %scan3A_46 = arith.constant 0 : i32
    %scan3A_47 = arith.constant 0 : i32
    %scan3A_48 = arith.constant 80 : i32
    %scan3A_49 = arith.addi %scan3A_47, %scan3A_48 : i32
    %scan3A_50 = arith.constant 1 : i32
    scf.for %scan3A_62 = %scan3A_47 to %scan3A_49 step %scan3A_50  : i32 {
      %dma_start3A = arith.constant 0 : i32
      %dma_start3A_63 = tpu.memref_slice %arg7[%scan3A_62, %dma_start3A] : memref<80x125xi32, #tpu.memory_space<vmem>> -> memref<1x125xi32, #tpu.memory_space<vmem>>
      %dma_start3A_64 = tpu.memref_squeeze %dma_start3A_63 : memref<1x125xi32, #tpu.memory_space<vmem>> -> memref<125xi32, #tpu.memory_space<vmem>>
      %dma_start3A_65 = arith.constant 0 : i32
      %dma_start3A_66 = arith.constant 0 : i32
      %dma_start3A_67 = tpu.memref_slice %arg2[%dma_start3A_65, %dma_start3A_66] : memref<30000x128xf32, #tpu.memory_space<hbm>> -> memref<30000x128xf32, #tpu.memory_space<hbm>>
      tpu.enqueue_indirect_dma source(%dma_start3A_67 : memref<30000x128xf32, #tpu.memory_space<hbm>>) target(%arg9 : memref<125x128xf32, #tpu.memory_space<vmem>>) offsets(%dma_start3A_64 : memref<125xi32, #tpu.memory_space<vmem>>) semaphore(%arg11 : memref<!tpu.dma_semaphore, #tpu.memory_space<semaphore_mem>>)
      %dma_wait3A = arith.constant 0 : i32
      %dma_wait3A_68 = tpu.memref_slice %arg7[%scan3A_62, %dma_wait3A] : memref<80x125xi32, #tpu.memory_space<vmem>> -> memref<1x125xi32, #tpu.memory_space<vmem>>
      %dma_wait3A_69 = tpu.memref_squeeze %dma_wait3A_68 : memref<1x125xi32, #tpu.memory_space<vmem>> -> memref<125xi32, #tpu.memory_space<vmem>>
      %dma_wait3A_70 = arith.constant 0 : i32
      %dma_wait3A_71 = arith.constant 0 : i32
      %dma_wait3A_72 = tpu.memref_slice %arg2[%dma_wait3A_70, %dma_wait3A_71] : memref<30000x128xf32, #tpu.memory_space<hbm>> -> memref<30000x128xf32, #tpu.memory_space<hbm>>
      tpu.wait_indirect_dma semaphore(%arg11 : memref<!tpu.dma_semaphore, #tpu.memory_space<semaphore_mem>>) src(%dma_wait3A_72 : memref<30000x128xf32, #tpu.memory_space<hbm>>) dst(%arg9 : memref<125x128xf32, #tpu.memory_space<vmem>>)
      "tpu.region"() ({
        %run_scoped3A = tpu.sem_alloc : memref<!tpu.dma_semaphore, #tpu.memory_space<semaphore_mem>>
        %dma_start3A_73 = arith.constant 0 : i32
        %dma_start3A_74 = tpu.memref_slice %arg8[%scan3A_62, %dma_start3A_73] : memref<80x125xi32, #tpu.memory_space<vmem>> -> memref<1x125xi32, #tpu.memory_space<vmem>>
        %dma_start3A_75 = tpu.memref_squeeze %dma_start3A_74 : memref<1x125xi32, #tpu.memory_space<vmem>> -> memref<125xi32, #tpu.memory_space<vmem>>
        %dma_start3A_76 = arith.constant 0 : i32
        %dma_start3A_77 = arith.constant 0 : i32
        %dma_start3A_78 = tpu.memref_slice %arg10[%dma_start3A_76, %dma_start3A_77] : memref<10240x128xf32, #tpu.memory_space<vmem_shared>> -> memref<10240x128xf32, #tpu.memory_space<vmem_shared>>
        tpu.enqueue_indirect_dma source(%arg9 : memref<125x128xf32, #tpu.memory_space<vmem>>) target(%dma_start3A_78 : memref<10240x128xf32, #tpu.memory_space<vmem_shared>>) offsets(%dma_start3A_75 : memref<125xi32, #tpu.memory_space<vmem>>) semaphore(%run_scoped3A : memref<!tpu.dma_semaphore, #tpu.memory_space<semaphore_mem>>) {add = true}
        %dma_wait3A_79 = arith.constant 0 : i32
        %dma_wait3A_80 = tpu.memref_slice %arg8[%scan3A_62, %dma_wait3A_79] : memref<80x125xi32, #tpu.memory_space<vmem>> -> memref<1x125xi32, #tpu.memory_space<vmem>>
        %dma_wait3A_81 = tpu.memref_squeeze %dma_wait3A_80 : memref<1x125xi32, #tpu.memory_space<vmem>> -> memref<125xi32, #tpu.memory_space<vmem>>
        %dma_wait3A_82 = arith.constant 0 : i32
        %dma_wait3A_83 = arith.constant 0 : i32
        %dma_wait3A_84 = tpu.memref_slice %arg10[%dma_wait3A_82, %dma_wait3A_83] : memref<10240x128xf32, #tpu.memory_space<vmem_shared>> -> memref<10240x128xf32, #tpu.memory_space<vmem_shared>>
        tpu.wait_indirect_dma semaphore(%run_scoped3A : memref<!tpu.dma_semaphore, #tpu.memory_space<semaphore_mem>>) src(%arg9 : memref<125x128xf32, #tpu.memory_space<vmem>>) dst(%dma_wait3A_84 : memref<10240x128xf32, #tpu.memory_space<vmem_shared>>)
        tpu.yield
      }) : () -> ()
    }
    %scan3A_51 = arith.constant 80 : i32
    %barrier3A_52 = arith.constant 0 : index
    tpu.barrier barrier_id(%barrier3A_52)
    %add3A_53 = arith.constant 4 : i32
    %add3A_54 = arith.addi %add3A_53, %arg0 : i32
    %mul3A_55 = arith.constant 10240 : i32
    %mul3A_56 = arith.muli %add3A_54, %mul3A_55 : i32
    %mul3A_57 = arith.constant 640 : i32
    %mul3A_58 = arith.muli %arg1, %mul3A_57 : i32
    %add3A_59 = arith.addi %mul3A_56, %mul3A_58 : i32
    %mul3A_60 = arith.constant 640 : i32
    %mul3A_61 = arith.muli %arg1, %mul3A_60 : i32
    "tpu.region"() ({
      %run_scoped3A = tpu.sem_alloc : memref<!tpu.dma_semaphore, #tpu.memory_space<semaphore_mem>>
      %dma_start3A = arith.constant 0 : i32
      %dma_start3A_62 = tpu.memref_slice %arg6[%add3A_59, %dma_start3A] : memref<61440x128xf32, #tpu.memory_space<hbm>> -> memref<640x128xf32, #tpu.memory_space<hbm>>
      %dma_start3A_63 = arith.constant 0 : i32
      %dma_start3A_64 = tpu.memref_slice %arg10[%mul3A_61, %dma_start3A_63] : memref<10240x128xf32, #tpu.memory_space<vmem_shared>> -> memref<640x128xf32, #tpu.memory_space<vmem_shared>>
      tpu.enqueue_dma source(%dma_start3A_64 : memref<640x128xf32, #tpu.memory_space<vmem_shared>>) target(%dma_start3A_62 : memref<640x128xf32, #tpu.memory_space<hbm>>) target_semaphore(%run_scoped3A : memref<!tpu.dma_semaphore, #tpu.memory_space<semaphore_mem>>)
      %dma_wait3A = arith.constant 0 : i32
      %dma_wait3A_65 = tpu.memref_slice %arg6[%add3A_59, %dma_wait3A] : memref<61440x128xf32, #tpu.memory_space<hbm>> -> memref<640x128xf32, #tpu.memory_space<hbm>>
      %dma_wait3A_66 = arith.constant 0 : i32
      %dma_wait3A_67 = tpu.memref_slice %arg10[%mul3A_61, %dma_wait3A_66] : memref<10240x128xf32, #tpu.memory_space<vmem_shared>> -> memref<640x128xf32, #tpu.memory_space<vmem_shared>>
      tpu.wait_dma2 semaphore(%run_scoped3A : memref<!tpu.dma_semaphore, #tpu.memory_space<semaphore_mem>>) src(%dma_wait3A_67 : memref<640x128xf32, #tpu.memory_space<vmem_shared>>) dst(%dma_wait3A_65 : memref<640x128xf32, #tpu.memory_space<hbm>>)
      tpu.yield
    }) : () -> ()
    return
  }
}

#map = affine_map<(d0, d1) -> (0, 0)>
#map1 = affine_map<(d0, d1) -> (0, 0, 0)>
module attributes {stable_mosaic.version = 14 : i64} {
  func.func @_sc_segsum(%arg0: i32, %arg1: i32, %arg2: memref<30000x128xf32, #tpu.memory_space<hbm>>, %arg3: memref<96x80x125xi32, #tpu.memory_space<hbm>>, %arg4: memref<32x80x125xi32, #tpu.memory_space<hbm>>, %arg5: memref<640x128xf32, #tpu.memory_space<hbm>>, %arg6: memref<61440x128xf32, #tpu.memory_space<hbm>>, %arg7: memref<80x125xi32, #tpu.memory_space<vmem>>, %arg8: memref<80x125xi32, #tpu.memory_space<vmem>>, %arg9: memref<125x128xf32, #tpu.memory_space<vmem>>, %arg10: memref<10240x128xf32, #tpu.memory_space<vmem_shared>>, %arg11: memref<!tpu.dma_semaphore, #tpu.memory_space<semaphore_mem>>) attributes {dimension_semantics = [#tpu.dimension_semantics<core_parallel>, #tpu.dimension_semantics<subcore_parallel>], iteration_bounds = array<i64: 2, 16>, scalar_prefetch = 0 : i64, scratch_operands = 5 : i64, tpu.core_type = #tpu.core_type<sc_vector_subcore>, window_params = [{transform_indices = #map}, {transform_indices = #map1}, {transform_indices = #map1}, {transform_indices = #map}, {transform_indices = #map}]} {
    %mul3A = arith.constant 16 : i32
    %mul3A_0 = arith.muli %arg0, %mul3A : i32
    %add3A = arith.addi %mul3A_0, %arg1 : i32
    "tpu.region"() ({
      %run_scoped3A = tpu.sem_alloc : memref<!tpu.dma_semaphore, #tpu.memory_space<semaphore_mem>>
      %dma_start3A = arith.constant 0 : i32
      %dma_start3A_62 = arith.constant 0 : i32
      %dma_start3A_63 = tpu.memref_slice %arg4[%add3A, %dma_start3A, %dma_start3A_62] : memref<32x80x125xi32, #tpu.memory_space<hbm>> -> memref<1x80x125xi32, #tpu.memory_space<hbm>>
      %dma_start3A_64 = tpu.memref_squeeze %dma_start3A_63 : memref<1x80x125xi32, #tpu.memory_space<hbm>> -> memref<80x125xi32, #tpu.memory_space<hbm>>
      %dma_start3A_65 = arith.constant 0 : i32
      %dma_start3A_66 = arith.constant 0 : i32
      %dma_start3A_67 = tpu.memref_slice %arg4[%add3A, %dma_start3A_65, %dma_start3A_66] : memref<32x80x125xi32, #tpu.memory_space<hbm>> -> memref<1x80x125xi32, #tpu.memory_space<hbm>>
      %dma_start3A_68 = tpu.memref_squeeze %dma_start3A_67 : memref<1x80x125xi32, #tpu.memory_space<hbm>> -> memref<80x125xi32, #tpu.memory_space<hbm>>
      tpu.enqueue_dma source(%dma_start3A_68 : memref<80x125xi32, #tpu.memory_space<hbm>>) target(%arg8 : memref<80x125xi32, #tpu.memory_space<vmem>>) target_semaphore(%run_scoped3A : memref<!tpu.dma_semaphore, #tpu.memory_space<semaphore_mem>>)
      %dma_wait3A = arith.constant 0 : i32
      %dma_wait3A_69 = arith.constant 0 : i32
      %dma_wait3A_70 = tpu.memref_slice %arg4[%add3A, %dma_wait3A, %dma_wait3A_69] : memref<32x80x125xi32, #tpu.memory_space<hbm>> -> memref<1x80x125xi32, #tpu.memory_space<hbm>>
      %dma_wait3A_71 = tpu.memref_squeeze %dma_wait3A_70 : memref<1x80x125xi32, #tpu.memory_space<hbm>> -> memref<80x125xi32, #tpu.memory_space<hbm>>
      %dma_wait3A_72 = arith.constant 0 : i32
      %dma_wait3A_73 = arith.constant 0 : i32
      %dma_wait3A_74 = tpu.memref_slice %arg4[%add3A, %dma_wait3A_72, %dma_wait3A_73] : memref<32x80x125xi32, #tpu.memory_space<hbm>> -> memref<1x80x125xi32, #tpu.memory_space<hbm>>
      %dma_wait3A_75 = tpu.memref_squeeze %dma_wait3A_74 : memref<1x80x125xi32, #tpu.memory_space<hbm>> -> memref<80x125xi32, #tpu.memory_space<hbm>>
      tpu.wait_dma2 semaphore(%run_scoped3A : memref<!tpu.dma_semaphore, #tpu.memory_space<semaphore_mem>>) src(%dma_wait3A_75 : memref<80x125xi32, #tpu.memory_space<hbm>>) dst(%arg8 : memref<80x125xi32, #tpu.memory_space<vmem>>)
      tpu.yield
    }) : () -> ()
    %add3A_1 = arith.constant 0 : i32
    %add3A_2 = arith.addi %add3A_1, %add3A : i32
    "tpu.region"() ({
      %run_scoped3A = tpu.sem_alloc : memref<!tpu.dma_semaphore, #tpu.memory_space<semaphore_mem>>
      %dma_start3A = arith.constant 0 : i32
      %dma_start3A_62 = arith.constant 0 : i32
      %dma_start3A_63 = tpu.memref_slice %arg3[%add3A_2, %dma_start3A, %dma_start3A_62] : memref<96x80x125xi32, #tpu.memory_space<hbm>> -> memref<1x80x125xi32, #tpu.memory_space<hbm>>
      %dma_start3A_64 = tpu.memref_squeeze %dma_start3A_63 : memref<1x80x125xi32, #tpu.memory_space<hbm>> -> memref<80x125xi32, #tpu.memory_space<hbm>>
      %dma_start3A_65 = arith.constant 0 : i32
      %dma_start3A_66 = arith.constant 0 : i32
      %dma_start3A_67 = tpu.memref_slice %arg3[%add3A_2, %dma_start3A_65, %dma_start3A_66] : memref<96x80x125xi32, #tpu.memory_space<hbm>> -> memref<1x80x125xi32, #tpu.memory_space<hbm>>
      %dma_start3A_68 = tpu.memref_squeeze %dma_start3A_67 : memref<1x80x125xi32, #tpu.memory_space<hbm>> -> memref<80x125xi32, #tpu.memory_space<hbm>>
      tpu.enqueue_dma source(%dma_start3A_68 : memref<80x125xi32, #tpu.memory_space<hbm>>) target(%arg7 : memref<80x125xi32, #tpu.memory_space<vmem>>) target_semaphore(%run_scoped3A : memref<!tpu.dma_semaphore, #tpu.memory_space<semaphore_mem>>)
      %dma_wait3A = arith.constant 0 : i32
      %dma_wait3A_69 = arith.constant 0 : i32
      %dma_wait3A_70 = tpu.memref_slice %arg3[%add3A_2, %dma_wait3A, %dma_wait3A_69] : memref<96x80x125xi32, #tpu.memory_space<hbm>> -> memref<1x80x125xi32, #tpu.memory_space<hbm>>
      %dma_wait3A_71 = tpu.memref_squeeze %dma_wait3A_70 : memref<1x80x125xi32, #tpu.memory_space<hbm>> -> memref<80x125xi32, #tpu.memory_space<hbm>>
      %dma_wait3A_72 = arith.constant 0 : i32
      %dma_wait3A_73 = arith.constant 0 : i32
      %dma_wait3A_74 = tpu.memref_slice %arg3[%add3A_2, %dma_wait3A_72, %dma_wait3A_73] : memref<96x80x125xi32, #tpu.memory_space<hbm>> -> memref<1x80x125xi32, #tpu.memory_space<hbm>>
      %dma_wait3A_75 = tpu.memref_squeeze %dma_wait3A_74 : memref<1x80x125xi32, #tpu.memory_space<hbm>> -> memref<80x125xi32, #tpu.memory_space<hbm>>
      tpu.wait_dma2 semaphore(%run_scoped3A : memref<!tpu.dma_semaphore, #tpu.memory_space<semaphore_mem>>) src(%dma_wait3A_75 : memref<80x125xi32, #tpu.memory_space<hbm>>) dst(%arg7 : memref<80x125xi32, #tpu.memory_space<vmem>>)
      tpu.yield
    }) : () -> ()
    %mul3A_3 = arith.constant 640 : i32
    %mul3A_4 = arith.muli %arg1, %mul3A_3 : i32
    "tpu.region"() ({
      %run_scoped3A = tpu.sem_alloc : memref<!tpu.dma_semaphore, #tpu.memory_space<semaphore_mem>>
      %dma_start3A = arith.constant 0 : i32
      %dma_start3A_62 = tpu.memref_slice %arg10[%mul3A_4, %dma_start3A] : memref<10240x128xf32, #tpu.memory_space<vmem_shared>> -> memref<640x128xf32, #tpu.memory_space<vmem_shared>>
      tpu.enqueue_dma source(%arg5 : memref<640x128xf32, #tpu.memory_space<hbm>>) target(%dma_start3A_62 : memref<640x128xf32, #tpu.memory_space<vmem_shared>>) target_semaphore(%run_scoped3A : memref<!tpu.dma_semaphore, #tpu.memory_space<semaphore_mem>>)
      %dma_wait3A = arith.constant 0 : i32
      %dma_wait3A_63 = tpu.memref_slice %arg10[%mul3A_4, %dma_wait3A] : memref<10240x128xf32, #tpu.memory_space<vmem_shared>> -> memref<640x128xf32, #tpu.memory_space<vmem_shared>>
      tpu.wait_dma2 semaphore(%run_scoped3A : memref<!tpu.dma_semaphore, #tpu.memory_space<semaphore_mem>>) src(%arg5 : memref<640x128xf32, #tpu.memory_space<hbm>>) dst(%dma_wait3A_63 : memref<640x128xf32, #tpu.memory_space<vmem_shared>>)
      tpu.yield
    }) : () -> ()
    %barrier3A = arith.constant 0 : index
    tpu.barrier barrier_id(%barrier3A)
    %scan3A = arith.constant 0 : i32
    %scan3A_5 = arith.constant 0 : i32
    %scan3A_6 = arith.constant 80 : i32
    %scan3A_7 = arith.addi %scan3A_5, %scan3A_6 : i32
    %scan3A_8 = arith.constant 1 : i32
    scf.for %scan3A_62 = %scan3A_5 to %scan3A_7 step %scan3A_8  : i32 {
      %dma_start3A = arith.constant 0 : i32
      %dma_start3A_63 = tpu.memref_slice %arg7[%scan3A_62, %dma_start3A] : memref<80x125xi32, #tpu.memory_space<vmem>> -> memref<1x125xi32, #tpu.memory_space<vmem>>
      %dma_start3A_64 = tpu.memref_squeeze %dma_start3A_63 : memref<1x125xi32, #tpu.memory_space<vmem>> -> memref<125xi32, #tpu.memory_space<vmem>>
      %dma_start3A_65 = arith.constant 0 : i32
      %dma_start3A_66 = arith.constant 0 : i32
      %dma_start3A_67 = tpu.memref_slice %arg2[%dma_start3A_65, %dma_start3A_66] : memref<30000x128xf32, #tpu.memory_space<hbm>> -> memref<30000x128xf32, #tpu.memory_space<hbm>>
      tpu.enqueue_indirect_dma source(%dma_start3A_67 : memref<30000x128xf32, #tpu.memory_space<hbm>>) target(%arg9 : memref<125x128xf32, #tpu.memory_space<vmem>>) offsets(%dma_start3A_64 : memref<125xi32, #tpu.memory_space<vmem>>) semaphore(%arg11 : memref<!tpu.dma_semaphore, #tpu.memory_space<semaphore_mem>>)
      %dma_wait3A = arith.constant 0 : i32
      %dma_wait3A_68 = tpu.memref_slice %arg7[%scan3A_62, %dma_wait3A] : memref<80x125xi32, #tpu.memory_space<vmem>> -> memref<1x125xi32, #tpu.memory_space<vmem>>
      %dma_wait3A_69 = tpu.memref_squeeze %dma_wait3A_68 : memref<1x125xi32, #tpu.memory_space<vmem>> -> memref<125xi32, #tpu.memory_space<vmem>>
      %dma_wait3A_70 = arith.constant 0 : i32
      %dma_wait3A_71 = arith.constant 0 : i32
      %dma_wait3A_72 = tpu.memref_slice %arg2[%dma_wait3A_70, %dma_wait3A_71] : memref<30000x128xf32, #tpu.memory_space<hbm>> -> memref<30000x128xf32, #tpu.memory_space<hbm>>
      tpu.wait_indirect_dma semaphore(%arg11 : memref<!tpu.dma_semaphore, #tpu.memory_space<semaphore_mem>>) src(%dma_wait3A_72 : memref<30000x128xf32, #tpu.memory_space<hbm>>) dst(%arg9 : memref<125x128xf32, #tpu.memory_space<vmem>>)
      "tpu.region"() ({
        %run_scoped3A = tpu.sem_alloc : memref<!tpu.dma_semaphore, #tpu.memory_space<semaphore_mem>>
        %dma_start3A_73 = arith.constant 0 : i32
        %dma_start3A_74 = tpu.memref_slice %arg8[%scan3A_62, %dma_start3A_73] : memref<80x125xi32, #tpu.memory_space<vmem>> -> memref<1x125xi32, #tpu.memory_space<vmem>>
        %dma_start3A_75 = tpu.memref_squeeze %dma_start3A_74 : memref<1x125xi32, #tpu.memory_space<vmem>> -> memref<125xi32, #tpu.memory_space<vmem>>
        %dma_start3A_76 = arith.constant 0 : i32
        %dma_start3A_77 = arith.constant 0 : i32
        %dma_start3A_78 = tpu.memref_slice %arg10[%dma_start3A_76, %dma_start3A_77] : memref<10240x128xf32, #tpu.memory_space<vmem_shared>> -> memref<10240x128xf32, #tpu.memory_space<vmem_shared>>
        tpu.enqueue_indirect_dma source(%arg9 : memref<125x128xf32, #tpu.memory_space<vmem>>) target(%dma_start3A_78 : memref<10240x128xf32, #tpu.memory_space<vmem_shared>>) offsets(%dma_start3A_75 : memref<125xi32, #tpu.memory_space<vmem>>) semaphore(%run_scoped3A : memref<!tpu.dma_semaphore, #tpu.memory_space<semaphore_mem>>) {add = true}
        %dma_wait3A_79 = arith.constant 0 : i32
        %dma_wait3A_80 = tpu.memref_slice %arg8[%scan3A_62, %dma_wait3A_79] : memref<80x125xi32, #tpu.memory_space<vmem>> -> memref<1x125xi32, #tpu.memory_space<vmem>>
        %dma_wait3A_81 = tpu.memref_squeeze %dma_wait3A_80 : memref<1x125xi32, #tpu.memory_space<vmem>> -> memref<125xi32, #tpu.memory_space<vmem>>
        %dma_wait3A_82 = arith.constant 0 : i32
        %dma_wait3A_83 = arith.constant 0 : i32
        %dma_wait3A_84 = tpu.memref_slice %arg10[%dma_wait3A_82, %dma_wait3A_83] : memref<10240x128xf32, #tpu.memory_space<vmem_shared>> -> memref<10240x128xf32, #tpu.memory_space<vmem_shared>>
        tpu.wait_indirect_dma semaphore(%run_scoped3A : memref<!tpu.dma_semaphore, #tpu.memory_space<semaphore_mem>>) src(%arg9 : memref<125x128xf32, #tpu.memory_space<vmem>>) dst(%dma_wait3A_84 : memref<10240x128xf32, #tpu.memory_space<vmem_shared>>)
        tpu.yield
      }) : () -> ()
    }
    %scan3A_9 = arith.constant 80 : i32
    %barrier3A_10 = arith.constant 0 : index
    tpu.barrier barrier_id(%barrier3A_10)
    %add3A_11 = arith.constant 0 : i32
    %add3A_12 = arith.addi %add3A_11, %arg0 : i32
    %mul3A_13 = arith.constant 10240 : i32
    %mul3A_14 = arith.muli %add3A_12, %mul3A_13 : i32
    %mul3A_15 = arith.constant 640 : i32
    %mul3A_16 = arith.muli %arg1, %mul3A_15 : i32
    %add3A_17 = arith.addi %mul3A_14, %mul3A_16 : i32
    %mul3A_18 = arith.constant 640 : i32
    %mul3A_19 = arith.muli %arg1, %mul3A_18 : i32
    "tpu.region"() ({
      %run_scoped3A = tpu.sem_alloc : memref<!tpu.dma_semaphore, #tpu.memory_space<semaphore_mem>>
      %dma_start3A = arith.constant 0 : i32
      %dma_start3A_62 = tpu.memref_slice %arg6[%add3A_17, %dma_start3A] : memref<61440x128xf32, #tpu.memory_space<hbm>> -> memref<640x128xf32, #tpu.memory_space<hbm>>
      %dma_start3A_63 = arith.constant 0 : i32
      %dma_start3A_64 = tpu.memref_slice %arg10[%mul3A_19, %dma_start3A_63] : memref<10240x128xf32, #tpu.memory_space<vmem_shared>> -> memref<640x128xf32, #tpu.memory_space<vmem_shared>>
      tpu.enqueue_dma source(%dma_start3A_64 : memref<640x128xf32, #tpu.memory_space<vmem_shared>>) target(%dma_start3A_62 : memref<640x128xf32, #tpu.memory_space<hbm>>) target_semaphore(%run_scoped3A : memref<!tpu.dma_semaphore, #tpu.memory_space<semaphore_mem>>)
      %dma_wait3A = arith.constant 0 : i32
      %dma_wait3A_65 = tpu.memref_slice %arg6[%add3A_17, %dma_wait3A] : memref<61440x128xf32, #tpu.memory_space<hbm>> -> memref<640x128xf32, #tpu.memory_space<hbm>>
      %dma_wait3A_66 = arith.constant 0 : i32
      %dma_wait3A_67 = tpu.memref_slice %arg10[%mul3A_19, %dma_wait3A_66] : memref<10240x128xf32, #tpu.memory_space<vmem_shared>> -> memref<640x128xf32, #tpu.memory_space<vmem_shared>>
      tpu.wait_dma2 semaphore(%run_scoped3A : memref<!tpu.dma_semaphore, #tpu.memory_space<semaphore_mem>>) src(%dma_wait3A_67 : memref<640x128xf32, #tpu.memory_space<vmem_shared>>) dst(%dma_wait3A_65 : memref<640x128xf32, #tpu.memory_space<hbm>>)
      tpu.yield
    }) : () -> ()
    %add3A_20 = arith.constant 32 : i32
    %add3A_21 = arith.addi %add3A_20, %add3A : i32
    "tpu.region"() ({
      %run_scoped3A = tpu.sem_alloc : memref<!tpu.dma_semaphore, #tpu.memory_space<semaphore_mem>>
      %dma_start3A = arith.constant 0 : i32
      %dma_start3A_62 = arith.constant 0 : i32
      %dma_start3A_63 = tpu.memref_slice %arg3[%add3A_21, %dma_start3A, %dma_start3A_62] : memref<96x80x125xi32, #tpu.memory_space<hbm>> -> memref<1x80x125xi32, #tpu.memory_space<hbm>>
      %dma_start3A_64 = tpu.memref_squeeze %dma_start3A_63 : memref<1x80x125xi32, #tpu.memory_space<hbm>> -> memref<80x125xi32, #tpu.memory_space<hbm>>
      %dma_start3A_65 = arith.constant 0 : i32
      %dma_start3A_66 = arith.constant 0 : i32
      %dma_start3A_67 = tpu.memref_slice %arg3[%add3A_21, %dma_start3A_65, %dma_start3A_66] : memref<96x80x125xi32, #tpu.memory_space<hbm>> -> memref<1x80x125xi32, #tpu.memory_space<hbm>>
      %dma_start3A_68 = tpu.memref_squeeze %dma_start3A_67 : memref<1x80x125xi32, #tpu.memory_space<hbm>> -> memref<80x125xi32, #tpu.memory_space<hbm>>
      tpu.enqueue_dma source(%dma_start3A_68 : memref<80x125xi32, #tpu.memory_space<hbm>>) target(%arg7 : memref<80x125xi32, #tpu.memory_space<vmem>>) target_semaphore(%run_scoped3A : memref<!tpu.dma_semaphore, #tpu.memory_space<semaphore_mem>>)
      %dma_wait3A = arith.constant 0 : i32
      %dma_wait3A_69 = arith.constant 0 : i32
      %dma_wait3A_70 = tpu.memref_slice %arg3[%add3A_21, %dma_wait3A, %dma_wait3A_69] : memref<96x80x125xi32, #tpu.memory_space<hbm>> -> memref<1x80x125xi32, #tpu.memory_space<hbm>>
      %dma_wait3A_71 = tpu.memref_squeeze %dma_wait3A_70 : memref<1x80x125xi32, #tpu.memory_space<hbm>> -> memref<80x125xi32, #tpu.memory_space<hbm>>
      %dma_wait3A_72 = arith.constant 0 : i32
      %dma_wait3A_73 = arith.constant 0 : i32
      %dma_wait3A_74 = tpu.memref_slice %arg3[%add3A_21, %dma_wait3A_72, %dma_wait3A_73] : memref<96x80x125xi32, #tpu.memory_space<hbm>> -> memref<1x80x125xi32, #tpu.memory_space<hbm>>
      %dma_wait3A_75 = tpu.memref_squeeze %dma_wait3A_74 : memref<1x80x125xi32, #tpu.memory_space<hbm>> -> memref<80x125xi32, #tpu.memory_space<hbm>>
      tpu.wait_dma2 semaphore(%run_scoped3A : memref<!tpu.dma_semaphore, #tpu.memory_space<semaphore_mem>>) src(%dma_wait3A_75 : memref<80x125xi32, #tpu.memory_space<hbm>>) dst(%arg7 : memref<80x125xi32, #tpu.memory_space<vmem>>)
      tpu.yield
    }) : () -> ()
    %mul3A_22 = arith.constant 640 : i32
    %mul3A_23 = arith.muli %arg1, %mul3A_22 : i32
    "tpu.region"() ({
      %run_scoped3A = tpu.sem_alloc : memref<!tpu.dma_semaphore, #tpu.memory_space<semaphore_mem>>
      %dma_start3A = arith.constant 0 : i32
      %dma_start3A_62 = tpu.memref_slice %arg10[%mul3A_23, %dma_start3A] : memref<10240x128xf32, #tpu.memory_space<vmem_shared>> -> memref<640x128xf32, #tpu.memory_space<vmem_shared>>
      tpu.enqueue_dma source(%arg5 : memref<640x128xf32, #tpu.memory_space<hbm>>) target(%dma_start3A_62 : memref<640x128xf32, #tpu.memory_space<vmem_shared>>) target_semaphore(%run_scoped3A : memref<!tpu.dma_semaphore, #tpu.memory_space<semaphore_mem>>)
      %dma_wait3A = arith.constant 0 : i32
      %dma_wait3A_63 = tpu.memref_slice %arg10[%mul3A_23, %dma_wait3A] : memref<10240x128xf32, #tpu.memory_space<vmem_shared>> -> memref<640x128xf32, #tpu.memory_space<vmem_shared>>
      tpu.wait_dma2 semaphore(%run_scoped3A : memref<!tpu.dma_semaphore, #tpu.memory_space<semaphore_mem>>) src(%arg5 : memref<640x128xf32, #tpu.memory_space<hbm>>) dst(%dma_wait3A_63 : memref<640x128xf32, #tpu.memory_space<vmem_shared>>)
      tpu.yield
    }) : () -> ()
    %barrier3A_24 = arith.constant 0 : index
    tpu.barrier barrier_id(%barrier3A_24)
    %scan3A_25 = arith.constant 0 : i32
    %scan3A_26 = arith.constant 0 : i32
    %scan3A_27 = arith.constant 80 : i32
    %scan3A_28 = arith.addi %scan3A_26, %scan3A_27 : i32
    %scan3A_29 = arith.constant 1 : i32
    scf.for %scan3A_62 = %scan3A_26 to %scan3A_28 step %scan3A_29  : i32 {
      %dma_start3A = arith.constant 0 : i32
      %dma_start3A_63 = tpu.memref_slice %arg7[%scan3A_62, %dma_start3A] : memref<80x125xi32, #tpu.memory_space<vmem>> -> memref<1x125xi32, #tpu.memory_space<vmem>>
      %dma_start3A_64 = tpu.memref_squeeze %dma_start3A_63 : memref<1x125xi32, #tpu.memory_space<vmem>> -> memref<125xi32, #tpu.memory_space<vmem>>
      %dma_start3A_65 = arith.constant 0 : i32
      %dma_start3A_66 = arith.constant 0 : i32
      %dma_start3A_67 = tpu.memref_slice %arg2[%dma_start3A_65, %dma_start3A_66] : memref<30000x128xf32, #tpu.memory_space<hbm>> -> memref<30000x128xf32, #tpu.memory_space<hbm>>
      tpu.enqueue_indirect_dma source(%dma_start3A_67 : memref<30000x128xf32, #tpu.memory_space<hbm>>) target(%arg9 : memref<125x128xf32, #tpu.memory_space<vmem>>) offsets(%dma_start3A_64 : memref<125xi32, #tpu.memory_space<vmem>>) semaphore(%arg11 : memref<!tpu.dma_semaphore, #tpu.memory_space<semaphore_mem>>)
      %dma_wait3A = arith.constant 0 : i32
      %dma_wait3A_68 = tpu.memref_slice %arg7[%scan3A_62, %dma_wait3A] : memref<80x125xi32, #tpu.memory_space<vmem>> -> memref<1x125xi32, #tpu.memory_space<vmem>>
      %dma_wait3A_69 = tpu.memref_squeeze %dma_wait3A_68 : memref<1x125xi32, #tpu.memory_space<vmem>> -> memref<125xi32, #tpu.memory_space<vmem>>
      %dma_wait3A_70 = arith.constant 0 : i32
      %dma_wait3A_71 = arith.constant 0 : i32
      %dma_wait3A_72 = tpu.memref_slice %arg2[%dma_wait3A_70, %dma_wait3A_71] : memref<30000x128xf32, #tpu.memory_space<hbm>> -> memref<30000x128xf32, #tpu.memory_space<hbm>>
      tpu.wait_indirect_dma semaphore(%arg11 : memref<!tpu.dma_semaphore, #tpu.memory_space<semaphore_mem>>) src(%dma_wait3A_72 : memref<30000x128xf32, #tpu.memory_space<hbm>>) dst(%arg9 : memref<125x128xf32, #tpu.memory_space<vmem>>)
      "tpu.region"() ({
        %run_scoped3A = tpu.sem_alloc : memref<!tpu.dma_semaphore, #tpu.memory_space<semaphore_mem>>
        %dma_start3A_73 = arith.constant 0 : i32
        %dma_start3A_74 = tpu.memref_slice %arg8[%scan3A_62, %dma_start3A_73] : memref<80x125xi32, #tpu.memory_space<vmem>> -> memref<1x125xi32, #tpu.memory_space<vmem>>
        %dma_start3A_75 = tpu.memref_squeeze %dma_start3A_74 : memref<1x125xi32, #tpu.memory_space<vmem>> -> memref<125xi32, #tpu.memory_space<vmem>>
        %dma_start3A_76 = arith.constant 0 : i32
        %dma_start3A_77 = arith.constant 0 : i32
        %dma_start3A_78 = tpu.memref_slice %arg10[%dma_start3A_76, %dma_start3A_77] : memref<10240x128xf32, #tpu.memory_space<vmem_shared>> -> memref<10240x128xf32, #tpu.memory_space<vmem_shared>>
        tpu.enqueue_indirect_dma source(%arg9 : memref<125x128xf32, #tpu.memory_space<vmem>>) target(%dma_start3A_78 : memref<10240x128xf32, #tpu.memory_space<vmem_shared>>) offsets(%dma_start3A_75 : memref<125xi32, #tpu.memory_space<vmem>>) semaphore(%run_scoped3A : memref<!tpu.dma_semaphore, #tpu.memory_space<semaphore_mem>>) {add = true}
        %dma_wait3A_79 = arith.constant 0 : i32
        %dma_wait3A_80 = tpu.memref_slice %arg8[%scan3A_62, %dma_wait3A_79] : memref<80x125xi32, #tpu.memory_space<vmem>> -> memref<1x125xi32, #tpu.memory_space<vmem>>
        %dma_wait3A_81 = tpu.memref_squeeze %dma_wait3A_80 : memref<1x125xi32, #tpu.memory_space<vmem>> -> memref<125xi32, #tpu.memory_space<vmem>>
        %dma_wait3A_82 = arith.constant 0 : i32
        %dma_wait3A_83 = arith.constant 0 : i32
        %dma_wait3A_84 = tpu.memref_slice %arg10[%dma_wait3A_82, %dma_wait3A_83] : memref<10240x128xf32, #tpu.memory_space<vmem_shared>> -> memref<10240x128xf32, #tpu.memory_space<vmem_shared>>
        tpu.wait_indirect_dma semaphore(%run_scoped3A : memref<!tpu.dma_semaphore, #tpu.memory_space<semaphore_mem>>) src(%arg9 : memref<125x128xf32, #tpu.memory_space<vmem>>) dst(%dma_wait3A_84 : memref<10240x128xf32, #tpu.memory_space<vmem_shared>>)
        tpu.yield
      }) : () -> ()
    }
    %scan3A_30 = arith.constant 80 : i32
    %barrier3A_31 = arith.constant 0 : index
    tpu.barrier barrier_id(%barrier3A_31)
    %add3A_32 = arith.constant 2 : i32
    %add3A_33 = arith.addi %add3A_32, %arg0 : i32
    %mul3A_34 = arith.constant 10240 : i32
    %mul3A_35 = arith.muli %add3A_33, %mul3A_34 : i32
    %mul3A_36 = arith.constant 640 : i32
    %mul3A_37 = arith.muli %arg1, %mul3A_36 : i32
    %add3A_38 = arith.addi %mul3A_35, %mul3A_37 : i32
    %mul3A_39 = arith.constant 640 : i32
    %mul3A_40 = arith.muli %arg1, %mul3A_39 : i32
    "tpu.region"() ({
      %run_scoped3A = tpu.sem_alloc : memref<!tpu.dma_semaphore, #tpu.memory_space<semaphore_mem>>
      %dma_start3A = arith.constant 0 : i32
      %dma_start3A_62 = tpu.memref_slice %arg6[%add3A_38, %dma_start3A] : memref<61440x128xf32, #tpu.memory_space<hbm>> -> memref<640x128xf32, #tpu.memory_space<hbm>>
      %dma_start3A_63 = arith.constant 0 : i32
      %dma_start3A_64 = tpu.memref_slice %arg10[%mul3A_40, %dma_start3A_63] : memref<10240x128xf32, #tpu.memory_space<vmem_shared>> -> memref<640x128xf32, #tpu.memory_space<vmem_shared>>
      tpu.enqueue_dma source(%dma_start3A_64 : memref<640x128xf32, #tpu.memory_space<vmem_shared>>) target(%dma_start3A_62 : memref<640x128xf32, #tpu.memory_space<hbm>>) target_semaphore(%run_scoped3A : memref<!tpu.dma_semaphore, #tpu.memory_space<semaphore_mem>>)
      %dma_wait3A = arith.constant 0 : i32
      %dma_wait3A_65 = tpu.memref_slice %arg6[%add3A_38, %dma_wait3A] : memref<61440x128xf32, #tpu.memory_space<hbm>> -> memref<640x128xf32, #tpu.memory_space<hbm>>
      %dma_wait3A_66 = arith.constant 0 : i32
      %dma_wait3A_67 = tpu.memref_slice %arg10[%mul3A_40, %dma_wait3A_66] : memref<10240x128xf32, #tpu.memory_space<vmem_shared>> -> memref<640x128xf32, #tpu.memory_space<vmem_shared>>
      tpu.wait_dma2 semaphore(%run_scoped3A : memref<!tpu.dma_semaphore, #tpu.memory_space<semaphore_mem>>) src(%dma_wait3A_67 : memref<640x128xf32, #tpu.memory_space<vmem_shared>>) dst(%dma_wait3A_65 : memref<640x128xf32, #tpu.memory_space<hbm>>)
      tpu.yield
    }) : () -> ()
    %add3A_41 = arith.constant 64 : i32
    %add3A_42 = arith.addi %add3A_41, %add3A : i32
    "tpu.region"() ({
      %run_scoped3A = tpu.sem_alloc : memref<!tpu.dma_semaphore, #tpu.memory_space<semaphore_mem>>
      %dma_start3A = arith.constant 0 : i32
      %dma_start3A_62 = arith.constant 0 : i32
      %dma_start3A_63 = tpu.memref_slice %arg3[%add3A_42, %dma_start3A, %dma_start3A_62] : memref<96x80x125xi32, #tpu.memory_space<hbm>> -> memref<1x80x125xi32, #tpu.memory_space<hbm>>
      %dma_start3A_64 = tpu.memref_squeeze %dma_start3A_63 : memref<1x80x125xi32, #tpu.memory_space<hbm>> -> memref<80x125xi32, #tpu.memory_space<hbm>>
      %dma_start3A_65 = arith.constant 0 : i32
      %dma_start3A_66 = arith.constant 0 : i32
      %dma_start3A_67 = tpu.memref_slice %arg3[%add3A_42, %dma_start3A_65, %dma_start3A_66] : memref<96x80x125xi32, #tpu.memory_space<hbm>> -> memref<1x80x125xi32, #tpu.memory_space<hbm>>
      %dma_start3A_68 = tpu.memref_squeeze %dma_start3A_67 : memref<1x80x125xi32, #tpu.memory_space<hbm>> -> memref<80x125xi32, #tpu.memory_space<hbm>>
      tpu.enqueue_dma source(%dma_start3A_68 : memref<80x125xi32, #tpu.memory_space<hbm>>) target(%arg7 : memref<80x125xi32, #tpu.memory_space<vmem>>) target_semaphore(%run_scoped3A : memref<!tpu.dma_semaphore, #tpu.memory_space<semaphore_mem>>)
      %dma_wait3A = arith.constant 0 : i32
      %dma_wait3A_69 = arith.constant 0 : i32
      %dma_wait3A_70 = tpu.memref_slice %arg3[%add3A_42, %dma_wait3A, %dma_wait3A_69] : memref<96x80x125xi32, #tpu.memory_space<hbm>> -> memref<1x80x125xi32, #tpu.memory_space<hbm>>
      %dma_wait3A_71 = tpu.memref_squeeze %dma_wait3A_70 : memref<1x80x125xi32, #tpu.memory_space<hbm>> -> memref<80x125xi32, #tpu.memory_space<hbm>>
      %dma_wait3A_72 = arith.constant 0 : i32
      %dma_wait3A_73 = arith.constant 0 : i32
      %dma_wait3A_74 = tpu.memref_slice %arg3[%add3A_42, %dma_wait3A_72, %dma_wait3A_73] : memref<96x80x125xi32, #tpu.memory_space<hbm>> -> memref<1x80x125xi32, #tpu.memory_space<hbm>>
      %dma_wait3A_75 = tpu.memref_squeeze %dma_wait3A_74 : memref<1x80x125xi32, #tpu.memory_space<hbm>> -> memref<80x125xi32, #tpu.memory_space<hbm>>
      tpu.wait_dma2 semaphore(%run_scoped3A : memref<!tpu.dma_semaphore, #tpu.memory_space<semaphore_mem>>) src(%dma_wait3A_75 : memref<80x125xi32, #tpu.memory_space<hbm>>) dst(%arg7 : memref<80x125xi32, #tpu.memory_space<vmem>>)
      tpu.yield
    }) : () -> ()
    %mul3A_43 = arith.constant 640 : i32
    %mul3A_44 = arith.muli %arg1, %mul3A_43 : i32
    "tpu.region"() ({
      %run_scoped3A = tpu.sem_alloc : memref<!tpu.dma_semaphore, #tpu.memory_space<semaphore_mem>>
      %dma_start3A = arith.constant 0 : i32
      %dma_start3A_62 = tpu.memref_slice %arg10[%mul3A_44, %dma_start3A] : memref<10240x128xf32, #tpu.memory_space<vmem_shared>> -> memref<640x128xf32, #tpu.memory_space<vmem_shared>>
      tpu.enqueue_dma source(%arg5 : memref<640x128xf32, #tpu.memory_space<hbm>>) target(%dma_start3A_62 : memref<640x128xf32, #tpu.memory_space<vmem_shared>>) target_semaphore(%run_scoped3A : memref<!tpu.dma_semaphore, #tpu.memory_space<semaphore_mem>>)
      %dma_wait3A = arith.constant 0 : i32
      %dma_wait3A_63 = tpu.memref_slice %arg10[%mul3A_44, %dma_wait3A] : memref<10240x128xf32, #tpu.memory_space<vmem_shared>> -> memref<640x128xf32, #tpu.memory_space<vmem_shared>>
      tpu.wait_dma2 semaphore(%run_scoped3A : memref<!tpu.dma_semaphore, #tpu.memory_space<semaphore_mem>>) src(%arg5 : memref<640x128xf32, #tpu.memory_space<hbm>>) dst(%dma_wait3A_63 : memref<640x128xf32, #tpu.memory_space<vmem_shared>>)
      tpu.yield
    }) : () -> ()
    %barrier3A_45 = arith.constant 0 : index
    tpu.barrier barrier_id(%barrier3A_45)
    %scan3A_46 = arith.constant 0 : i32
    %scan3A_47 = arith.constant 0 : i32
    %scan3A_48 = arith.constant 80 : i32
    %scan3A_49 = arith.addi %scan3A_47, %scan3A_48 : i32
    %scan3A_50 = arith.constant 1 : i32
    scf.for %scan3A_62 = %scan3A_47 to %scan3A_49 step %scan3A_50  : i32 {
      %dma_start3A = arith.constant 0 : i32
      %dma_start3A_63 = tpu.memref_slice %arg7[%scan3A_62, %dma_start3A] : memref<80x125xi32, #tpu.memory_space<vmem>> -> memref<1x125xi32, #tpu.memory_space<vmem>>
      %dma_start3A_64 = tpu.memref_squeeze %dma_start3A_63 : memref<1x125xi32, #tpu.memory_space<vmem>> -> memref<125xi32, #tpu.memory_space<vmem>>
      %dma_start3A_65 = arith.constant 0 : i32
      %dma_start3A_66 = arith.constant 0 : i32
      %dma_start3A_67 = tpu.memref_slice %arg2[%dma_start3A_65, %dma_start3A_66] : memref<30000x128xf32, #tpu.memory_space<hbm>> -> memref<30000x128xf32, #tpu.memory_space<hbm>>
      tpu.enqueue_indirect_dma source(%dma_start3A_67 : memref<30000x128xf32, #tpu.memory_space<hbm>>) target(%arg9 : memref<125x128xf32, #tpu.memory_space<vmem>>) offsets(%dma_start3A_64 : memref<125xi32, #tpu.memory_space<vmem>>) semaphore(%arg11 : memref<!tpu.dma_semaphore, #tpu.memory_space<semaphore_mem>>)
      %dma_wait3A = arith.constant 0 : i32
      %dma_wait3A_68 = tpu.memref_slice %arg7[%scan3A_62, %dma_wait3A] : memref<80x125xi32, #tpu.memory_space<vmem>> -> memref<1x125xi32, #tpu.memory_space<vmem>>
      %dma_wait3A_69 = tpu.memref_squeeze %dma_wait3A_68 : memref<1x125xi32, #tpu.memory_space<vmem>> -> memref<125xi32, #tpu.memory_space<vmem>>
      %dma_wait3A_70 = arith.constant 0 : i32
      %dma_wait3A_71 = arith.constant 0 : i32
      %dma_wait3A_72 = tpu.memref_slice %arg2[%dma_wait3A_70, %dma_wait3A_71] : memref<30000x128xf32, #tpu.memory_space<hbm>> -> memref<30000x128xf32, #tpu.memory_space<hbm>>
      tpu.wait_indirect_dma semaphore(%arg11 : memref<!tpu.dma_semaphore, #tpu.memory_space<semaphore_mem>>) src(%dma_wait3A_72 : memref<30000x128xf32, #tpu.memory_space<hbm>>) dst(%arg9 : memref<125x128xf32, #tpu.memory_space<vmem>>)
      "tpu.region"() ({
        %run_scoped3A = tpu.sem_alloc : memref<!tpu.dma_semaphore, #tpu.memory_space<semaphore_mem>>
        %dma_start3A_73 = arith.constant 0 : i32
        %dma_start3A_74 = tpu.memref_slice %arg8[%scan3A_62, %dma_start3A_73] : memref<80x125xi32, #tpu.memory_space<vmem>> -> memref<1x125xi32, #tpu.memory_space<vmem>>
        %dma_start3A_75 = tpu.memref_squeeze %dma_start3A_74 : memref<1x125xi32, #tpu.memory_space<vmem>> -> memref<125xi32, #tpu.memory_space<vmem>>
        %dma_start3A_76 = arith.constant 0 : i32
        %dma_start3A_77 = arith.constant 0 : i32
        %dma_start3A_78 = tpu.memref_slice %arg10[%dma_start3A_76, %dma_start3A_77] : memref<10240x128xf32, #tpu.memory_space<vmem_shared>> -> memref<10240x128xf32, #tpu.memory_space<vmem_shared>>
        tpu.enqueue_indirect_dma source(%arg9 : memref<125x128xf32, #tpu.memory_space<vmem>>) target(%dma_start3A_78 : memref<10240x128xf32, #tpu.memory_space<vmem_shared>>) offsets(%dma_start3A_75 : memref<125xi32, #tpu.memory_space<vmem>>) semaphore(%run_scoped3A : memref<!tpu.dma_semaphore, #tpu.memory_space<semaphore_mem>>) {add = true}
        %dma_wait3A_79 = arith.constant 0 : i32
        %dma_wait3A_80 = tpu.memref_slice %arg8[%scan3A_62, %dma_wait3A_79] : memref<80x125xi32, #tpu.memory_space<vmem>> -> memref<1x125xi32, #tpu.memory_space<vmem>>
        %dma_wait3A_81 = tpu.memref_squeeze %dma_wait3A_80 : memref<1x125xi32, #tpu.memory_space<vmem>> -> memref<125xi32, #tpu.memory_space<vmem>>
        %dma_wait3A_82 = arith.constant 0 : i32
        %dma_wait3A_83 = arith.constant 0 : i32
        %dma_wait3A_84 = tpu.memref_slice %arg10[%dma_wait3A_82, %dma_wait3A_83] : memref<10240x128xf32, #tpu.memory_space<vmem_shared>> -> memref<10240x128xf32, #tpu.memory_space<vmem_shared>>
        tpu.wait_indirect_dma semaphore(%run_scoped3A : memref<!tpu.dma_semaphore, #tpu.memory_space<semaphore_mem>>) src(%arg9 : memref<125x128xf32, #tpu.memory_space<vmem>>) dst(%dma_wait3A_84 : memref<10240x128xf32, #tpu.memory_space<vmem_shared>>)
        tpu.yield
      }) : () -> ()
    }
    %scan3A_51 = arith.constant 80 : i32
    %barrier3A_52 = arith.constant 0 : index
    tpu.barrier barrier_id(%barrier3A_52)
    %add3A_53 = arith.constant 4 : i32
    %add3A_54 = arith.addi %add3A_53, %arg0 : i32
    %mul3A_55 = arith.constant 10240 : i32
    %mul3A_56 = arith.muli %add3A_54, %mul3A_55 : i32
    %mul3A_57 = arith.constant 640 : i32
    %mul3A_58 = arith.muli %arg1, %mul3A_57 : i32
    %add3A_59 = arith.addi %mul3A_56, %mul3A_58 : i32
    %mul3A_60 = arith.constant 640 : i32
    %mul3A_61 = arith.muli %arg1, %mul3A_60 : i32
    "tpu.region"() ({
      %run_scoped3A = tpu.sem_alloc : memref<!tpu.dma_semaphore, #tpu.memory_space<semaphore_mem>>
      %dma_start3A = arith.constant 0 : i32
      %dma_start3A_62 = tpu.memref_slice %arg6[%add3A_59, %dma_start3A] : memref<61440x128xf32, #tpu.memory_space<hbm>> -> memref<640x128xf32, #tpu.memory_space<hbm>>
      %dma_start3A_63 = arith.constant 0 : i32
      %dma_start3A_64 = tpu.memref_slice %arg10[%mul3A_61, %dma_start3A_63] : memref<10240x128xf32, #tpu.memory_space<vmem_shared>> -> memref<640x128xf32, #tpu.memory_space<vmem_shared>>
      tpu.enqueue_dma source(%dma_start3A_64 : memref<640x128xf32, #tpu.memory_space<vmem_shared>>) target(%dma_start3A_62 : memref<640x128xf32, #tpu.memory_space<hbm>>) target_semaphore(%run_scoped3A : memref<!tpu.dma_semaphore, #tpu.memory_space<semaphore_mem>>)
      %dma_wait3A = arith.constant 0 : i32
      %dma_wait3A_65 = tpu.memref_slice %arg6[%add3A_59, %dma_wait3A] : memref<61440x128xf32, #tpu.memory_space<hbm>> -> memref<640x128xf32, #tpu.memory_space<hbm>>
      %dma_wait3A_66 = arith.constant 0 : i32
      %dma_wait3A_67 = tpu.memref_slice %arg10[%mul3A_61, %dma_wait3A_66] : memref<10240x128xf32, #tpu.memory_space<vmem_shared>> -> memref<640x128xf32, #tpu.memory_space<vmem_shared>>
      tpu.wait_dma2 semaphore(%run_scoped3A : memref<!tpu.dma_semaphore, #tpu.memory_space<semaphore_mem>>) src(%dma_wait3A_67 : memref<640x128xf32, #tpu.memory_space<vmem_shared>>) dst(%dma_wait3A_65 : memref<640x128xf32, #tpu.memory_space<hbm>>)
      tpu.yield
    }) : () -> ()
    return
  }
}

#map = affine_map<(d0, d1) -> (0, 0)>
#map1 = affine_map<(d0, d1) -> (0, 0, 0)>
module attributes {stable_mosaic.version = 14 : i64} {
  func.func @_sc_segsum(%arg0: i32, %arg1: i32, %arg2: memref<30000x128xf32, #tpu.memory_space<hbm>>, %arg3: memref<96x80x125xi32, #tpu.memory_space<hbm>>, %arg4: memref<32x80x125xi32, #tpu.memory_space<hbm>>, %arg5: memref<640x128xf32, #tpu.memory_space<hbm>>, %arg6: memref<61440x128xf32, #tpu.memory_space<hbm>>, %arg7: memref<80x125xi32, #tpu.memory_space<vmem>>, %arg8: memref<80x125xi32, #tpu.memory_space<vmem>>, %arg9: memref<125x128xf32, #tpu.memory_space<vmem>>, %arg10: memref<10240x128xf32, #tpu.memory_space<vmem_shared>>, %arg11: memref<!tpu.dma_semaphore, #tpu.memory_space<semaphore_mem>>) attributes {dimension_semantics = [#tpu.dimension_semantics<core_parallel>, #tpu.dimension_semantics<subcore_parallel>], iteration_bounds = array<i64: 2, 16>, scalar_prefetch = 0 : i64, scratch_operands = 5 : i64, tpu.core_type = #tpu.core_type<sc_vector_subcore>, window_params = [{transform_indices = #map}, {transform_indices = #map1}, {transform_indices = #map1}, {transform_indices = #map}, {transform_indices = #map}]} {
    %mul3A = arith.constant 16 : i32
    %mul3A_0 = arith.muli %arg0, %mul3A : i32
    %add3A = arith.addi %mul3A_0, %arg1 : i32
    "tpu.region"() ({
      %run_scoped3A = tpu.sem_alloc : memref<!tpu.dma_semaphore, #tpu.memory_space<semaphore_mem>>
      %dma_start3A = arith.constant 0 : i32
      %dma_start3A_62 = arith.constant 0 : i32
      %dma_start3A_63 = tpu.memref_slice %arg4[%add3A, %dma_start3A, %dma_start3A_62] : memref<32x80x125xi32, #tpu.memory_space<hbm>> -> memref<1x80x125xi32, #tpu.memory_space<hbm>>
      %dma_start3A_64 = tpu.memref_squeeze %dma_start3A_63 : memref<1x80x125xi32, #tpu.memory_space<hbm>> -> memref<80x125xi32, #tpu.memory_space<hbm>>
      %dma_start3A_65 = arith.constant 0 : i32
      %dma_start3A_66 = arith.constant 0 : i32
      %dma_start3A_67 = tpu.memref_slice %arg4[%add3A, %dma_start3A_65, %dma_start3A_66] : memref<32x80x125xi32, #tpu.memory_space<hbm>> -> memref<1x80x125xi32, #tpu.memory_space<hbm>>
      %dma_start3A_68 = tpu.memref_squeeze %dma_start3A_67 : memref<1x80x125xi32, #tpu.memory_space<hbm>> -> memref<80x125xi32, #tpu.memory_space<hbm>>
      tpu.enqueue_dma source(%dma_start3A_68 : memref<80x125xi32, #tpu.memory_space<hbm>>) target(%arg8 : memref<80x125xi32, #tpu.memory_space<vmem>>) target_semaphore(%run_scoped3A : memref<!tpu.dma_semaphore, #tpu.memory_space<semaphore_mem>>)
      %dma_wait3A = arith.constant 0 : i32
      %dma_wait3A_69 = arith.constant 0 : i32
      %dma_wait3A_70 = tpu.memref_slice %arg4[%add3A, %dma_wait3A, %dma_wait3A_69] : memref<32x80x125xi32, #tpu.memory_space<hbm>> -> memref<1x80x125xi32, #tpu.memory_space<hbm>>
      %dma_wait3A_71 = tpu.memref_squeeze %dma_wait3A_70 : memref<1x80x125xi32, #tpu.memory_space<hbm>> -> memref<80x125xi32, #tpu.memory_space<hbm>>
      %dma_wait3A_72 = arith.constant 0 : i32
      %dma_wait3A_73 = arith.constant 0 : i32
      %dma_wait3A_74 = tpu.memref_slice %arg4[%add3A, %dma_wait3A_72, %dma_wait3A_73] : memref<32x80x125xi32, #tpu.memory_space<hbm>> -> memref<1x80x125xi32, #tpu.memory_space<hbm>>
      %dma_wait3A_75 = tpu.memref_squeeze %dma_wait3A_74 : memref<1x80x125xi32, #tpu.memory_space<hbm>> -> memref<80x125xi32, #tpu.memory_space<hbm>>
      tpu.wait_dma2 semaphore(%run_scoped3A : memref<!tpu.dma_semaphore, #tpu.memory_space<semaphore_mem>>) src(%dma_wait3A_75 : memref<80x125xi32, #tpu.memory_space<hbm>>) dst(%arg8 : memref<80x125xi32, #tpu.memory_space<vmem>>)
      tpu.yield
    }) : () -> ()
    %add3A_1 = arith.constant 0 : i32
    %add3A_2 = arith.addi %add3A_1, %add3A : i32
    "tpu.region"() ({
      %run_scoped3A = tpu.sem_alloc : memref<!tpu.dma_semaphore, #tpu.memory_space<semaphore_mem>>
      %dma_start3A = arith.constant 0 : i32
      %dma_start3A_62 = arith.constant 0 : i32
      %dma_start3A_63 = tpu.memref_slice %arg3[%add3A_2, %dma_start3A, %dma_start3A_62] : memref<96x80x125xi32, #tpu.memory_space<hbm>> -> memref<1x80x125xi32, #tpu.memory_space<hbm>>
      %dma_start3A_64 = tpu.memref_squeeze %dma_start3A_63 : memref<1x80x125xi32, #tpu.memory_space<hbm>> -> memref<80x125xi32, #tpu.memory_space<hbm>>
      %dma_start3A_65 = arith.constant 0 : i32
      %dma_start3A_66 = arith.constant 0 : i32
      %dma_start3A_67 = tpu.memref_slice %arg3[%add3A_2, %dma_start3A_65, %dma_start3A_66] : memref<96x80x125xi32, #tpu.memory_space<hbm>> -> memref<1x80x125xi32, #tpu.memory_space<hbm>>
      %dma_start3A_68 = tpu.memref_squeeze %dma_start3A_67 : memref<1x80x125xi32, #tpu.memory_space<hbm>> -> memref<80x125xi32, #tpu.memory_space<hbm>>
      tpu.enqueue_dma source(%dma_start3A_68 : memref<80x125xi32, #tpu.memory_space<hbm>>) target(%arg7 : memref<80x125xi32, #tpu.memory_space<vmem>>) target_semaphore(%run_scoped3A : memref<!tpu.dma_semaphore, #tpu.memory_space<semaphore_mem>>)
      %dma_wait3A = arith.constant 0 : i32
      %dma_wait3A_69 = arith.constant 0 : i32
      %dma_wait3A_70 = tpu.memref_slice %arg3[%add3A_2, %dma_wait3A, %dma_wait3A_69] : memref<96x80x125xi32, #tpu.memory_space<hbm>> -> memref<1x80x125xi32, #tpu.memory_space<hbm>>
      %dma_wait3A_71 = tpu.memref_squeeze %dma_wait3A_70 : memref<1x80x125xi32, #tpu.memory_space<hbm>> -> memref<80x125xi32, #tpu.memory_space<hbm>>
      %dma_wait3A_72 = arith.constant 0 : i32
      %dma_wait3A_73 = arith.constant 0 : i32
      %dma_wait3A_74 = tpu.memref_slice %arg3[%add3A_2, %dma_wait3A_72, %dma_wait3A_73] : memref<96x80x125xi32, #tpu.memory_space<hbm>> -> memref<1x80x125xi32, #tpu.memory_space<hbm>>
      %dma_wait3A_75 = tpu.memref_squeeze %dma_wait3A_74 : memref<1x80x125xi32, #tpu.memory_space<hbm>> -> memref<80x125xi32, #tpu.memory_space<hbm>>
      tpu.wait_dma2 semaphore(%run_scoped3A : memref<!tpu.dma_semaphore, #tpu.memory_space<semaphore_mem>>) src(%dma_wait3A_75 : memref<80x125xi32, #tpu.memory_space<hbm>>) dst(%arg7 : memref<80x125xi32, #tpu.memory_space<vmem>>)
      tpu.yield
    }) : () -> ()
    %mul3A_3 = arith.constant 640 : i32
    %mul3A_4 = arith.muli %arg1, %mul3A_3 : i32
    "tpu.region"() ({
      %run_scoped3A = tpu.sem_alloc : memref<!tpu.dma_semaphore, #tpu.memory_space<semaphore_mem>>
      %dma_start3A = arith.constant 0 : i32
      %dma_start3A_62 = tpu.memref_slice %arg10[%mul3A_4, %dma_start3A] : memref<10240x128xf32, #tpu.memory_space<vmem_shared>> -> memref<640x128xf32, #tpu.memory_space<vmem_shared>>
      tpu.enqueue_dma source(%arg5 : memref<640x128xf32, #tpu.memory_space<hbm>>) target(%dma_start3A_62 : memref<640x128xf32, #tpu.memory_space<vmem_shared>>) target_semaphore(%run_scoped3A : memref<!tpu.dma_semaphore, #tpu.memory_space<semaphore_mem>>)
      %dma_wait3A = arith.constant 0 : i32
      %dma_wait3A_63 = tpu.memref_slice %arg10[%mul3A_4, %dma_wait3A] : memref<10240x128xf32, #tpu.memory_space<vmem_shared>> -> memref<640x128xf32, #tpu.memory_space<vmem_shared>>
      tpu.wait_dma2 semaphore(%run_scoped3A : memref<!tpu.dma_semaphore, #tpu.memory_space<semaphore_mem>>) src(%arg5 : memref<640x128xf32, #tpu.memory_space<hbm>>) dst(%dma_wait3A_63 : memref<640x128xf32, #tpu.memory_space<vmem_shared>>)
      tpu.yield
    }) : () -> ()
    %barrier3A = arith.constant 0 : index
    tpu.barrier barrier_id(%barrier3A)
    %scan3A = arith.constant 0 : i32
    %scan3A_5 = arith.constant 0 : i32
    %scan3A_6 = arith.constant 80 : i32
    %scan3A_7 = arith.addi %scan3A_5, %scan3A_6 : i32
    %scan3A_8 = arith.constant 1 : i32
    scf.for %scan3A_62 = %scan3A_5 to %scan3A_7 step %scan3A_8  : i32 {
      %dma_start3A = arith.constant 0 : i32
      %dma_start3A_63 = tpu.memref_slice %arg7[%scan3A_62, %dma_start3A] : memref<80x125xi32, #tpu.memory_space<vmem>> -> memref<1x125xi32, #tpu.memory_space<vmem>>
      %dma_start3A_64 = tpu.memref_squeeze %dma_start3A_63 : memref<1x125xi32, #tpu.memory_space<vmem>> -> memref<125xi32, #tpu.memory_space<vmem>>
      %dma_start3A_65 = arith.constant 0 : i32
      %dma_start3A_66 = arith.constant 0 : i32
      %dma_start3A_67 = tpu.memref_slice %arg2[%dma_start3A_65, %dma_start3A_66] : memref<30000x128xf32, #tpu.memory_space<hbm>> -> memref<30000x128xf32, #tpu.memory_space<hbm>>
      tpu.enqueue_indirect_dma source(%dma_start3A_67 : memref<30000x128xf32, #tpu.memory_space<hbm>>) target(%arg9 : memref<125x128xf32, #tpu.memory_space<vmem>>) offsets(%dma_start3A_64 : memref<125xi32, #tpu.memory_space<vmem>>) semaphore(%arg11 : memref<!tpu.dma_semaphore, #tpu.memory_space<semaphore_mem>>)
      %dma_wait3A = arith.constant 0 : i32
      %dma_wait3A_68 = tpu.memref_slice %arg7[%scan3A_62, %dma_wait3A] : memref<80x125xi32, #tpu.memory_space<vmem>> -> memref<1x125xi32, #tpu.memory_space<vmem>>
      %dma_wait3A_69 = tpu.memref_squeeze %dma_wait3A_68 : memref<1x125xi32, #tpu.memory_space<vmem>> -> memref<125xi32, #tpu.memory_space<vmem>>
      %dma_wait3A_70 = arith.constant 0 : i32
      %dma_wait3A_71 = arith.constant 0 : i32
      %dma_wait3A_72 = tpu.memref_slice %arg2[%dma_wait3A_70, %dma_wait3A_71] : memref<30000x128xf32, #tpu.memory_space<hbm>> -> memref<30000x128xf32, #tpu.memory_space<hbm>>
      tpu.wait_indirect_dma semaphore(%arg11 : memref<!tpu.dma_semaphore, #tpu.memory_space<semaphore_mem>>) src(%dma_wait3A_72 : memref<30000x128xf32, #tpu.memory_space<hbm>>) dst(%arg9 : memref<125x128xf32, #tpu.memory_space<vmem>>)
      "tpu.region"() ({
        %run_scoped3A = tpu.sem_alloc : memref<!tpu.dma_semaphore, #tpu.memory_space<semaphore_mem>>
        %dma_start3A_73 = arith.constant 0 : i32
        %dma_start3A_74 = tpu.memref_slice %arg8[%scan3A_62, %dma_start3A_73] : memref<80x125xi32, #tpu.memory_space<vmem>> -> memref<1x125xi32, #tpu.memory_space<vmem>>
        %dma_start3A_75 = tpu.memref_squeeze %dma_start3A_74 : memref<1x125xi32, #tpu.memory_space<vmem>> -> memref<125xi32, #tpu.memory_space<vmem>>
        %dma_start3A_76 = arith.constant 0 : i32
        %dma_start3A_77 = arith.constant 0 : i32
        %dma_start3A_78 = tpu.memref_slice %arg10[%dma_start3A_76, %dma_start3A_77] : memref<10240x128xf32, #tpu.memory_space<vmem_shared>> -> memref<10240x128xf32, #tpu.memory_space<vmem_shared>>
        tpu.enqueue_indirect_dma source(%arg9 : memref<125x128xf32, #tpu.memory_space<vmem>>) target(%dma_start3A_78 : memref<10240x128xf32, #tpu.memory_space<vmem_shared>>) offsets(%dma_start3A_75 : memref<125xi32, #tpu.memory_space<vmem>>) semaphore(%run_scoped3A : memref<!tpu.dma_semaphore, #tpu.memory_space<semaphore_mem>>) {add = true}
        %dma_wait3A_79 = arith.constant 0 : i32
        %dma_wait3A_80 = tpu.memref_slice %arg8[%scan3A_62, %dma_wait3A_79] : memref<80x125xi32, #tpu.memory_space<vmem>> -> memref<1x125xi32, #tpu.memory_space<vmem>>
        %dma_wait3A_81 = tpu.memref_squeeze %dma_wait3A_80 : memref<1x125xi32, #tpu.memory_space<vmem>> -> memref<125xi32, #tpu.memory_space<vmem>>
        %dma_wait3A_82 = arith.constant 0 : i32
        %dma_wait3A_83 = arith.constant 0 : i32
        %dma_wait3A_84 = tpu.memref_slice %arg10[%dma_wait3A_82, %dma_wait3A_83] : memref<10240x128xf32, #tpu.memory_space<vmem_shared>> -> memref<10240x128xf32, #tpu.memory_space<vmem_shared>>
        tpu.wait_indirect_dma semaphore(%run_scoped3A : memref<!tpu.dma_semaphore, #tpu.memory_space<semaphore_mem>>) src(%arg9 : memref<125x128xf32, #tpu.memory_space<vmem>>) dst(%dma_wait3A_84 : memref<10240x128xf32, #tpu.memory_space<vmem_shared>>)
        tpu.yield
      }) : () -> ()
    }
    %scan3A_9 = arith.constant 80 : i32
    %barrier3A_10 = arith.constant 0 : index
    tpu.barrier barrier_id(%barrier3A_10)
    %add3A_11 = arith.constant 0 : i32
    %add3A_12 = arith.addi %add3A_11, %arg0 : i32
    %mul3A_13 = arith.constant 10240 : i32
    %mul3A_14 = arith.muli %add3A_12, %mul3A_13 : i32
    %mul3A_15 = arith.constant 640 : i32
    %mul3A_16 = arith.muli %arg1, %mul3A_15 : i32
    %add3A_17 = arith.addi %mul3A_14, %mul3A_16 : i32
    %mul3A_18 = arith.constant 640 : i32
    %mul3A_19 = arith.muli %arg1, %mul3A_18 : i32
    "tpu.region"() ({
      %run_scoped3A = tpu.sem_alloc : memref<!tpu.dma_semaphore, #tpu.memory_space<semaphore_mem>>
      %dma_start3A = arith.constant 0 : i32
      %dma_start3A_62 = tpu.memref_slice %arg6[%add3A_17, %dma_start3A] : memref<61440x128xf32, #tpu.memory_space<hbm>> -> memref<640x128xf32, #tpu.memory_space<hbm>>
      %dma_start3A_63 = arith.constant 0 : i32
      %dma_start3A_64 = tpu.memref_slice %arg10[%mul3A_19, %dma_start3A_63] : memref<10240x128xf32, #tpu.memory_space<vmem_shared>> -> memref<640x128xf32, #tpu.memory_space<vmem_shared>>
      tpu.enqueue_dma source(%dma_start3A_64 : memref<640x128xf32, #tpu.memory_space<vmem_shared>>) target(%dma_start3A_62 : memref<640x128xf32, #tpu.memory_space<hbm>>) target_semaphore(%run_scoped3A : memref<!tpu.dma_semaphore, #tpu.memory_space<semaphore_mem>>)
      %dma_wait3A = arith.constant 0 : i32
      %dma_wait3A_65 = tpu.memref_slice %arg6[%add3A_17, %dma_wait3A] : memref<61440x128xf32, #tpu.memory_space<hbm>> -> memref<640x128xf32, #tpu.memory_space<hbm>>
      %dma_wait3A_66 = arith.constant 0 : i32
      %dma_wait3A_67 = tpu.memref_slice %arg10[%mul3A_19, %dma_wait3A_66] : memref<10240x128xf32, #tpu.memory_space<vmem_shared>> -> memref<640x128xf32, #tpu.memory_space<vmem_shared>>
      tpu.wait_dma2 semaphore(%run_scoped3A : memref<!tpu.dma_semaphore, #tpu.memory_space<semaphore_mem>>) src(%dma_wait3A_67 : memref<640x128xf32, #tpu.memory_space<vmem_shared>>) dst(%dma_wait3A_65 : memref<640x128xf32, #tpu.memory_space<hbm>>)
      tpu.yield
    }) : () -> ()
    %add3A_20 = arith.constant 32 : i32
    %add3A_21 = arith.addi %add3A_20, %add3A : i32
    "tpu.region"() ({
      %run_scoped3A = tpu.sem_alloc : memref<!tpu.dma_semaphore, #tpu.memory_space<semaphore_mem>>
      %dma_start3A = arith.constant 0 : i32
      %dma_start3A_62 = arith.constant 0 : i32
      %dma_start3A_63 = tpu.memref_slice %arg3[%add3A_21, %dma_start3A, %dma_start3A_62] : memref<96x80x125xi32, #tpu.memory_space<hbm>> -> memref<1x80x125xi32, #tpu.memory_space<hbm>>
      %dma_start3A_64 = tpu.memref_squeeze %dma_start3A_63 : memref<1x80x125xi32, #tpu.memory_space<hbm>> -> memref<80x125xi32, #tpu.memory_space<hbm>>
      %dma_start3A_65 = arith.constant 0 : i32
      %dma_start3A_66 = arith.constant 0 : i32
      %dma_start3A_67 = tpu.memref_slice %arg3[%add3A_21, %dma_start3A_65, %dma_start3A_66] : memref<96x80x125xi32, #tpu.memory_space<hbm>> -> memref<1x80x125xi32, #tpu.memory_space<hbm>>
      %dma_start3A_68 = tpu.memref_squeeze %dma_start3A_67 : memref<1x80x125xi32, #tpu.memory_space<hbm>> -> memref<80x125xi32, #tpu.memory_space<hbm>>
      tpu.enqueue_dma source(%dma_start3A_68 : memref<80x125xi32, #tpu.memory_space<hbm>>) target(%arg7 : memref<80x125xi32, #tpu.memory_space<vmem>>) target_semaphore(%run_scoped3A : memref<!tpu.dma_semaphore, #tpu.memory_space<semaphore_mem>>)
      %dma_wait3A = arith.constant 0 : i32
      %dma_wait3A_69 = arith.constant 0 : i32
      %dma_wait3A_70 = tpu.memref_slice %arg3[%add3A_21, %dma_wait3A, %dma_wait3A_69] : memref<96x80x125xi32, #tpu.memory_space<hbm>> -> memref<1x80x125xi32, #tpu.memory_space<hbm>>
      %dma_wait3A_71 = tpu.memref_squeeze %dma_wait3A_70 : memref<1x80x125xi32, #tpu.memory_space<hbm>> -> memref<80x125xi32, #tpu.memory_space<hbm>>
      %dma_wait3A_72 = arith.constant 0 : i32
      %dma_wait3A_73 = arith.constant 0 : i32
      %dma_wait3A_74 = tpu.memref_slice %arg3[%add3A_21, %dma_wait3A_72, %dma_wait3A_73] : memref<96x80x125xi32, #tpu.memory_space<hbm>> -> memref<1x80x125xi32, #tpu.memory_space<hbm>>
      %dma_wait3A_75 = tpu.memref_squeeze %dma_wait3A_74 : memref<1x80x125xi32, #tpu.memory_space<hbm>> -> memref<80x125xi32, #tpu.memory_space<hbm>>
      tpu.wait_dma2 semaphore(%run_scoped3A : memref<!tpu.dma_semaphore, #tpu.memory_space<semaphore_mem>>) src(%dma_wait3A_75 : memref<80x125xi32, #tpu.memory_space<hbm>>) dst(%arg7 : memref<80x125xi32, #tpu.memory_space<vmem>>)
      tpu.yield
    }) : () -> ()
    %mul3A_22 = arith.constant 640 : i32
    %mul3A_23 = arith.muli %arg1, %mul3A_22 : i32
    "tpu.region"() ({
      %run_scoped3A = tpu.sem_alloc : memref<!tpu.dma_semaphore, #tpu.memory_space<semaphore_mem>>
      %dma_start3A = arith.constant 0 : i32
      %dma_start3A_62 = tpu.memref_slice %arg10[%mul3A_23, %dma_start3A] : memref<10240x128xf32, #tpu.memory_space<vmem_shared>> -> memref<640x128xf32, #tpu.memory_space<vmem_shared>>
      tpu.enqueue_dma source(%arg5 : memref<640x128xf32, #tpu.memory_space<hbm>>) target(%dma_start3A_62 : memref<640x128xf32, #tpu.memory_space<vmem_shared>>) target_semaphore(%run_scoped3A : memref<!tpu.dma_semaphore, #tpu.memory_space<semaphore_mem>>)
      %dma_wait3A = arith.constant 0 : i32
      %dma_wait3A_63 = tpu.memref_slice %arg10[%mul3A_23, %dma_wait3A] : memref<10240x128xf32, #tpu.memory_space<vmem_shared>> -> memref<640x128xf32, #tpu.memory_space<vmem_shared>>
      tpu.wait_dma2 semaphore(%run_scoped3A : memref<!tpu.dma_semaphore, #tpu.memory_space<semaphore_mem>>) src(%arg5 : memref<640x128xf32, #tpu.memory_space<hbm>>) dst(%dma_wait3A_63 : memref<640x128xf32, #tpu.memory_space<vmem_shared>>)
      tpu.yield
    }) : () -> ()
    %barrier3A_24 = arith.constant 0 : index
    tpu.barrier barrier_id(%barrier3A_24)
    %scan3A_25 = arith.constant 0 : i32
    %scan3A_26 = arith.constant 0 : i32
    %scan3A_27 = arith.constant 80 : i32
    %scan3A_28 = arith.addi %scan3A_26, %scan3A_27 : i32
    %scan3A_29 = arith.constant 1 : i32
    scf.for %scan3A_62 = %scan3A_26 to %scan3A_28 step %scan3A_29  : i32 {
      %dma_start3A = arith.constant 0 : i32
      %dma_start3A_63 = tpu.memref_slice %arg7[%scan3A_62, %dma_start3A] : memref<80x125xi32, #tpu.memory_space<vmem>> -> memref<1x125xi32, #tpu.memory_space<vmem>>
      %dma_start3A_64 = tpu.memref_squeeze %dma_start3A_63 : memref<1x125xi32, #tpu.memory_space<vmem>> -> memref<125xi32, #tpu.memory_space<vmem>>
      %dma_start3A_65 = arith.constant 0 : i32
      %dma_start3A_66 = arith.constant 0 : i32
      %dma_start3A_67 = tpu.memref_slice %arg2[%dma_start3A_65, %dma_start3A_66] : memref<30000x128xf32, #tpu.memory_space<hbm>> -> memref<30000x128xf32, #tpu.memory_space<hbm>>
      tpu.enqueue_indirect_dma source(%dma_start3A_67 : memref<30000x128xf32, #tpu.memory_space<hbm>>) target(%arg9 : memref<125x128xf32, #tpu.memory_space<vmem>>) offsets(%dma_start3A_64 : memref<125xi32, #tpu.memory_space<vmem>>) semaphore(%arg11 : memref<!tpu.dma_semaphore, #tpu.memory_space<semaphore_mem>>)
      %dma_wait3A = arith.constant 0 : i32
      %dma_wait3A_68 = tpu.memref_slice %arg7[%scan3A_62, %dma_wait3A] : memref<80x125xi32, #tpu.memory_space<vmem>> -> memref<1x125xi32, #tpu.memory_space<vmem>>
      %dma_wait3A_69 = tpu.memref_squeeze %dma_wait3A_68 : memref<1x125xi32, #tpu.memory_space<vmem>> -> memref<125xi32, #tpu.memory_space<vmem>>
      %dma_wait3A_70 = arith.constant 0 : i32
      %dma_wait3A_71 = arith.constant 0 : i32
      %dma_wait3A_72 = tpu.memref_slice %arg2[%dma_wait3A_70, %dma_wait3A_71] : memref<30000x128xf32, #tpu.memory_space<hbm>> -> memref<30000x128xf32, #tpu.memory_space<hbm>>
      tpu.wait_indirect_dma semaphore(%arg11 : memref<!tpu.dma_semaphore, #tpu.memory_space<semaphore_mem>>) src(%dma_wait3A_72 : memref<30000x128xf32, #tpu.memory_space<hbm>>) dst(%arg9 : memref<125x128xf32, #tpu.memory_space<vmem>>)
      "tpu.region"() ({
        %run_scoped3A = tpu.sem_alloc : memref<!tpu.dma_semaphore, #tpu.memory_space<semaphore_mem>>
        %dma_start3A_73 = arith.constant 0 : i32
        %dma_start3A_74 = tpu.memref_slice %arg8[%scan3A_62, %dma_start3A_73] : memref<80x125xi32, #tpu.memory_space<vmem>> -> memref<1x125xi32, #tpu.memory_space<vmem>>
        %dma_start3A_75 = tpu.memref_squeeze %dma_start3A_74 : memref<1x125xi32, #tpu.memory_space<vmem>> -> memref<125xi32, #tpu.memory_space<vmem>>
        %dma_start3A_76 = arith.constant 0 : i32
        %dma_start3A_77 = arith.constant 0 : i32
        %dma_start3A_78 = tpu.memref_slice %arg10[%dma_start3A_76, %dma_start3A_77] : memref<10240x128xf32, #tpu.memory_space<vmem_shared>> -> memref<10240x128xf32, #tpu.memory_space<vmem_shared>>
        tpu.enqueue_indirect_dma source(%arg9 : memref<125x128xf32, #tpu.memory_space<vmem>>) target(%dma_start3A_78 : memref<10240x128xf32, #tpu.memory_space<vmem_shared>>) offsets(%dma_start3A_75 : memref<125xi32, #tpu.memory_space<vmem>>) semaphore(%run_scoped3A : memref<!tpu.dma_semaphore, #tpu.memory_space<semaphore_mem>>) {add = true}
        %dma_wait3A_79 = arith.constant 0 : i32
        %dma_wait3A_80 = tpu.memref_slice %arg8[%scan3A_62, %dma_wait3A_79] : memref<80x125xi32, #tpu.memory_space<vmem>> -> memref<1x125xi32, #tpu.memory_space<vmem>>
        %dma_wait3A_81 = tpu.memref_squeeze %dma_wait3A_80 : memref<1x125xi32, #tpu.memory_space<vmem>> -> memref<125xi32, #tpu.memory_space<vmem>>
        %dma_wait3A_82 = arith.constant 0 : i32
        %dma_wait3A_83 = arith.constant 0 : i32
        %dma_wait3A_84 = tpu.memref_slice %arg10[%dma_wait3A_82, %dma_wait3A_83] : memref<10240x128xf32, #tpu.memory_space<vmem_shared>> -> memref<10240x128xf32, #tpu.memory_space<vmem_shared>>
        tpu.wait_indirect_dma semaphore(%run_scoped3A : memref<!tpu.dma_semaphore, #tpu.memory_space<semaphore_mem>>) src(%arg9 : memref<125x128xf32, #tpu.memory_space<vmem>>) dst(%dma_wait3A_84 : memref<10240x128xf32, #tpu.memory_space<vmem_shared>>)
        tpu.yield
      }) : () -> ()
    }
    %scan3A_30 = arith.constant 80 : i32
    %barrier3A_31 = arith.constant 0 : index
    tpu.barrier barrier_id(%barrier3A_31)
    %add3A_32 = arith.constant 2 : i32
    %add3A_33 = arith.addi %add3A_32, %arg0 : i32
    %mul3A_34 = arith.constant 10240 : i32
    %mul3A_35 = arith.muli %add3A_33, %mul3A_34 : i32
    %mul3A_36 = arith.constant 640 : i32
    %mul3A_37 = arith.muli %arg1, %mul3A_36 : i32
    %add3A_38 = arith.addi %mul3A_35, %mul3A_37 : i32
    %mul3A_39 = arith.constant 640 : i32
    %mul3A_40 = arith.muli %arg1, %mul3A_39 : i32
    "tpu.region"() ({
      %run_scoped3A = tpu.sem_alloc : memref<!tpu.dma_semaphore, #tpu.memory_space<semaphore_mem>>
      %dma_start3A = arith.constant 0 : i32
      %dma_start3A_62 = tpu.memref_slice %arg6[%add3A_38, %dma_start3A] : memref<61440x128xf32, #tpu.memory_space<hbm>> -> memref<640x128xf32, #tpu.memory_space<hbm>>
      %dma_start3A_63 = arith.constant 0 : i32
      %dma_start3A_64 = tpu.memref_slice %arg10[%mul3A_40, %dma_start3A_63] : memref<10240x128xf32, #tpu.memory_space<vmem_shared>> -> memref<640x128xf32, #tpu.memory_space<vmem_shared>>
      tpu.enqueue_dma source(%dma_start3A_64 : memref<640x128xf32, #tpu.memory_space<vmem_shared>>) target(%dma_start3A_62 : memref<640x128xf32, #tpu.memory_space<hbm>>) target_semaphore(%run_scoped3A : memref<!tpu.dma_semaphore, #tpu.memory_space<semaphore_mem>>)
      %dma_wait3A = arith.constant 0 : i32
      %dma_wait3A_65 = tpu.memref_slice %arg6[%add3A_38, %dma_wait3A] : memref<61440x128xf32, #tpu.memory_space<hbm>> -> memref<640x128xf32, #tpu.memory_space<hbm>>
      %dma_wait3A_66 = arith.constant 0 : i32
      %dma_wait3A_67 = tpu.memref_slice %arg10[%mul3A_40, %dma_wait3A_66] : memref<10240x128xf32, #tpu.memory_space<vmem_shared>> -> memref<640x128xf32, #tpu.memory_space<vmem_shared>>
      tpu.wait_dma2 semaphore(%run_scoped3A : memref<!tpu.dma_semaphore, #tpu.memory_space<semaphore_mem>>) src(%dma_wait3A_67 : memref<640x128xf32, #tpu.memory_space<vmem_shared>>) dst(%dma_wait3A_65 : memref<640x128xf32, #tpu.memory_space<hbm>>)
      tpu.yield
    }) : () -> ()
    %add3A_41 = arith.constant 64 : i32
    %add3A_42 = arith.addi %add3A_41, %add3A : i32
    "tpu.region"() ({
      %run_scoped3A = tpu.sem_alloc : memref<!tpu.dma_semaphore, #tpu.memory_space<semaphore_mem>>
      %dma_start3A = arith.constant 0 : i32
      %dma_start3A_62 = arith.constant 0 : i32
      %dma_start3A_63 = tpu.memref_slice %arg3[%add3A_42, %dma_start3A, %dma_start3A_62] : memref<96x80x125xi32, #tpu.memory_space<hbm>> -> memref<1x80x125xi32, #tpu.memory_space<hbm>>
      %dma_start3A_64 = tpu.memref_squeeze %dma_start3A_63 : memref<1x80x125xi32, #tpu.memory_space<hbm>> -> memref<80x125xi32, #tpu.memory_space<hbm>>
      %dma_start3A_65 = arith.constant 0 : i32
      %dma_start3A_66 = arith.constant 0 : i32
      %dma_start3A_67 = tpu.memref_slice %arg3[%add3A_42, %dma_start3A_65, %dma_start3A_66] : memref<96x80x125xi32, #tpu.memory_space<hbm>> -> memref<1x80x125xi32, #tpu.memory_space<hbm>>
      %dma_start3A_68 = tpu.memref_squeeze %dma_start3A_67 : memref<1x80x125xi32, #tpu.memory_space<hbm>> -> memref<80x125xi32, #tpu.memory_space<hbm>>
      tpu.enqueue_dma source(%dma_start3A_68 : memref<80x125xi32, #tpu.memory_space<hbm>>) target(%arg7 : memref<80x125xi32, #tpu.memory_space<vmem>>) target_semaphore(%run_scoped3A : memref<!tpu.dma_semaphore, #tpu.memory_space<semaphore_mem>>)
      %dma_wait3A = arith.constant 0 : i32
      %dma_wait3A_69 = arith.constant 0 : i32
      %dma_wait3A_70 = tpu.memref_slice %arg3[%add3A_42, %dma_wait3A, %dma_wait3A_69] : memref<96x80x125xi32, #tpu.memory_space<hbm>> -> memref<1x80x125xi32, #tpu.memory_space<hbm>>
      %dma_wait3A_71 = tpu.memref_squeeze %dma_wait3A_70 : memref<1x80x125xi32, #tpu.memory_space<hbm>> -> memref<80x125xi32, #tpu.memory_space<hbm>>
      %dma_wait3A_72 = arith.constant 0 : i32
      %dma_wait3A_73 = arith.constant 0 : i32
      %dma_wait3A_74 = tpu.memref_slice %arg3[%add3A_42, %dma_wait3A_72, %dma_wait3A_73] : memref<96x80x125xi32, #tpu.memory_space<hbm>> -> memref<1x80x125xi32, #tpu.memory_space<hbm>>
      %dma_wait3A_75 = tpu.memref_squeeze %dma_wait3A_74 : memref<1x80x125xi32, #tpu.memory_space<hbm>> -> memref<80x125xi32, #tpu.memory_space<hbm>>
      tpu.wait_dma2 semaphore(%run_scoped3A : memref<!tpu.dma_semaphore, #tpu.memory_space<semaphore_mem>>) src(%dma_wait3A_75 : memref<80x125xi32, #tpu.memory_space<hbm>>) dst(%arg7 : memref<80x125xi32, #tpu.memory_space<vmem>>)
      tpu.yield
    }) : () -> ()
    %mul3A_43 = arith.constant 640 : i32
    %mul3A_44 = arith.muli %arg1, %mul3A_43 : i32
    "tpu.region"() ({
      %run_scoped3A = tpu.sem_alloc : memref<!tpu.dma_semaphore, #tpu.memory_space<semaphore_mem>>
      %dma_start3A = arith.constant 0 : i32
      %dma_start3A_62 = tpu.memref_slice %arg10[%mul3A_44, %dma_start3A] : memref<10240x128xf32, #tpu.memory_space<vmem_shared>> -> memref<640x128xf32, #tpu.memory_space<vmem_shared>>
      tpu.enqueue_dma source(%arg5 : memref<640x128xf32, #tpu.memory_space<hbm>>) target(%dma_start3A_62 : memref<640x128xf32, #tpu.memory_space<vmem_shared>>) target_semaphore(%run_scoped3A : memref<!tpu.dma_semaphore, #tpu.memory_space<semaphore_mem>>)
      %dma_wait3A = arith.constant 0 : i32
      %dma_wait3A_63 = tpu.memref_slice %arg10[%mul3A_44, %dma_wait3A] : memref<10240x128xf32, #tpu.memory_space<vmem_shared>> -> memref<640x128xf32, #tpu.memory_space<vmem_shared>>
      tpu.wait_dma2 semaphore(%run_scoped3A : memref<!tpu.dma_semaphore, #tpu.memory_space<semaphore_mem>>) src(%arg5 : memref<640x128xf32, #tpu.memory_space<hbm>>) dst(%dma_wait3A_63 : memref<640x128xf32, #tpu.memory_space<vmem_shared>>)
      tpu.yield
    }) : () -> ()
    %barrier3A_45 = arith.constant 0 : index
    tpu.barrier barrier_id(%barrier3A_45)
    %scan3A_46 = arith.constant 0 : i32
    %scan3A_47 = arith.constant 0 : i32
    %scan3A_48 = arith.constant 80 : i32
    %scan3A_49 = arith.addi %scan3A_47, %scan3A_48 : i32
    %scan3A_50 = arith.constant 1 : i32
    scf.for %scan3A_62 = %scan3A_47 to %scan3A_49 step %scan3A_50  : i32 {
      %dma_start3A = arith.constant 0 : i32
      %dma_start3A_63 = tpu.memref_slice %arg7[%scan3A_62, %dma_start3A] : memref<80x125xi32, #tpu.memory_space<vmem>> -> memref<1x125xi32, #tpu.memory_space<vmem>>
      %dma_start3A_64 = tpu.memref_squeeze %dma_start3A_63 : memref<1x125xi32, #tpu.memory_space<vmem>> -> memref<125xi32, #tpu.memory_space<vmem>>
      %dma_start3A_65 = arith.constant 0 : i32
      %dma_start3A_66 = arith.constant 0 : i32
      %dma_start3A_67 = tpu.memref_slice %arg2[%dma_start3A_65, %dma_start3A_66] : memref<30000x128xf32, #tpu.memory_space<hbm>> -> memref<30000x128xf32, #tpu.memory_space<hbm>>
      tpu.enqueue_indirect_dma source(%dma_start3A_67 : memref<30000x128xf32, #tpu.memory_space<hbm>>) target(%arg9 : memref<125x128xf32, #tpu.memory_space<vmem>>) offsets(%dma_start3A_64 : memref<125xi32, #tpu.memory_space<vmem>>) semaphore(%arg11 : memref<!tpu.dma_semaphore, #tpu.memory_space<semaphore_mem>>)
      %dma_wait3A = arith.constant 0 : i32
      %dma_wait3A_68 = tpu.memref_slice %arg7[%scan3A_62, %dma_wait3A] : memref<80x125xi32, #tpu.memory_space<vmem>> -> memref<1x125xi32, #tpu.memory_space<vmem>>
      %dma_wait3A_69 = tpu.memref_squeeze %dma_wait3A_68 : memref<1x125xi32, #tpu.memory_space<vmem>> -> memref<125xi32, #tpu.memory_space<vmem>>
      %dma_wait3A_70 = arith.constant 0 : i32
      %dma_wait3A_71 = arith.constant 0 : i32
      %dma_wait3A_72 = tpu.memref_slice %arg2[%dma_wait3A_70, %dma_wait3A_71] : memref<30000x128xf32, #tpu.memory_space<hbm>> -> memref<30000x128xf32, #tpu.memory_space<hbm>>
      tpu.wait_indirect_dma semaphore(%arg11 : memref<!tpu.dma_semaphore, #tpu.memory_space<semaphore_mem>>) src(%dma_wait3A_72 : memref<30000x128xf32, #tpu.memory_space<hbm>>) dst(%arg9 : memref<125x128xf32, #tpu.memory_space<vmem>>)
      "tpu.region"() ({
        %run_scoped3A = tpu.sem_alloc : memref<!tpu.dma_semaphore, #tpu.memory_space<semaphore_mem>>
        %dma_start3A_73 = arith.constant 0 : i32
        %dma_start3A_74 = tpu.memref_slice %arg8[%scan3A_62, %dma_start3A_73] : memref<80x125xi32, #tpu.memory_space<vmem>> -> memref<1x125xi32, #tpu.memory_space<vmem>>
        %dma_start3A_75 = tpu.memref_squeeze %dma_start3A_74 : memref<1x125xi32, #tpu.memory_space<vmem>> -> memref<125xi32, #tpu.memory_space<vmem>>
        %dma_start3A_76 = arith.constant 0 : i32
        %dma_start3A_77 = arith.constant 0 : i32
        %dma_start3A_78 = tpu.memref_slice %arg10[%dma_start3A_76, %dma_start3A_77] : memref<10240x128xf32, #tpu.memory_space<vmem_shared>> -> memref<10240x128xf32, #tpu.memory_space<vmem_shared>>
        tpu.enqueue_indirect_dma source(%arg9 : memref<125x128xf32, #tpu.memory_space<vmem>>) target(%dma_start3A_78 : memref<10240x128xf32, #tpu.memory_space<vmem_shared>>) offsets(%dma_start3A_75 : memref<125xi32, #tpu.memory_space<vmem>>) semaphore(%run_scoped3A : memref<!tpu.dma_semaphore, #tpu.memory_space<semaphore_mem>>) {add = true}
        %dma_wait3A_79 = arith.constant 0 : i32
        %dma_wait3A_80 = tpu.memref_slice %arg8[%scan3A_62, %dma_wait3A_79] : memref<80x125xi32, #tpu.memory_space<vmem>> -> memref<1x125xi32, #tpu.memory_space<vmem>>
        %dma_wait3A_81 = tpu.memref_squeeze %dma_wait3A_80 : memref<1x125xi32, #tpu.memory_space<vmem>> -> memref<125xi32, #tpu.memory_space<vmem>>
        %dma_wait3A_82 = arith.constant 0 : i32
        %dma_wait3A_83 = arith.constant 0 : i32
        %dma_wait3A_84 = tpu.memref_slice %arg10[%dma_wait3A_82, %dma_wait3A_83] : memref<10240x128xf32, #tpu.memory_space<vmem_shared>> -> memref<10240x128xf32, #tpu.memory_space<vmem_shared>>
        tpu.wait_indirect_dma semaphore(%run_scoped3A : memref<!tpu.dma_semaphore, #tpu.memory_space<semaphore_mem>>) src(%arg9 : memref<125x128xf32, #tpu.memory_space<vmem>>) dst(%dma_wait3A_84 : memref<10240x128xf32, #tpu.memory_space<vmem_shared>>)
        tpu.yield
      }) : () -> ()
    }
    %scan3A_51 = arith.constant 80 : i32
    %barrier3A_52 = arith.constant 0 : index
    tpu.barrier barrier_id(%barrier3A_52)
    %add3A_53 = arith.constant 4 : i32
    %add3A_54 = arith.addi %add3A_53, %arg0 : i32
    %mul3A_55 = arith.constant 10240 : i32
    %mul3A_56 = arith.muli %add3A_54, %mul3A_55 : i32
    %mul3A_57 = arith.constant 640 : i32
    %mul3A_58 = arith.muli %arg1, %mul3A_57 : i32
    %add3A_59 = arith.addi %mul3A_56, %mul3A_58 : i32
    %mul3A_60 = arith.constant 640 : i32
    %mul3A_61 = arith.muli %arg1, %mul3A_60 : i32
    "tpu.region"() ({
      %run_scoped3A = tpu.sem_alloc : memref<!tpu.dma_semaphore, #tpu.memory_space<semaphore_mem>>
      %dma_start3A = arith.constant 0 : i32
      %dma_start3A_62 = tpu.memref_slice %arg6[%add3A_59, %dma_start3A] : memref<61440x128xf32, #tpu.memory_space<hbm>> -> memref<640x128xf32, #tpu.memory_space<hbm>>
      %dma_start3A_63 = arith.constant 0 : i32
      %dma_start3A_64 = tpu.memref_slice %arg10[%mul3A_61, %dma_start3A_63] : memref<10240x128xf32, #tpu.memory_space<vmem_shared>> -> memref<640x128xf32, #tpu.memory_space<vmem_shared>>
      tpu.enqueue_dma source(%dma_start3A_64 : memref<640x128xf32, #tpu.memory_space<vmem_shared>>) target(%dma_start3A_62 : memref<640x128xf32, #tpu.memory_space<hbm>>) target_semaphore(%run_scoped3A : memref<!tpu.dma_semaphore, #tpu.memory_space<semaphore_mem>>)
      %dma_wait3A = arith.constant 0 : i32
      %dma_wait3A_65 = tpu.memref_slice %arg6[%add3A_59, %dma_wait3A] : memref<61440x128xf32, #tpu.memory_space<hbm>> -> memref<640x128xf32, #tpu.memory_space<hbm>>
      %dma_wait3A_66 = arith.constant 0 : i32
      %dma_wait3A_67 = tpu.memref_slice %arg10[%mul3A_61, %dma_wait3A_66] : memref<10240x128xf32, #tpu.memory_space<vmem_shared>> -> memref<640x128xf32, #tpu.memory_space<vmem_shared>>
      tpu.wait_dma2 semaphore(%run_scoped3A : memref<!tpu.dma_semaphore, #tpu.memory_space<semaphore_mem>>) src(%dma_wait3A_67 : memref<640x128xf32, #tpu.memory_space<vmem_shared>>) dst(%dma_wait3A_65 : memref<640x128xf32, #tpu.memory_space<hbm>>)
      tpu.yield
    }) : () -> ()
    return
  }
}

module attributes {stable_mosaic.version = 14 : i64} {
  func.func @_h0_body(%arg0: i32, %arg1: memref<1000x128xf32, #tpu.memory_space<vmem>>, %arg2: memref<3x128x128xf32, #tpu.memory_space<vmem>>, %arg3: memref<3x1000x128xf32, #tpu.memory_space<vmem>>) attributes {dimension_semantics = [#tpu.dimension_semantics<arbitrary>], iteration_bounds = array<i64: 10>, scalar_prefetch = 0 : i64, scratch_operands = 0 : i64, tpu.core_type = #tpu.core_type<tc>, window_params = [{transform_indices = @transform_0, window_bounds = array<i64: 1000, 128>}, {pipeline_mode = #tpu.pipeline_mode<synchronous>, transform_indices = @transform_1, window_bounds = array<i64: 3, 128, 128>}, {transform_indices = @transform_2, window_bounds = array<i64: 3, 1000, 128>}]} {
    %get3A = arith.constant 0 : index
    %get3A_0 = arith.constant 0 : index
    %get3A_1 = vector.load %arg1[%get3A, %get3A_0] : memref<1000x128xf32, #tpu.memory_space<vmem>>, vector<1000x128xf32>
    %get3A_2 = arith.constant 0 : index
    %get3A_3 = arith.constant 0 : index
    %get3A_4 = arith.constant 0 : index
    %get3A_5 = vector.load %arg2[%get3A_2, %get3A_3, %get3A_4] : memref<3x128x128xf32, #tpu.memory_space<vmem>>, vector<1x128x128xf32>
    %get3A_6 = vector.shape_cast %get3A_5 : vector<1x128x128xf32> to vector<128x128xf32>
    %dot_general3A = arith.constant dense<0.000000e+00> : vector<1000x128xf32>
    %dot_general3A_7 = tpu.matmul %get3A_1, %get3A_6, %dot_general3A {dimension_numbers = #tpu.dot_dimension_numbers<[1], [0], [0], [1], [0, 0, 1, 1], [], []>, transpose_lhs_hint = false} : vector<1000x128xf32>, vector<128x128xf32>, vector<1000x128xf32> -> vector<1000x128xf32>
    %max3A = arith.constant 0.000000e+00 : f32
    %max3A_8 = vector.broadcast %max3A : f32 to vector<1000x128xf32>
    %max3A_9 = arith.maximumf %dot_general3A_7, %max3A_8 : vector<1000x128xf32>
    %swap3A = arith.constant 0 : index
    %swap3A_10 = arith.constant 0 : index
    %swap3A_11 = arith.constant 0 : index
    %swap3A_12 = vector.load %arg3[%swap3A, %swap3A_10, %swap3A_11] : memref<3x1000x128xf32, #tpu.memory_space<vmem>>, vector<1x1000x128xf32>
    %swap3A_13 = vector.shape_cast %swap3A_12 : vector<1x1000x128xf32> to vector<1000x128xf32>
    %swap3A_14 = vector.shape_cast %max3A_9 : vector<1000x128xf32> to vector<1x1000x128xf32>
    tpu.vector_store %arg3[%swap3A, %swap3A_10, %swap3A_11], %swap3A_14 {strides = array<i32>} : memref<3x1000x128xf32, #tpu.memory_space<vmem>>, vector<1x1000x128xf32>,
    %get3A_15 = arith.constant 1 : index
    %get3A_16 = arith.constant 0 : index
    %get3A_17 = arith.constant 0 : index
    %get3A_18 = vector.load %arg2[%get3A_15, %get3A_16, %get3A_17] : memref<3x128x128xf32, #tpu.memory_space<vmem>>, vector<1x128x128xf32>
    %get3A_19 = vector.shape_cast %get3A_18 : vector<1x128x128xf32> to vector<128x128xf32>
    %dot_general3A_20 = arith.constant dense<0.000000e+00> : vector<1000x128xf32>
    %dot_general3A_21 = tpu.matmul %get3A_1, %get3A_19, %dot_general3A_20 {dimension_numbers = #tpu.dot_dimension_numbers<[1], [0], [0], [1], [0, 0, 1, 1], [], []>, transpose_lhs_hint = false} : vector<1000x128xf32>, vector<128x128xf32>, vector<1000x128xf32> -> vector<1000x128xf32>
    %max3A_22 = arith.constant 0.000000e+00 : f32
    %max3A_23 = vector.broadcast %max3A_22 : f32 to vector<1000x128xf32>
    %max3A_24 = arith.maximumf %dot_general3A_21, %max3A_23 : vector<1000x128xf32>
    %swap3A_25 = arith.constant 1 : index
    %swap3A_26 = arith.constant 0 : index
    %swap3A_27 = arith.constant 0 : index
    %swap3A_28 = vector.load %arg3[%swap3A_25, %swap3A_26, %swap3A_27] : memref<3x1000x128xf32, #tpu.memory_space<vmem>>, vector<1x1000x128xf32>
    %swap3A_29 = vector.shape_cast %swap3A_28 : vector<1x1000x128xf32> to vector<1000x128xf32>
    %swap3A_30 = vector.shape_cast %max3A_24 : vector<1000x128xf32> to vector<1x1000x128xf32>
    tpu.vector_store %arg3[%swap3A_25, %swap3A_26, %swap3A_27], %swap3A_30 {strides = array<i32>} : memref<3x1000x128xf32, #tpu.memory_space<vmem>>, vector<1x1000x128xf32>,
    %get3A_31 = arith.constant 2 : index
    %get3A_32 = arith.constant 0 : index
    %get3A_33 = arith.constant 0 : index
    %get3A_34 = vector.load %arg2[%get3A_31, %get3A_32, %get3A_33] : memref<3x128x128xf32, #tpu.memory_space<vmem>>, vector<1x128x128xf32>
    %get3A_35 = vector.shape_cast %get3A_34 : vector<1x128x128xf32> to vector<128x128xf32>
    %dot_general3A_36 = arith.constant dense<0.000000e+00> : vector<1000x128xf32>
    %dot_general3A_37 = tpu.matmul %get3A_1, %get3A_35, %dot_general3A_36 {dimension_numbers = #tpu.dot_dimension_numbers<[1], [0], [0], [1], [0, 0, 1, 1], [], []>, transpose_lhs_hint = false} : vector<1000x128xf32>, vector<128x128xf32>, vector<1000x128xf32> -> vector<1000x128xf32>
    %max3A_38 = arith.constant 0.000000e+00 : f32
    %max3A_39 = vector.broadcast %max3A_38 : f32 to vector<1000x128xf32>
    %max3A_40 = arith.maximumf %dot_general3A_37, %max3A_39 : vector<1000x128xf32>
    %swap3A_41 = arith.constant 2 : index
    %swap3A_42 = arith.constant 0 : index
    %swap3A_43 = arith.constant 0 : index
    %swap3A_44 = vector.load %arg3[%swap3A_41, %swap3A_42, %swap3A_43] : memref<3x1000x128xf32, #tpu.memory_space<vmem>>, vector<1x1000x128xf32>
    %swap3A_45 = vector.shape_cast %swap3A_44 : vector<1x1000x128xf32> to vector<1000x128xf32>
    %swap3A_46 = vector.shape_cast %max3A_40 : vector<1000x128xf32> to vector<1x1000x128xf32>
    tpu.vector_store %arg3[%swap3A_41, %swap3A_42, %swap3A_43], %swap3A_46 {strides = array<i32>} : memref<3x1000x128xf32, #tpu.memory_space<vmem>>, vector<1x1000x128xf32>,
    return
  }
  func.func @transform_0(%arg0: i32) -> (i32, i32) {
    %c0_i32 = arith.constant 0 : i32
    %c0_i32_0 = arith.constant 0 : i32
    return %arg0, %c0_i32 : i32, i32
  }
  func.func @transform_1(%arg0: i32) -> (i32, i32, i32) {
    %c0_i32 = arith.constant 0 : i32
    %c0_i32_0 = arith.constant 0 : i32
    %c0_i32_1 = arith.constant 0 : i32
    %c0_i32_2 = arith.constant 0 : i32
    return %c0_i32, %c0_i32_0, %c0_i32_1 : i32, i32, i32
  }
  func.func @transform_2(%arg0: i32) -> (i32, i32, i32) {
    %c0_i32 = arith.constant 0 : i32
    %c0_i32_0 = arith.constant 0 : i32
    %c0_i32_1 = arith.constant 0 : i32
    return %c0_i32, %arg0, %c0_i32_0 : i32, i32, i32
  }
}

module attributes {stable_mosaic.version = 14 : i64} {
  func.func @_upd_body(%arg0: i32, %arg1: memref<3x1000x128xf32, #tpu.memory_space<vmem>>, %arg2: memref<3x2x1000x128xf32, #tpu.memory_space<vmem>>, %arg3: memref<3x128x128xf32, #tpu.memory_space<vmem>>, %arg4: memref<3x1000x128xf32, #tpu.memory_space<vmem>>) attributes {dimension_semantics = [#tpu.dimension_semantics<arbitrary>], iteration_bounds = array<i64: 10>, scalar_prefetch = 0 : i64, scratch_operands = 0 : i64, tpu.core_type = #tpu.core_type<tc>, window_params = [{transform_indices = @transform_0, window_bounds = array<i64: 3, 1000, 128>}, {transform_indices = @transform_1, window_bounds = array<i64: 3, 2, 1000, 128>}, {pipeline_mode = #tpu.pipeline_mode<synchronous>, transform_indices = @transform_2, window_bounds = array<i64: 3, 128, 128>}, {transform_indices = @transform_3, window_bounds = array<i64: 3, 1000, 128>}]} {
    %get3A = arith.constant 0 : index
    %get3A_0 = arith.constant 0 : index
    %get3A_1 = arith.constant 0 : index
    %get3A_2 = arith.constant 0 : index
    %get3A_3 = vector.load %arg2[%get3A, %get3A_0, %get3A_1, %get3A_2] : memref<3x2x1000x128xf32, #tpu.memory_space<vmem>>, vector<1x1x1000x128xf32>
    %get3A_4 = vector.shape_cast %get3A_3 : vector<1x1x1000x128xf32> to vector<1000x128xf32>
    %get3A_5 = arith.constant 0 : index
    %get3A_6 = arith.constant 1 : index
    %get3A_7 = arith.constant 0 : index
    %get3A_8 = arith.constant 0 : index
    %get3A_9 = vector.load %arg2[%get3A_5, %get3A_6, %get3A_7, %get3A_8] : memref<3x2x1000x128xf32, #tpu.memory_space<vmem>>, vector<1x1x1000x128xf32>
    %get3A_10 = vector.shape_cast %get3A_9 : vector<1x1x1000x128xf32> to vector<1000x128xf32>
    %add3A = arith.addf %get3A_4, %get3A_10 : vector<1000x128xf32>
    %get3A_11 = arith.constant 0 : index
    %get3A_12 = arith.constant 0 : index
    %get3A_13 = arith.constant 0 : index
    %get3A_14 = vector.load %arg1[%get3A_11, %get3A_12, %get3A_13] : memref<3x1000x128xf32, #tpu.memory_space<vmem>>, vector<1x1000x128xf32>
    %get3A_15 = vector.shape_cast %get3A_14 : vector<1x1000x128xf32> to vector<1000x128xf32>
    %get3A_16 = arith.constant 0 : index
    %get3A_17 = arith.constant 0 : index
    %get3A_18 = arith.constant 0 : index
    %get3A_19 = vector.load %arg3[%get3A_16, %get3A_17, %get3A_18] : memref<3x128x128xf32, #tpu.memory_space<vmem>>, vector<1x128x128xf32>
    %get3A_20 = vector.shape_cast %get3A_19 : vector<1x128x128xf32> to vector<128x128xf32>
    %dot_general3A = arith.constant dense<0.000000e+00> : vector<1000x128xf32>
    %dot_general3A_21 = tpu.matmul %add3A, %get3A_20, %dot_general3A {dimension_numbers = #tpu.dot_dimension_numbers<[1], [0], [0], [1], [0, 0, 1, 1], [], []>, transpose_lhs_hint = false} : vector<1000x128xf32>, vector<128x128xf32>, vector<1000x128xf32> -> vector<1000x128xf32>
    %add3A_22 = arith.addf %get3A_15, %dot_general3A_21 : vector<1000x128xf32>
    %max3A = arith.constant 0.000000e+00 : f32
    %max3A_23 = vector.broadcast %max3A : f32 to vector<1000x128xf32>
    %max3A_24 = arith.maximumf %add3A_22, %max3A_23 : vector<1000x128xf32>
    %swap3A = arith.constant 0 : index
    %swap3A_25 = arith.constant 0 : index
    %swap3A_26 = arith.constant 0 : index
    %swap3A_27 = vector.load %arg4[%swap3A, %swap3A_25, %swap3A_26] : memref<3x1000x128xf32, #tpu.memory_space<vmem>>, vector<1x1000x128xf32>
    %swap3A_28 = vector.shape_cast %swap3A_27 : vector<1x1000x128xf32> to vector<1000x128xf32>
    %swap3A_29 = vector.shape_cast %max3A_24 : vector<1000x128xf32> to vector<1x1000x128xf32>
    tpu.vector_store %arg4[%swap3A, %swap3A_25, %swap3A_26], %swap3A_29 {strides = array<i32>} : memref<3x1000x128xf32, #tpu.memory_space<vmem>>, vector<1x1000x128xf32>,
    %get3A_30 = arith.constant 1 : index
    %get3A_31 = arith.constant 0 : index
    %get3A_32 = arith.constant 0 : index
    %get3A_33 = arith.constant 0 : index
    %get3A_34 = vector.load %arg2[%get3A_30, %get3A_31, %get3A_32, %get3A_33] : memref<3x2x1000x128xf32, #tpu.memory_space<vmem>>, vector<1x1x1000x128xf32>
    %get3A_35 = vector.shape_cast %get3A_34 : vector<1x1x1000x128xf32> to vector<1000x128xf32>
    %get3A_36 = arith.constant 1 : index
    %get3A_37 = arith.constant 1 : index
    %get3A_38 = arith.constant 0 : index
    %get3A_39 = arith.constant 0 : index
    %get3A_40 = vector.load %arg2[%get3A_36, %get3A_37, %get3A_38, %get3A_39] : memref<3x2x1000x128xf32, #tpu.memory_space<vmem>>, vector<1x1x1000x128xf32>
    %get3A_41 = vector.shape_cast %get3A_40 : vector<1x1x1000x128xf32> to vector<1000x128xf32>
    %add3A_42 = arith.addf %get3A_35, %get3A_41 : vector<1000x128xf32>
    %get3A_43 = arith.constant 1 : index
    %get3A_44 = arith.constant 0 : index
    %get3A_45 = arith.constant 0 : index
    %get3A_46 = vector.load %arg1[%get3A_43, %get3A_44, %get3A_45] : memref<3x1000x128xf32, #tpu.memory_space<vmem>>, vector<1x1000x128xf32>
    %get3A_47 = vector.shape_cast %get3A_46 : vector<1x1000x128xf32> to vector<1000x128xf32>
    %get3A_48 = arith.constant 1 : index
    %get3A_49 = arith.constant 0 : index
    %get3A_50 = arith.constant 0 : index
    %get3A_51 = vector.load %arg3[%get3A_48, %get3A_49, %get3A_50] : memref<3x128x128xf32, #tpu.memory_space<vmem>>, vector<1x128x128xf32>
    %get3A_52 = vector.shape_cast %get3A_51 : vector<1x128x128xf32> to vector<128x128xf32>
    %dot_general3A_53 = arith.constant dense<0.000000e+00> : vector<1000x128xf32>
    %dot_general3A_54 = tpu.matmul %add3A_42, %get3A_52, %dot_general3A_53 {dimension_numbers = #tpu.dot_dimension_numbers<[1], [0], [0], [1], [0, 0, 1, 1], [], []>, transpose_lhs_hint = false} : vector<1000x128xf32>, vector<128x128xf32>, vector<1000x128xf32> -> vector<1000x128xf32>
    %add3A_55 = arith.addf %get3A_47, %dot_general3A_54 : vector<1000x128xf32>
    %max3A_56 = arith.constant 0.000000e+00 : f32
    %max3A_57 = vector.broadcast %max3A_56 : f32 to vector<1000x128xf32>
    %max3A_58 = arith.maximumf %add3A_55, %max3A_57 : vector<1000x128xf32>
    %swap3A_59 = arith.constant 1 : index
    %swap3A_60 = arith.constant 0 : index
    %swap3A_61 = arith.constant 0 : index
    %swap3A_62 = vector.load %arg4[%swap3A_59, %swap3A_60, %swap3A_61] : memref<3x1000x128xf32, #tpu.memory_space<vmem>>, vector<1x1000x128xf32>
    %swap3A_63 = vector.shape_cast %swap3A_62 : vector<1x1000x128xf32> to vector<1000x128xf32>
    %swap3A_64 = vector.shape_cast %max3A_58 : vector<1000x128xf32> to vector<1x1000x128xf32>
    tpu.vector_store %arg4[%swap3A_59, %swap3A_60, %swap3A_61], %swap3A_64 {strides = array<i32>} : memref<3x1000x128xf32, #tpu.memory_space<vmem>>, vector<1x1000x128xf32>,
    %get3A_65 = arith.constant 2 : index
    %get3A_66 = arith.constant 0 : index
    %get3A_67 = arith.constant 0 : index
    %get3A_68 = arith.constant 0 : index
    %get3A_69 = vector.load %arg2[%get3A_65, %get3A_66, %get3A_67, %get3A_68] : memref<3x2x1000x128xf32, #tpu.memory_space<vmem>>, vector<1x1x1000x128xf32>
    %get3A_70 = vector.shape_cast %get3A_69 : vector<1x1x1000x128xf32> to vector<1000x128xf32>
    %get3A_71 = arith.constant 2 : index
    %get3A_72 = arith.constant 1 : index
    %get3A_73 = arith.constant 0 : index
    %get3A_74 = arith.constant 0 : index
    %get3A_75 = vector.load %arg2[%get3A_71, %get3A_72, %get3A_73, %get3A_74] : memref<3x2x1000x128xf32, #tpu.memory_space<vmem>>, vector<1x1x1000x128xf32>
    %get3A_76 = vector.shape_cast %get3A_75 : vector<1x1x1000x128xf32> to vector<1000x128xf32>
    %add3A_77 = arith.addf %get3A_70, %get3A_76 : vector<1000x128xf32>
    %get3A_78 = arith.constant 2 : index
    %get3A_79 = arith.constant 0 : index
    %get3A_80 = arith.constant 0 : index
    %get3A_81 = vector.load %arg1[%get3A_78, %get3A_79, %get3A_80] : memref<3x1000x128xf32, #tpu.memory_space<vmem>>, vector<1x1000x128xf32>
    %get3A_82 = vector.shape_cast %get3A_81 : vector<1x1000x128xf32> to vector<1000x128xf32>
    %get3A_83 = arith.constant 2 : index
    %get3A_84 = arith.constant 0 : index
    %get3A_85 = arith.constant 0 : index
    %get3A_86 = vector.load %arg3[%get3A_83, %get3A_84, %get3A_85] : memref<3x128x128xf32, #tpu.memory_space<vmem>>, vector<1x128x128xf32>
    %get3A_87 = vector.shape_cast %get3A_86 : vector<1x128x128xf32> to vector<128x128xf32>
    %dot_general3A_88 = arith.constant dense<0.000000e+00> : vector<1000x128xf32>
    %dot_general3A_89 = tpu.matmul %add3A_77, %get3A_87, %dot_general3A_88 {dimension_numbers = #tpu.dot_dimension_numbers<[1], [0], [0], [1], [0, 0, 1, 1], [], []>, transpose_lhs_hint = false} : vector<1000x128xf32>, vector<128x128xf32>, vector<1000x128xf32> -> vector<1000x128xf32>
    %add3A_90 = arith.addf %get3A_82, %dot_general3A_89 : vector<1000x128xf32>
    %max3A_91 = arith.constant 0.000000e+00 : f32
    %max3A_92 = vector.broadcast %max3A_91 : f32 to vector<1000x128xf32>
    %max3A_93 = arith.maximumf %add3A_90, %max3A_92 : vector<1000x128xf32>
    %swap3A_94 = arith.constant 2 : index
    %swap3A_95 = arith.constant 0 : index
    %swap3A_96 = arith.constant 0 : index
    %swap3A_97 = vector.load %arg4[%swap3A_94, %swap3A_95, %swap3A_96] : memref<3x1000x128xf32, #tpu.memory_space<vmem>>, vector<1x1000x128xf32>
    %swap3A_98 = vector.shape_cast %swap3A_97 : vector<1x1000x128xf32> to vector<1000x128xf32>
    %swap3A_99 = vector.shape_cast %max3A_93 : vector<1000x128xf32> to vector<1x1000x128xf32>
    tpu.vector_store %arg4[%swap3A_94, %swap3A_95, %swap3A_96], %swap3A_99 {strides = array<i32>} : memref<3x1000x128xf32, #tpu.memory_space<vmem>>, vector<1x1000x128xf32>,
    return
  }
  func.func @transform_0(%arg0: i32) -> (i32, i32, i32) {
    %c0_i32 = arith.constant 0 : i32
    %c0_i32_0 = arith.constant 0 : i32
    %c0_i32_1 = arith.constant 0 : i32
    return %c0_i32, %arg0, %c0_i32_0 : i32, i32, i32
  }
  func.func @transform_1(%arg0: i32) -> (i32, i32, i32, i32) {
    %c0_i32 = arith.constant 0 : i32
    %c0_i32_0 = arith.constant 0 : i32
    %c0_i32_1 = arith.constant 0 : i32
    %c0_i32_2 = arith.constant 0 : i32
    return %c0_i32, %c0_i32_0, %arg0, %c0_i32_1 : i32, i32, i32, i32
  }
  func.func @transform_2(%arg0: i32) -> (i32, i32, i32) {
    %c0_i32 = arith.constant 0 : i32
    %c0_i32_0 = arith.constant 0 : i32
    %c0_i32_1 = arith.constant 0 : i32
    %c0_i32_2 = arith.constant 0 : i32
    return %c0_i32, %c0_i32_0, %c0_i32_1 : i32, i32, i32
  }
  func.func @transform_3(%arg0: i32) -> (i32, i32, i32) {
    %c0_i32 = arith.constant 0 : i32
    %c0_i32_0 = arith.constant 0 : i32
    %c0_i32_1 = arith.constant 0 : i32
    return %c0_i32, %arg0, %c0_i32_0 : i32, i32, i32
  }
}

module attributes {stable_mosaic.version = 14 : i64} {
  func.func @_readout_body(%arg0: i32, %arg1: memref<1000x128xf32, #tpu.memory_space<vmem>>, %arg2: memref<3x1000x128xf32, #tpu.memory_space<vmem>>, %arg3: memref<3x256x128xf32, #tpu.memory_space<vmem>>, %arg4: memref<3x128xf32, #tpu.memory_space<vmem>>, %arg5: memref<3x128x128xf32, #tpu.memory_space<vmem>>, %arg6: memref<3x128xf32, #tpu.memory_space<vmem>>, %arg7: memref<3x128xf32, #tpu.memory_space<vmem>>, %arg8: memref<3xf32, #tpu.memory_space<vmem>>, %arg9: memref<3x128x42xf32, #tpu.memory_space<vmem>>, %arg10: memref<3x42xf32, #tpu.memory_space<vmem>>, %arg11: memref<3x42x14xf32, #tpu.memory_space<vmem>>, %arg12: memref<3x14xf32, #tpu.memory_space<vmem>>, %arg13: memref<3x14xf32, #tpu.memory_space<vmem>>, %arg14: memref<3xf32, #tpu.memory_space<vmem>>, %arg15: memref<1x1xf32, #tpu.memory_space<vmem>>, %arg16: memref<3x128xf32, #tpu.memory_space<vmem>>) attributes {dimension_semantics = [#tpu.dimension_semantics<arbitrary>], iteration_bounds = array<i64: 10>, scalar_prefetch = 0 : i64, scratch_operands = 1 : i64, tpu.core_type = #tpu.core_type<tc>, window_params = [{transform_indices = @transform_0, window_bounds = array<i64: 1000, 128>}, {transform_indices = @transform_1, window_bounds = array<i64: 3, 1000, 128>}, {pipeline_mode = #tpu.pipeline_mode<synchronous>, transform_indices = @transform_2, window_bounds = array<i64: 3, 256, 128>}, {pipeline_mode = #tpu.pipeline_mode<synchronous>, transform_indices = @transform_3, window_bounds = array<i64: 3, 128>}, {pipeline_mode = #tpu.pipeline_mode<synchronous>, transform_indices = @transform_4, window_bounds = array<i64: 3, 128, 128>}, {pipeline_mode = #tpu.pipeline_mode<synchronous>, transform_indices = @transform_5, window_bounds = array<i64: 3, 128>}, {pipeline_mode = #tpu.pipeline_mode<synchronous>, transform_indices = @transform_6, window_bounds = array<i64: 3, 128>}, {pipeline_mode = #tpu.pipeline_mode<synchronous>, transform_indices = @transform_7, window_bounds = array<i64: 3>}, {pipeline_mode = #tpu.pipeline_mode<synchronous>, transform_indices = @transform_8, window_bounds = array<i64: 3, 128, 42>}, {pipeline_mode = #tpu.pipeline_mode<synchronous>, transform_indices = @transform_9, window_bounds = array<i64: 3, 42>}, {pipeline_mode = #tpu.pipeline_mode<synchronous>, transform_indices = @transform_10, window_bounds = array<i64: 3, 42, 14>}, {pipeline_mode = #tpu.pipeline_mode<synchronous>, transform_indices = @transform_11, window_bounds = array<i64: 3, 14>}, {pipeline_mode = #tpu.pipeline_mode<synchronous>, transform_indices = @transform_12, window_bounds = array<i64: 3, 14>}, {pipeline_mode = #tpu.pipeline_mode<synchronous>, transform_indices = @transform_13, window_bounds = array<i64: 3>}, {pipeline_mode = #tpu.pipeline_mode<synchronous>, transform_indices = @transform_14, window_bounds = array<i64: 1, 1>}]} {
    %eq3A = arith.constant 0 : i32
    %eq3A_0 = arith.cmpi eq, %arg0, %eq3A : i32
    %convert_element_type3A = arith.extui %eq3A_0 : i1 to i32
    %cond3A = arith.constant 0 : i32
    %cond3A_1 = arith.cmpi ne, %convert_element_type3A, %cond3A : i32
    scf.if %cond3A_1 {
      %broadcast_in_dim3A_129 = arith.constant 0.000000e+00 : f32
      %broadcast_in_dim3A_130 = vector.broadcast %broadcast_in_dim3A_129 : f32 to vector<3x128xf32>
      %swap3A_131 = arith.constant 0 : index
      %swap3A_132 = arith.constant 0 : index
      %swap3A_133 = vector.load %arg16[%swap3A_131, %swap3A_132] : memref<3x128xf32, #tpu.memory_space<vmem>>, vector<3x128xf32>
      tpu.vector_store %arg16[%swap3A_131, %swap3A_132], %broadcast_in_dim3A_130 {strides = array<i32>} : memref<3x128xf32, #tpu.memory_space<vmem>>, vector<3x128xf32>,
    } else {
    }
    %get3A = arith.constant 0 : index
    %get3A_2 = arith.constant 0 : index
    %get3A_3 = vector.load %arg1[%get3A, %get3A_2] : memref<1000x128xf32, #tpu.memory_space<vmem>>, vector<1000x128xf32>
    %get3A_4 = arith.constant 0 : index
    %get3A_5 = arith.constant 0 : index
    %get3A_6 = arith.constant 0 : index
    %get3A_7 = vector.load %arg3[%get3A_4, %get3A_5, %get3A_6] : memref<3x256x128xf32, #tpu.memory_space<vmem>>, vector<1x128x128xf32>
    %get3A_8 = vector.shape_cast %get3A_7 : vector<1x128x128xf32> to vector<128x128xf32>
    %dot_general3A = arith.constant dense<0.000000e+00> : vector<1000x128xf32>
    %dot_general3A_9 = tpu.matmul %get3A_3, %get3A_8, %dot_general3A {dimension_numbers = #tpu.dot_dimension_numbers<[1], [0], [0], [1], [0, 0, 1, 1], [], []>, transpose_lhs_hint = false} : vector<1000x128xf32>, vector<128x128xf32>, vector<1000x128xf32> -> vector<1000x128xf32>
    %get3A_10 = arith.constant 0 : index
    %get3A_11 = arith.constant 0 : index
    %get3A_12 = arith.constant 0 : index
    %get3A_13 = vector.load %arg2[%get3A_10, %get3A_11, %get3A_12] : memref<3x1000x128xf32, #tpu.memory_space<vmem>>, vector<1x1000x128xf32>
    %get3A_14 = vector.shape_cast %get3A_13 : vector<1x1000x128xf32> to vector<1000x128xf32>
    %get3A_15 = arith.constant 0 : index
    %get3A_16 = arith.constant 128 : index
    %get3A_17 = arith.constant 0 : index
    %get3A_18 = vector.load %arg3[%get3A_15, %get3A_16, %get3A_17] : memref<3x256x128xf32, #tpu.memory_space<vmem>>, vector<1x128x128xf32>
    %get3A_19 = vector.shape_cast %get3A_18 : vector<1x128x128xf32> to vector<128x128xf32>
    %dot_general3A_20 = arith.constant dense<0.000000e+00> : vector<1000x128xf32>
    %dot_general3A_21 = tpu.matmul %get3A_14, %get3A_19, %dot_general3A_20 {dimension_numbers = #tpu.dot_dimension_numbers<[1], [0], [0], [1], [0, 0, 1, 1], [], []>, transpose_lhs_hint = false} : vector<1000x128xf32>, vector<128x128xf32>, vector<1000x128xf32> -> vector<1000x128xf32>
    %add3A = arith.addf %dot_general3A_9, %dot_general3A_21 : vector<1000x128xf32>
    %get3A_22 = arith.constant 0 : index
    %get3A_23 = arith.constant 0 : index
    %get3A_24 = vector.load %arg4[%get3A_22, %get3A_23] : memref<3x128xf32, #tpu.memory_space<vmem>>, vector<1x128xf32>
    %get3A_25 = vector.shape_cast %get3A_24 : vector<1x128xf32> to vector<128xf32>
    %broadcast_in_dim3A = vector.shape_cast %get3A_25 : vector<128xf32> to vector<1x128xf32>
    %add3A_26 = vector.broadcast %broadcast_in_dim3A : vector<1x128xf32> to vector<1000x128xf32>
    %add3A_27 = arith.addf %add3A, %add3A_26 : vector<1000x128xf32>
    %max3A = arith.constant 0.000000e+00 : f32
    %max3A_28 = vector.broadcast %max3A : f32 to vector<1000x128xf32>
    %max3A_29 = arith.maximumf %add3A_27, %max3A_28 : vector<1000x128xf32>
    %get3A_30 = arith.constant 0 : index
    %get3A_31 = arith.constant 0 : index
    %get3A_32 = vector.load %arg16[%get3A_30, %get3A_31] : memref<3x128xf32, #tpu.memory_space<vmem>>, vector<1x128xf32>
    %get3A_33 = vector.shape_cast %get3A_32 : vector<1x128xf32> to vector<128xf32>
    %reduce_sum3A = arith.constant dense<0.000000e+00> : vector<128xf32>
    %reduce_sum3A_34 = vector.multi_reduction <add>, %max3A_29, %reduce_sum3A [0] : vector<1000x128xf32> to vector<128xf32>
    %add3A_35 = arith.addf %get3A_33, %reduce_sum3A_34 : vector<128xf32>
    %swap3A = arith.constant 0 : index
    %swap3A_36 = arith.constant 0 : index
    %swap3A_37 = vector.load %arg16[%swap3A, %swap3A_36] : memref<3x128xf32, #tpu.memory_space<vmem>>, vector<1x128xf32>
    %swap3A_38 = vector.shape_cast %swap3A_37 : vector<1x128xf32> to vector<128xf32>
    %swap3A_39 = vector.shape_cast %add3A_35 : vector<128xf32> to vector<1x128xf32>
    tpu.vector_store %arg16[%swap3A, %swap3A_36], %swap3A_39 {strides = array<i32>} : memref<3x128xf32, #tpu.memory_space<vmem>>, vector<1x128xf32>,
    %get3A_40 = arith.constant 1 : index
    %get3A_41 = arith.constant 0 : index
    %get3A_42 = arith.constant 0 : index
    %get3A_43 = vector.load %arg3[%get3A_40, %get3A_41, %get3A_42] : memref<3x256x128xf32, #tpu.memory_space<vmem>>, vector<1x128x128xf32>
    %get3A_44 = vector.shape_cast %get3A_43 : vector<1x128x128xf32> to vector<128x128xf32>
    %dot_general3A_45 = arith.constant dense<0.000000e+00> : vector<1000x128xf32>
    %dot_general3A_46 = tpu.matmul %get3A_3, %get3A_44, %dot_general3A_45 {dimension_numbers = #tpu.dot_dimension_numbers<[1], [0], [0], [1], [0, 0, 1, 1], [], []>, transpose_lhs_hint = false} : vector<1000x128xf32>, vector<128x128xf32>, vector<1000x128xf32> -> vector<1000x128xf32>
    %get3A_47 = arith.constant 1 : index
    %get3A_48 = arith.constant 0 : index
    %get3A_49 = arith.constant 0 : index
    %get3A_50 = vector.load %arg2[%get3A_47, %get3A_48, %get3A_49] : memref<3x1000x128xf32, #tpu.memory_space<vmem>>, vector<1x1000x128xf32>
    %get3A_51 = vector.shape_cast %get3A_50 : vector<1x1000x128xf32> to vector<1000x128xf32>
    %get3A_52 = arith.constant 1 : index
    %get3A_53 = arith.constant 128 : index
    %get3A_54 = arith.constant 0 : index
    %get3A_55 = vector.load %arg3[%get3A_52, %get3A_53, %get3A_54] : memref<3x256x128xf32, #tpu.memory_space<vmem>>, vector<1x128x128xf32>
    %get3A_56 = vector.shape_cast %get3A_55 : vector<1x128x128xf32> to vector<128x128xf32>
    %dot_general3A_57 = arith.constant dense<0.000000e+00> : vector<1000x128xf32>
    %dot_general3A_58 = tpu.matmul %get3A_51, %get3A_56, %dot_general3A_57 {dimension_numbers = #tpu.dot_dimension_numbers<[1], [0], [0], [1], [0, 0, 1, 1], [], []>, transpose_lhs_hint = false} : vector<1000x128xf32>, vector<128x128xf32>, vector<1000x128xf32> -> vector<1000x128xf32>
    %add3A_59 = arith.addf %dot_general3A_46, %dot_general3A_58 : vector<1000x128xf32>
    %get3A_60 = arith.constant 1 : index
    %get3A_61 = arith.constant 0 : index
    %get3A_62 = vector.load %arg4[%get3A_60, %get3A_61] : memref<3x128xf32, #tpu.memory_space<vmem>>, vector<1x128xf32>
    %get3A_63 = vector.shape_cast %get3A_62 : vector<1x128xf32> to vector<128xf32>
    %broadcast_in_dim3A_64 = vector.shape_cast %get3A_63 : vector<128xf32> to vector<1x128xf32>
    %add3A_65 = vector.broadcast %broadcast_in_dim3A_64 : vector<1x128xf32> to vector<1000x128xf32>
    %add3A_66 = arith.addf %add3A_59, %add3A_65 : vector<1000x128xf32>
    %max3A_67 = arith.constant 0.000000e+00 : f32
    %max3A_68 = vector.broadcast %max3A_67 : f32 to vector<1000x128xf32>
    %max3A_69 = arith.maximumf %add3A_66, %max3A_68 : vector<1000x128xf32>
    %get3A_70 = arith.constant 1 : index
    %get3A_71 = arith.constant 0 : index
    %get3A_72 = vector.load %arg16[%get3A_70, %get3A_71] : memref<3x128xf32, #tpu.memory_space<vmem>>, vector<1x128xf32>
    %get3A_73 = vector.shape_cast %get3A_72 : vector<1x128xf32> to vector<128xf32>
    %reduce_sum3A_74 = arith.constant dense<0.000000e+00> : vector<128xf32>
    %reduce_sum3A_75 = vector.multi_reduction <add>, %max3A_69, %reduce_sum3A_74 [0] : vector<1000x128xf32> to vector<128xf32>
    %add3A_76 = arith.addf %get3A_73, %reduce_sum3A_75 : vector<128xf32>
    %swap3A_77 = arith.constant 1 : index
    %swap3A_78 = arith.constant 0 : index
    %swap3A_79 = vector.load %arg16[%swap3A_77, %swap3A_78] : memref<3x128xf32, #tpu.memory_space<vmem>>, vector<1x128xf32>
    %swap3A_80 = vector.shape_cast %swap3A_79 : vector<1x128xf32> to vector<128xf32>
    %swap3A_81 = vector.shape_cast %add3A_76 : vector<128xf32> to vector<1x128xf32>
    tpu.vector_store %arg16[%swap3A_77, %swap3A_78], %swap3A_81 {strides = array<i32>} : memref<3x128xf32, #tpu.memory_space<vmem>>, vector<1x128xf32>,
    %get3A_82 = arith.constant 2 : index
    %get3A_83 = arith.constant 0 : index
    %get3A_84 = arith.constant 0 : index
    %get3A_85 = vector.load %arg3[%get3A_82, %get3A_83, %get3A_84] : memref<3x256x128xf32, #tpu.memory_space<vmem>>, vector<1x128x128xf32>
    %get3A_86 = vector.shape_cast %get3A_85 : vector<1x128x128xf32> to vector<128x128xf32>
    %dot_general3A_87 = arith.constant dense<0.000000e+00> : vector<1000x128xf32>
    %dot_general3A_88 = tpu.matmul %get3A_3, %get3A_86, %dot_general3A_87 {dimension_numbers = #tpu.dot_dimension_numbers<[1], [0], [0], [1], [0, 0, 1, 1], [], []>, transpose_lhs_hint = false} : vector<1000x128xf32>, vector<128x128xf32>, vector<1000x128xf32> -> vector<1000x128xf32>
    %get3A_89 = arith.constant 2 : index
    %get3A_90 = arith.constant 0 : index
    %get3A_91 = arith.constant 0 : index
    %get3A_92 = vector.load %arg2[%get3A_89, %get3A_90, %get3A_91] : memref<3x1000x128xf32, #tpu.memory_space<vmem>>, vector<1x1000x128xf32>
    %get3A_93 = vector.shape_cast %get3A_92 : vector<1x1000x128xf32> to vector<1000x128xf32>
    %get3A_94 = arith.constant 2 : index
    %get3A_95 = arith.constant 128 : index
    %get3A_96 = arith.constant 0 : index
    %get3A_97 = vector.load %arg3[%get3A_94, %get3A_95, %get3A_96] : memref<3x256x128xf32, #tpu.memory_space<vmem>>, vector<1x128x128xf32>
    %get3A_98 = vector.shape_cast %get3A_97 : vector<1x128x128xf32> to vector<128x128xf32>
    %dot_general3A_99 = arith.constant dense<0.000000e+00> : vector<1000x128xf32>
    %dot_general3A_100 = tpu.matmul %get3A_93, %get3A_98, %dot_general3A_99 {dimension_numbers = #tpu.dot_dimension_numbers<[1], [0], [0], [1], [0, 0, 1, 1], [], []>, transpose_lhs_hint = false} : vector<1000x128xf32>, vector<128x128xf32>, vector<1000x128xf32> -> vector<1000x128xf32>
    %add3A_101 = arith.addf %dot_general3A_88, %dot_general3A_100 : vector<1000x128xf32>
    %get3A_102 = arith.constant 2 : index
    %get3A_103 = arith.constant 0 : index
    %get3A_104 = vector.load %arg4[%get3A_102, %get3A_103] : memref<3x128xf32, #tpu.memory_space<vmem>>, vector<1x128xf32>
    %get3A_105 = vector.shape_cast %get3A_104 : vector<1x128xf32> to vector<128xf32>
    %broadcast_in_dim3A_106 = vector.shape_cast %get3A_105 : vector<128xf32> to vector<1x128xf32>
    %add3A_107 = vector.broadcast %broadcast_in_dim3A_106 : vector<1x128xf32> to vector<1000x128xf32>
    %add3A_108 = arith.addf %add3A_101, %add3A_107 : vector<1000x128xf32>
    %max3A_109 = arith.constant 0.000000e+00 : f32
    %max3A_110 = vector.broadcast %max3A_109 : f32 to vector<1000x128xf32>
    %max3A_111 = arith.maximumf %add3A_108, %max3A_110 : vector<1000x128xf32>
    %get3A_112 = arith.constant 2 : index
    %get3A_113 = arith.constant 0 : index
    %get3A_114 = vector.load %arg16[%get3A_112, %get3A_113] : memref<3x128xf32, #tpu.memory_space<vmem>>, vector<1x128xf32>
    %get3A_115 = vector.shape_cast %get3A_114 : vector<1x128xf32> to vector<128xf32>
    %reduce_sum3A_116 = arith.constant dense<0.000000e+00> : vector<128xf32>
    %reduce_sum3A_117 = vector.multi_reduction <add>, %max3A_111, %reduce_sum3A_116 [0] : vector<1000x128xf32> to vector<128xf32>
    %add3A_118 = arith.addf %get3A_115, %reduce_sum3A_117 : vector<128xf32>
    %swap3A_119 = arith.constant 2 : index
    %swap3A_120 = arith.constant 0 : index
    %swap3A_121 = vector.load %arg16[%swap3A_119, %swap3A_120] : memref<3x128xf32, #tpu.memory_space<vmem>>, vector<1x128xf32>
    %swap3A_122 = vector.shape_cast %swap3A_121 : vector<1x128xf32> to vector<128xf32>
    %swap3A_123 = vector.shape_cast %add3A_118 : vector<128xf32> to vector<1x128xf32>
    tpu.vector_store %arg16[%swap3A_119, %swap3A_120], %swap3A_123 {strides = array<i32>} : memref<3x128xf32, #tpu.memory_space<vmem>>, vector<1x128xf32>,
    %eq3A_124 = arith.constant 9 : i32
    %eq3A_125 = arith.cmpi eq, %arg0, %eq3A_124 : i32
    %convert_element_type3A_126 = arith.extui %eq3A_125 : i1 to i32
    %cond3A_127 = arith.constant 0 : i32
    %cond3A_128 = arith.cmpi ne, %convert_element_type3A_126, %cond3A_127 : i32
    scf.if %cond3A_128 {
      %get3A_129 = arith.constant 0 : index
      %get3A_130 = arith.constant 0 : index
      %get3A_131 = vector.load %arg16[%get3A_129, %get3A_130] : memref<3x128xf32, #tpu.memory_space<vmem>>, vector<1x128xf32>
      %get3A_132 = vector.shape_cast %get3A_131 : vector<1x128xf32> to vector<128xf32>
      %mul3A = arith.constant 9.99999974E-5 : f32
      %mul3A_133 = vector.broadcast %mul3A : f32 to vector<128xf32>
      %mul3A_134 = arith.mulf %get3A_132, %mul3A_133 : vector<128xf32>
      %convert_element_type3A_135 = arith.truncf %mul3A_134 : vector<128xf32> to vector<128xbf16>
      %convert_element_type3A_136 = arith.extf %convert_element_type3A_135 : vector<128xbf16> to vector<128xf32>
      %broadcast_in_dim3A_137 = vector.shape_cast %convert_element_type3A_136 : vector<128xf32> to vector<128x1xf32>
      %get3A_138 = arith.constant 0 : index
      %get3A_139 = arith.constant 0 : index
      %get3A_140 = arith.constant 0 : index
      %get3A_141 = vector.load %arg5[%get3A_138, %get3A_139, %get3A_140] : memref<3x128x128xf32, #tpu.memory_space<vmem>>, vector<1x128x128xf32>
      %get3A_142 = vector.shape_cast %get3A_141 : vector<1x128x128xf32> to vector<128x128xf32>
      %convert_element_type3A_143 = arith.truncf %get3A_142 : vector<128x128xf32> to vector<128x128xbf16>
      %convert_element_type3A_144 = arith.extf %convert_element_type3A_143 : vector<128x128xbf16> to vector<128x128xf32>
      %mul3A_145 = vector.broadcast %broadcast_in_dim3A_137 : vector<128x1xf32> to vector<128x128xf32>
      %mul3A_146 = arith.mulf %mul3A_145, %convert_element_type3A_144 : vector<128x128xf32>
      %reduce_sum3A_147 = arith.constant dense<0.000000e+00> : vector<128xf32>
      %reduce_sum3A_148 = vector.multi_reduction <add>, %mul3A_146, %reduce_sum3A_147 [0] : vector<128x128xf32> to vector<128xf32>
      %get3A_149 = arith.constant 0 : index
      %get3A_150 = arith.constant 0 : index
      %get3A_151 = vector.load %arg6[%get3A_149, %get3A_150] : memref<3x128xf32, #tpu.memory_space<vmem>>, vector<1x128xf32>
      %get3A_152 = vector.shape_cast %get3A_151 : vector<1x128xf32> to vector<128xf32>
      %add3A_153 = arith.addf %reduce_sum3A_148, %get3A_152 : vector<128xf32>
      %max3A_154 = arith.constant 0.000000e+00 : f32
      %max3A_155 = vector.broadcast %max3A_154 : f32 to vector<128xf32>
      %max3A_156 = arith.maximumf %add3A_153, %max3A_155 : vector<128xf32>
      %convert_element_type3A_157 = arith.truncf %max3A_156 : vector<128xf32> to vector<128xbf16>
      %convert_element_type3A_158 = arith.extf %convert_element_type3A_157 : vector<128xbf16> to vector<128xf32>
      %get3A_159 = arith.constant 0 : index
      %get3A_160 = arith.constant 0 : index
      %get3A_161 = vector.load %arg7[%get3A_159, %get3A_160] : memref<3x128xf32, #tpu.memory_space<vmem>>, vector<1x128xf32>
      %get3A_162 = vector.shape_cast %get3A_161 : vector<1x128xf32> to vector<128xf32>
      %convert_element_type3A_163 = arith.truncf %get3A_162 : vector<128xf32> to vector<128xbf16>
      %convert_element_type3A_164 = arith.extf %convert_element_type3A_163 : vector<128xbf16> to vector<128xf32>
      %mul3A_165 = arith.mulf %convert_element_type3A_158, %convert_element_type3A_164 : vector<128xf32>
      %reduce_sum3A_166 = vector.shape_cast %mul3A_165 : vector<128xf32> to vector<1x128xf32>
      %reduce_sum3A_167 = arith.constant dense<0.000000e+00> : vector<1xf32>
      %reduce_sum3A_168 = vector.multi_reduction <add>, %reduce_sum3A_166, %reduce_sum3A_167 [1] : vector<1x128xf32> to vector<1xf32>
      %reduce_sum3A_169 = vector.shape_cast %reduce_sum3A_168 : vector<1xf32> to vector<1x1xf32>
      %reduce_sum3A_170 = vector.extract %reduce_sum3A_169[0, 0] : f32 from vector<1x1xf32>
      %get3A_171 = arith.constant 0 : index
      %get3A_172 = vector.load %arg8[%get3A_171] : memref<3xf32, #tpu.memory_space<vmem>>, vector<1xf32>
      %get3A_173 = vector.extract %get3A_172[0] : f32 from vector<1xf32>
      %add3A_174 = arith.addf %reduce_sum3A_170, %get3A_173 : f32
      %broadcast_in_dim3A_175 = vector.shape_cast %convert_element_type3A_136 : vector<128xf32> to vector<128x1xf32>
      %get3A_176 = arith.constant 0 : index
      %get3A_177 = arith.constant 0 : index
      %get3A_178 = arith.constant 0 : index
      %get3A_179 = vector.load %arg9[%get3A_176, %get3A_177, %get3A_178] : memref<3x128x42xf32, #tpu.memory_space<vmem>>, vector<1x128x42xf32>
      %get3A_180 = vector.shape_cast %get3A_179 : vector<1x128x42xf32> to vector<128x42xf32>
      %convert_element_type3A_181 = arith.truncf %get3A_180 : vector<128x42xf32> to vector<128x42xbf16>
      %convert_element_type3A_182 = arith.extf %convert_element_type3A_181 : vector<128x42xbf16> to vector<128x42xf32>
      %mul3A_183 = vector.broadcast %broadcast_in_dim3A_175 : vector<128x1xf32> to vector<128x42xf32>
      %mul3A_184 = arith.mulf %mul3A_183, %convert_element_type3A_182 : vector<128x42xf32>
      %reduce_sum3A_185 = arith.constant dense<0.000000e+00> : vector<42xf32>
      %reduce_sum3A_186 = vector.multi_reduction <add>, %mul3A_184, %reduce_sum3A_185 [0] : vector<128x42xf32> to vector<42xf32>
      %get3A_187 = arith.constant 0 : index
      %get3A_188 = arith.constant 0 : index
      %get3A_189 = vector.load %arg10[%get3A_187, %get3A_188] : memref<3x42xf32, #tpu.memory_space<vmem>>, vector<1x42xf32>
      %get3A_190 = vector.shape_cast %get3A_189 : vector<1x42xf32> to vector<42xf32>
      %add3A_191 = arith.addf %reduce_sum3A_186, %get3A_190 : vector<42xf32>
      %max3A_192 = arith.constant 0.000000e+00 : f32
      %max3A_193 = vector.broadcast %max3A_192 : f32 to vector<42xf32>
      %max3A_194 = arith.maximumf %add3A_191, %max3A_193 : vector<42xf32>
      %convert_element_type3A_195 = arith.truncf %max3A_194 : vector<42xf32> to vector<42xbf16>
      %convert_element_type3A_196 = arith.extf %convert_element_type3A_195 : vector<42xbf16> to vector<42xf32>
      %broadcast_in_dim3A_197 = vector.shape_cast %convert_element_type3A_196 : vector<42xf32> to vector<42x1xf32>
      %get3A_198 = arith.constant 0 : index
      %get3A_199 = arith.constant 0 : index
      %get3A_200 = arith.constant 0 : index
      %get3A_201 = vector.load %arg11[%get3A_198, %get3A_199, %get3A_200] : memref<3x42x14xf32, #tpu.memory_space<vmem>>, vector<1x42x14xf32>
      %get3A_202 = vector.shape_cast %get3A_201 : vector<1x42x14xf32> to vector<42x14xf32>
      %convert_element_type3A_203 = arith.truncf %get3A_202 : vector<42x14xf32> to vector<42x14xbf16>
      %convert_element_type3A_204 = arith.extf %convert_element_type3A_203 : vector<42x14xbf16> to vector<42x14xf32>
      %mul3A_205 = vector.broadcast %broadcast_in_dim3A_197 : vector<42x1xf32> to vector<42x14xf32>
      %mul3A_206 = arith.mulf %mul3A_205, %convert_element_type3A_204 : vector<42x14xf32>
      %reduce_sum3A_207 = arith.constant dense<0.000000e+00> : vector<14xf32>
      %reduce_sum3A_208 = vector.multi_reduction <add>, %mul3A_206, %reduce_sum3A_207 [0] : vector<42x14xf32> to vector<14xf32>
      %get3A_209 = arith.constant 0 : index
      %get3A_210 = arith.constant 0 : index
      %get3A_211 = vector.load %arg12[%get3A_209, %get3A_210] : memref<3x14xf32, #tpu.memory_space<vmem>>, vector<1x14xf32>
      %get3A_212 = vector.shape_cast %get3A_211 : vector<1x14xf32> to vector<14xf32>
      %add3A_213 = arith.addf %reduce_sum3A_208, %get3A_212 : vector<14xf32>
      %max3A_214 = arith.constant 0.000000e+00 : f32
      %max3A_215 = vector.broadcast %max3A_214 : f32 to vector<14xf32>
      %max3A_216 = arith.maximumf %add3A_213, %max3A_215 : vector<14xf32>
      %convert_element_type3A_217 = arith.truncf %max3A_216 : vector<14xf32> to vector<14xbf16>
      %convert_element_type3A_218 = arith.extf %convert_element_type3A_217 : vector<14xbf16> to vector<14xf32>
      %get3A_219 = arith.constant 0 : index
      %get3A_220 = arith.constant 0 : index
      %get3A_221 = vector.load %arg13[%get3A_219, %get3A_220] : memref<3x14xf32, #tpu.memory_space<vmem>>, vector<1x14xf32>
      %get3A_222 = vector.shape_cast %get3A_221 : vector<1x14xf32> to vector<14xf32>
      %convert_element_type3A_223 = arith.truncf %get3A_222 : vector<14xf32> to vector<14xbf16>
      %convert_element_type3A_224 = arith.extf %convert_element_type3A_223 : vector<14xbf16> to vector<14xf32>
      %mul3A_225 = arith.mulf %convert_element_type3A_218, %convert_element_type3A_224 : vector<14xf32>
      %reduce_sum3A_226 = vector.shape_cast %mul3A_225 : vector<14xf32> to vector<1x14xf32>
      %reduce_sum3A_227 = arith.constant dense<0.000000e+00> : vector<1xf32>
      %reduce_sum3A_228 = vector.multi_reduction <add>, %reduce_sum3A_226, %reduce_sum3A_227 [1] : vector<1x14xf32> to vector<1xf32>
      %reduce_sum3A_229 = vector.shape_cast %reduce_sum3A_228 : vector<1xf32> to vector<1x1xf32>
      %reduce_sum3A_230 = vector.extract %reduce_sum3A_229[0, 0] : f32 from vector<1x1xf32>
      %get3A_231 = arith.constant 0 : index
      %get3A_232 = vector.load %arg14[%get3A_231] : memref<3xf32, #tpu.memory_space<vmem>>, vector<1xf32>
      %get3A_233 = vector.extract %get3A_232[0] : f32 from vector<1xf32>
      %add3A_234 = arith.addf %reduce_sum3A_230, %get3A_233 : f32
      %mul3A_235 = arith.mulf %add3A_174, %add3A_234 : f32
      %add3A_236 = arith.constant 0.000000e+00 : f32
      %add3A_237 = arith.addf %add3A_236, %mul3A_235 : f32
      %get3A_238 = arith.constant 1 : index
      %get3A_239 = arith.constant 0 : index
      %get3A_240 = vector.load %arg16[%get3A_238, %get3A_239] : memref<3x128xf32, #tpu.memory_space<vmem>>, vector<1x128xf32>
      %get3A_241 = vector.shape_cast %get3A_240 : vector<1x128xf32> to vector<128xf32>
      %mul3A_242 = arith.constant 9.99999974E-5 : f32
      %mul3A_243 = vector.broadcast %mul3A_242 : f32 to vector<128xf32>
      %mul3A_244 = arith.mulf %get3A_241, %mul3A_243 : vector<128xf32>
      %convert_element_type3A_245 = arith.truncf %mul3A_244 : vector<128xf32> to vector<128xbf16>
      %convert_element_type3A_246 = arith.extf %convert_element_type3A_245 : vector<128xbf16> to vector<128xf32>
      %broadcast_in_dim3A_247 = vector.shape_cast %convert_element_type3A_246 : vector<128xf32> to vector<128x1xf32>
      %get3A_248 = arith.constant 1 : index
      %get3A_249 = arith.constant 0 : index
      %get3A_250 = arith.constant 0 : index
      %get3A_251 = vector.load %arg5[%get3A_248, %get3A_249, %get3A_250] : memref<3x128x128xf32, #tpu.memory_space<vmem>>, vector<1x128x128xf32>
      %get3A_252 = vector.shape_cast %get3A_251 : vector<1x128x128xf32> to vector<128x128xf32>
      %convert_element_type3A_253 = arith.truncf %get3A_252 : vector<128x128xf32> to vector<128x128xbf16>
      %convert_element_type3A_254 = arith.extf %convert_element_type3A_253 : vector<128x128xbf16> to vector<128x128xf32>
      %mul3A_255 = vector.broadcast %broadcast_in_dim3A_247 : vector<128x1xf32> to vector<128x128xf32>
      %mul3A_256 = arith.mulf %mul3A_255, %convert_element_type3A_254 : vector<128x128xf32>
      %reduce_sum3A_257 = arith.constant dense<0.000000e+00> : vector<128xf32>
      %reduce_sum3A_258 = vector.multi_reduction <add>, %mul3A_256, %reduce_sum3A_257 [0] : vector<128x128xf32> to vector<128xf32>
      %get3A_259 = arith.constant 1 : index
      %get3A_260 = arith.constant 0 : index
      %get3A_261 = vector.load %arg6[%get3A_259, %get3A_260] : memref<3x128xf32, #tpu.memory_space<vmem>>, vector<1x128xf32>
      %get3A_262 = vector.shape_cast %get3A_261 : vector<1x128xf32> to vector<128xf32>
      %add3A_263 = arith.addf %reduce_sum3A_258, %get3A_262 : vector<128xf32>
      %max3A_264 = arith.constant 0.000000e+00 : f32
      %max3A_265 = vector.broadcast %max3A_264 : f32 to vector<128xf32>
      %max3A_266 = arith.maximumf %add3A_263, %max3A_265 : vector<128xf32>
      %convert_element_type3A_267 = arith.truncf %max3A_266 : vector<128xf32> to vector<128xbf16>
      %convert_element_type3A_268 = arith.extf %convert_element_type3A_267 : vector<128xbf16> to vector<128xf32>
      %get3A_269 = arith.constant 1 : index
      %get3A_270 = arith.constant 0 : index
      %get3A_271 = vector.load %arg7[%get3A_269, %get3A_270] : memref<3x128xf32, #tpu.memory_space<vmem>>, vector<1x128xf32>
      %get3A_272 = vector.shape_cast %get3A_271 : vector<1x128xf32> to vector<128xf32>
      %convert_element_type3A_273 = arith.truncf %get3A_272 : vector<128xf32> to vector<128xbf16>
      %convert_element_type3A_274 = arith.extf %convert_element_type3A_273 : vector<128xbf16> to vector<128xf32>
      %mul3A_275 = arith.mulf %convert_element_type3A_268, %convert_element_type3A_274 : vector<128xf32>
      %reduce_sum3A_276 = vector.shape_cast %mul3A_275 : vector<128xf32> to vector<1x128xf32>
      %reduce_sum3A_277 = arith.constant dense<0.000000e+00> : vector<1xf32>
      %reduce_sum3A_278 = vector.multi_reduction <add>, %reduce_sum3A_276, %reduce_sum3A_277 [1] : vector<1x128xf32> to vector<1xf32>
      %reduce_sum3A_279 = vector.shape_cast %reduce_sum3A_278 : vector<1xf32> to vector<1x1xf32>
      %reduce_sum3A_280 = vector.extract %reduce_sum3A_279[0, 0] : f32 from vector<1x1xf32>
      %get3A_281 = arith.constant 1 : index
      %get3A_282 = vector.load %arg8[%get3A_281] : memref<3xf32, #tpu.memory_space<vmem>>, vector<1xf32>
      %get3A_283 = vector.extract %get3A_282[0] : f32 from vector<1xf32>
      %add3A_284 = arith.addf %reduce_sum3A_280, %get3A_283 : f32
      %broadcast_in_dim3A_285 = vector.shape_cast %convert_element_type3A_246 : vector<128xf32> to vector<128x1xf32>
      %get3A_286 = arith.constant 1 : index
      %get3A_287 = arith.constant 0 : index
      %get3A_288 = arith.constant 0 : index
      %get3A_289 = vector.load %arg9[%get3A_286, %get3A_287, %get3A_288] : memref<3x128x42xf32, #tpu.memory_space<vmem>>, vector<1x128x42xf32>
      %get3A_290 = vector.shape_cast %get3A_289 : vector<1x128x42xf32> to vector<128x42xf32>
      %convert_element_type3A_291 = arith.truncf %get3A_290 : vector<128x42xf32> to vector<128x42xbf16>
      %convert_element_type3A_292 = arith.extf %convert_element_type3A_291 : vector<128x42xbf16> to vector<128x42xf32>
      %mul3A_293 = vector.broadcast %broadcast_in_dim3A_285 : vector<128x1xf32> to vector<128x42xf32>
      %mul3A_294 = arith.mulf %mul3A_293, %convert_element_type3A_292 : vector<128x42xf32>
      %reduce_sum3A_295 = arith.constant dense<0.000000e+00> : vector<42xf32>
      %reduce_sum3A_296 = vector.multi_reduction <add>, %mul3A_294, %reduce_sum3A_295 [0] : vector<128x42xf32> to vector<42xf32>
      %get3A_297 = arith.constant 1 : index
      %get3A_298 = arith.constant 0 : index
      %get3A_299 = vector.load %arg10[%get3A_297, %get3A_298] : memref<3x42xf32, #tpu.memory_space<vmem>>, vector<1x42xf32>
      %get3A_300 = vector.shape_cast %get3A_299 : vector<1x42xf32> to vector<42xf32>
      %add3A_301 = arith.addf %reduce_sum3A_296, %get3A_300 : vector<42xf32>
      %max3A_302 = arith.constant 0.000000e+00 : f32
      %max3A_303 = vector.broadcast %max3A_302 : f32 to vector<42xf32>
      %max3A_304 = arith.maximumf %add3A_301, %max3A_303 : vector<42xf32>
      %convert_element_type3A_305 = arith.truncf %max3A_304 : vector<42xf32> to vector<42xbf16>
      %convert_element_type3A_306 = arith.extf %convert_element_type3A_305 : vector<42xbf16> to vector<42xf32>
      %broadcast_in_dim3A_307 = vector.shape_cast %convert_element_type3A_306 : vector<42xf32> to vector<42x1xf32>
      %get3A_308 = arith.constant 1 : index
      %get3A_309 = arith.constant 0 : index
      %get3A_310 = arith.constant 0 : index
      %get3A_311 = vector.load %arg11[%get3A_308, %get3A_309, %get3A_310] : memref<3x42x14xf32, #tpu.memory_space<vmem>>, vector<1x42x14xf32>
      %get3A_312 = vector.shape_cast %get3A_311 : vector<1x42x14xf32> to vector<42x14xf32>
      %convert_element_type3A_313 = arith.truncf %get3A_312 : vector<42x14xf32> to vector<42x14xbf16>
      %convert_element_type3A_314 = arith.extf %convert_element_type3A_313 : vector<42x14xbf16> to vector<42x14xf32>
      %mul3A_315 = vector.broadcast %broadcast_in_dim3A_307 : vector<42x1xf32> to vector<42x14xf32>
      %mul3A_316 = arith.mulf %mul3A_315, %convert_element_type3A_314 : vector<42x14xf32>
      %reduce_sum3A_317 = arith.constant dense<0.000000e+00> : vector<14xf32>
      %reduce_sum3A_318 = vector.multi_reduction <add>, %mul3A_316, %reduce_sum3A_317 [0] : vector<42x14xf32> to vector<14xf32>
      %get3A_319 = arith.constant 1 : index
      %get3A_320 = arith.constant 0 : index
      %get3A_321 = vector.load %arg12[%get3A_319, %get3A_320] : memref<3x14xf32, #tpu.memory_space<vmem>>, vector<1x14xf32>
      %get3A_322 = vector.shape_cast %get3A_321 : vector<1x14xf32> to vector<14xf32>
      %add3A_323 = arith.addf %reduce_sum3A_318, %get3A_322 : vector<14xf32>
      %max3A_324 = arith.constant 0.000000e+00 : f32
      %max3A_325 = vector.broadcast %max3A_324 : f32 to vector<14xf32>
      %max3A_326 = arith.maximumf %add3A_323, %max3A_325 : vector<14xf32>
      %convert_element_type3A_327 = arith.truncf %max3A_326 : vector<14xf32> to vector<14xbf16>
      %convert_element_type3A_328 = arith.extf %convert_element_type3A_327 : vector<14xbf16> to vector<14xf32>
      %get3A_329 = arith.constant 1 : index
      %get3A_330 = arith.constant 0 : index
      %get3A_331 = vector.load %arg13[%get3A_329, %get3A_330] : memref<3x14xf32, #tpu.memory_space<vmem>>, vector<1x14xf32>
      %get3A_332 = vector.shape_cast %get3A_331 : vector<1x14xf32> to vector<14xf32>
      %convert_element_type3A_333 = arith.truncf %get3A_332 : vector<14xf32> to vector<14xbf16>
      %convert_element_type3A_334 = arith.extf %convert_element_type3A_333 : vector<14xbf16> to vector<14xf32>
      %mul3A_335 = arith.mulf %convert_element_type3A_328, %convert_element_type3A_334 : vector<14xf32>
      %reduce_sum3A_336 = vector.shape_cast %mul3A_335 : vector<14xf32> to vector<1x14xf32>
      %reduce_sum3A_337 = arith.constant dense<0.000000e+00> : vector<1xf32>
      %reduce_sum3A_338 = vector.multi_reduction <add>, %reduce_sum3A_336, %reduce_sum3A_337 [1] : vector<1x14xf32> to vector<1xf32>
      %reduce_sum3A_339 = vector.shape_cast %reduce_sum3A_338 : vector<1xf32> to vector<1x1xf32>
      %reduce_sum3A_340 = vector.extract %reduce_sum3A_339[0, 0] : f32 from vector<1x1xf32>
      %get3A_341 = arith.constant 1 : index
      %get3A_342 = vector.load %arg14[%get3A_341] : memref<3xf32, #tpu.memory_space<vmem>>, vector<1xf32>
      %get3A_343 = vector.extract %get3A_342[0] : f32 from vector<1xf32>
      %add3A_344 = arith.addf %reduce_sum3A_340, %get3A_343 : f32
      %mul3A_345 = arith.mulf %add3A_284, %add3A_344 : f32
      %add3A_346 = arith.addf %add3A_237, %mul3A_345 : f32
      %get3A_347 = arith.constant 2 : index
      %get3A_348 = arith.constant 0 : index
      %get3A_349 = vector.load %arg16[%get3A_347, %get3A_348] : memref<3x128xf32, #tpu.memory_space<vmem>>, vector<1x128xf32>
      %get3A_350 = vector.shape_cast %get3A_349 : vector<1x128xf32> to vector<128xf32>
      %mul3A_351 = arith.constant 9.99999974E-5 : f32
      %mul3A_352 = vector.broadcast %mul3A_351 : f32 to vector<128xf32>
      %mul3A_353 = arith.mulf %get3A_350, %mul3A_352 : vector<128xf32>
      %convert_element_type3A_354 = arith.truncf %mul3A_353 : vector<128xf32> to vector<128xbf16>
      %convert_element_type3A_355 = arith.extf %convert_element_type3A_354 : vector<128xbf16> to vector<128xf32>
      %broadcast_in_dim3A_356 = vector.shape_cast %convert_element_type3A_355 : vector<128xf32> to vector<128x1xf32>
      %get3A_357 = arith.constant 2 : index
      %get3A_358 = arith.constant 0 : index
      %get3A_359 = arith.constant 0 : index
      %get3A_360 = vector.load %arg5[%get3A_357, %get3A_358, %get3A_359] : memref<3x128x128xf32, #tpu.memory_space<vmem>>, vector<1x128x128xf32>
      %get3A_361 = vector.shape_cast %get3A_360 : vector<1x128x128xf32> to vector<128x128xf32>
      %convert_element_type3A_362 = arith.truncf %get3A_361 : vector<128x128xf32> to vector<128x128xbf16>
      %convert_element_type3A_363 = arith.extf %convert_element_type3A_362 : vector<128x128xbf16> to vector<128x128xf32>
      %mul3A_364 = vector.broadcast %broadcast_in_dim3A_356 : vector<128x1xf32> to vector<128x128xf32>
      %mul3A_365 = arith.mulf %mul3A_364, %convert_element_type3A_363 : vector<128x128xf32>
      %reduce_sum3A_366 = arith.constant dense<0.000000e+00> : vector<128xf32>
      %reduce_sum3A_367 = vector.multi_reduction <add>, %mul3A_365, %reduce_sum3A_366 [0] : vector<128x128xf32> to vector<128xf32>
      %get3A_368 = arith.constant 2 : index
      %get3A_369 = arith.constant 0 : index
      %get3A_370 = vector.load %arg6[%get3A_368, %get3A_369] : memref<3x128xf32, #tpu.memory_space<vmem>>, vector<1x128xf32>
      %get3A_371 = vector.shape_cast %get3A_370 : vector<1x128xf32> to vector<128xf32>
      %add3A_372 = arith.addf %reduce_sum3A_367, %get3A_371 : vector<128xf32>
      %max3A_373 = arith.constant 0.000000e+00 : f32
      %max3A_374 = vector.broadcast %max3A_373 : f32 to vector<128xf32>
      %max3A_375 = arith.maximumf %add3A_372, %max3A_374 : vector<128xf32>
      %convert_element_type3A_376 = arith.truncf %max3A_375 : vector<128xf32> to vector<128xbf16>
      %convert_element_type3A_377 = arith.extf %convert_element_type3A_376 : vector<128xbf16> to vector<128xf32>
      %get3A_378 = arith.constant 2 : index
      %get3A_379 = arith.constant 0 : index
      %get3A_380 = vector.load %arg7[%get3A_378, %get3A_379] : memref<3x128xf32, #tpu.memory_space<vmem>>, vector<1x128xf32>
      %get3A_381 = vector.shape_cast %get3A_380 : vector<1x128xf32> to vector<128xf32>
      %convert_element_type3A_382 = arith.truncf %get3A_381 : vector<128xf32> to vector<128xbf16>
      %convert_element_type3A_383 = arith.extf %convert_element_type3A_382 : vector<128xbf16> to vector<128xf32>
      %mul3A_384 = arith.mulf %convert_element_type3A_377, %convert_element_type3A_383 : vector<128xf32>
      %reduce_sum3A_385 = vector.shape_cast %mul3A_384 : vector<128xf32> to vector<1x128xf32>
      %reduce_sum3A_386 = arith.constant dense<0.000000e+00> : vector<1xf32>
      %reduce_sum3A_387 = vector.multi_reduction <add>, %reduce_sum3A_385, %reduce_sum3A_386 [1] : vector<1x128xf32> to vector<1xf32>
      %reduce_sum3A_388 = vector.shape_cast %reduce_sum3A_387 : vector<1xf32> to vector<1x1xf32>
      %reduce_sum3A_389 = vector.extract %reduce_sum3A_388[0, 0] : f32 from vector<1x1xf32>
      %get3A_390 = arith.constant 2 : index
      %get3A_391 = vector.load %arg8[%get3A_390] : memref<3xf32, #tpu.memory_space<vmem>>, vector<1xf32>
      %get3A_392 = vector.extract %get3A_391[0] : f32 from vector<1xf32>
      %add3A_393 = arith.addf %reduce_sum3A_389, %get3A_392 : f32
      %broadcast_in_dim3A_394 = vector.shape_cast %convert_element_type3A_355 : vector<128xf32> to vector<128x1xf32>
      %get3A_395 = arith.constant 2 : index
      %get3A_396 = arith.constant 0 : index
      %get3A_397 = arith.constant 0 : index
      %get3A_398 = vector.load %arg9[%get3A_395, %get3A_396, %get3A_397] : memref<3x128x42xf32, #tpu.memory_space<vmem>>, vector<1x128x42xf32>
      %get3A_399 = vector.shape_cast %get3A_398 : vector<1x128x42xf32> to vector<128x42xf32>
      %convert_element_type3A_400 = arith.truncf %get3A_399 : vector<128x42xf32> to vector<128x42xbf16>
      %convert_element_type3A_401 = arith.extf %convert_element_type3A_400 : vector<128x42xbf16> to vector<128x42xf32>
      %mul3A_402 = vector.broadcast %broadcast_in_dim3A_394 : vector<128x1xf32> to vector<128x42xf32>
      %mul3A_403 = arith.mulf %mul3A_402, %convert_element_type3A_401 : vector<128x42xf32>
      %reduce_sum3A_404 = arith.constant dense<0.000000e+00> : vector<42xf32>
      %reduce_sum3A_405 = vector.multi_reduction <add>, %mul3A_403, %reduce_sum3A_404 [0] : vector<128x42xf32> to vector<42xf32>
      %get3A_406 = arith.constant 2 : index
      %get3A_407 = arith.constant 0 : index
      %get3A_408 = vector.load %arg10[%get3A_406, %get3A_407] : memref<3x42xf32, #tpu.memory_space<vmem>>, vector<1x42xf32>
      %get3A_409 = vector.shape_cast %get3A_408 : vector<1x42xf32> to vector<42xf32>
      %add3A_410 = arith.addf %reduce_sum3A_405, %get3A_409 : vector<42xf32>
      %max3A_411 = arith.constant 0.000000e+00 : f32
      %max3A_412 = vector.broadcast %max3A_411 : f32 to vector<42xf32>
      %max3A_413 = arith.maximumf %add3A_410, %max3A_412 : vector<42xf32>
      %convert_element_type3A_414 = arith.truncf %max3A_413 : vector<42xf32> to vector<42xbf16>
      %convert_element_type3A_415 = arith.extf %convert_element_type3A_414 : vector<42xbf16> to vector<42xf32>
      %broadcast_in_dim3A_416 = vector.shape_cast %convert_element_type3A_415 : vector<42xf32> to vector<42x1xf32>
      %get3A_417 = arith.constant 2 : index
      %get3A_418 = arith.constant 0 : index
      %get3A_419 = arith.constant 0 : index
      %get3A_420 = vector.load %arg11[%get3A_417, %get3A_418, %get3A_419] : memref<3x42x14xf32, #tpu.memory_space<vmem>>, vector<1x42x14xf32>
      %get3A_421 = vector.shape_cast %get3A_420 : vector<1x42x14xf32> to vector<42x14xf32>
      %convert_element_type3A_422 = arith.truncf %get3A_421 : vector<42x14xf32> to vector<42x14xbf16>
      %convert_element_type3A_423 = arith.extf %convert_element_type3A_422 : vector<42x14xbf16> to vector<42x14xf32>
      %mul3A_424 = vector.broadcast %broadcast_in_dim3A_416 : vector<42x1xf32> to vector<42x14xf32>
      %mul3A_425 = arith.mulf %mul3A_424, %convert_element_type3A_423 : vector<42x14xf32>
      %reduce_sum3A_426 = arith.constant dense<0.000000e+00> : vector<14xf32>
      %reduce_sum3A_427 = vector.multi_reduction <add>, %mul3A_425, %reduce_sum3A_426 [0] : vector<42x14xf32> to vector<14xf32>
      %get3A_428 = arith.constant 2 : index
      %get3A_429 = arith.constant 0 : index
      %get3A_430 = vector.load %arg12[%get3A_428, %get3A_429] : memref<3x14xf32, #tpu.memory_space<vmem>>, vector<1x14xf32>
      %get3A_431 = vector.shape_cast %get3A_430 : vector<1x14xf32> to vector<14xf32>
      %add3A_432 = arith.addf %reduce_sum3A_427, %get3A_431 : vector<14xf32>
      %max3A_433 = arith.constant 0.000000e+00 : f32
      %max3A_434 = vector.broadcast %max3A_433 : f32 to vector<14xf32>
      %max3A_435 = arith.maximumf %add3A_432, %max3A_434 : vector<14xf32>
      %convert_element_type3A_436 = arith.truncf %max3A_435 : vector<14xf32> to vector<14xbf16>
      %convert_element_type3A_437 = arith.extf %convert_element_type3A_436 : vector<14xbf16> to vector<14xf32>
      %get3A_438 = arith.constant 2 : index
      %get3A_439 = arith.constant 0 : index
      %get3A_440 = vector.load %arg13[%get3A_438, %get3A_439] : memref<3x14xf32, #tpu.memory_space<vmem>>, vector<1x14xf32>
      %get3A_441 = vector.shape_cast %get3A_440 : vector<1x14xf32> to vector<14xf32>
      %convert_element_type3A_442 = arith.truncf %get3A_441 : vector<14xf32> to vector<14xbf16>
      %convert_element_type3A_443 = arith.extf %convert_element_type3A_442 : vector<14xbf16> to vector<14xf32>
      %mul3A_444 = arith.mulf %convert_element_type3A_437, %convert_element_type3A_443 : vector<14xf32>
      %reduce_sum3A_445 = vector.shape_cast %mul3A_444 : vector<14xf32> to vector<1x14xf32>
      %reduce_sum3A_446 = arith.constant dense<0.000000e+00> : vector<1xf32>
      %reduce_sum3A_447 = vector.multi_reduction <add>, %reduce_sum3A_445, %reduce_sum3A_446 [1] : vector<1x14xf32> to vector<1xf32>
      %reduce_sum3A_448 = vector.shape_cast %reduce_sum3A_447 : vector<1xf32> to vector<1x1xf32>
      %reduce_sum3A_449 = vector.extract %reduce_sum3A_448[0, 0] : f32 from vector<1x1xf32>
      %get3A_450 = arith.constant 2 : index
      %get3A_451 = vector.load %arg14[%get3A_450] : memref<3xf32, #tpu.memory_space<vmem>>, vector<1xf32>
      %get3A_452 = vector.extract %get3A_451[0] : f32 from vector<1xf32>
      %add3A_453 = arith.addf %reduce_sum3A_449, %get3A_452 : f32
      %mul3A_454 = arith.mulf %add3A_393, %add3A_453 : f32
      %add3A_455 = arith.addf %add3A_346, %mul3A_454 : f32
      %reshape3A = vector.broadcast %add3A_455 : f32 to vector<1x1xf32>
      %swap3A_456 = arith.constant 0 : index
      %swap3A_457 = arith.constant 0 : index
      %swap3A_458 = vector.load %arg15[%swap3A_456, %swap3A_457] : memref<1x1xf32, #tpu.memory_space<vmem>>, vector<1x1xf32>
      tpu.vector_store %arg15[%swap3A_456, %swap3A_457], %reshape3A {strides = array<i32>} : memref<1x1xf32, #tpu.memory_space<vmem>>, vector<1x1xf32>,
    } else {
    }
    return
  }
  func.func @transform_0(%arg0: i32) -> (i32, i32) {
    %c0_i32 = arith.constant 0 : i32
    %c0_i32_0 = arith.constant 0 : i32
    return %arg0, %c0_i32 : i32, i32
  }
  func.func @transform_1(%arg0: i32) -> (i32, i32, i32) {
    %c0_i32 = arith.constant 0 : i32
    %c0_i32_0 = arith.constant 0 : i32
    %c0_i32_1 = arith.constant 0 : i32
    return %c0_i32, %arg0, %c0_i32_0 : i32, i32, i32
  }
  func.func @transform_2(%arg0: i32) -> (i32, i32, i32) {
    %c0_i32 = arith.constant 0 : i32
    %c0_i32_0 = arith.constant 0 : i32
    %c0_i32_1 = arith.constant 0 : i32
    %c0_i32_2 = arith.constant 0 : i32
    return %c0_i32, %c0_i32_0, %c0_i32_1 : i32, i32, i32
  }
  func.func @transform_3(%arg0: i32) -> (i32, i32) {
    %c0_i32 = arith.constant 0 : i32
    %c0_i32_0 = arith.constant 0 : i32
    %c0_i32_1 = arith.constant 0 : i32
    return %c0_i32, %c0_i32_0 : i32, i32
  }
  func.func @transform_4(%arg0: i32) -> (i32, i32, i32) {
    %c0_i32 = arith.constant 0 : i32
    %c0_i32_0 = arith.constant 0 : i32
    %c0_i32_1 = arith.constant 0 : i32
    %c0_i32_2 = arith.constant 0 : i32
    return %c0_i32, %c0_i32_0, %c0_i32_1 : i32, i32, i32
  }
  func.func @transform_5(%arg0: i32) -> (i32, i32) {
    %c0_i32 = arith.constant 0 : i32
    %c0_i32_0 = arith.constant 0 : i32
    %c0_i32_1 = arith.constant 0 : i32
    return %c0_i32, %c0_i32_0 : i32, i32
  }
  func.func @transform_6(%arg0: i32) -> (i32, i32) {
    %c0_i32 = arith.constant 0 : i32
    %c0_i32_0 = arith.constant 0 : i32
    %c0_i32_1 = arith.constant 0 : i32
    return %c0_i32, %c0_i32_0 : i32, i32
  }
  func.func @transform_7(%arg0: i32) -> i32 {
    %c0_i32 = arith.constant 0 : i32
    %c0_i32_0 = arith.constant 0 : i32
    return %c0_i32 : i32
  }
  func.func @transform_8(%arg0: i32) -> (i32, i32, i32) {
    %c0_i32 = arith.constant 0 : i32
    %c0_i32_0 = arith.constant 0 : i32
    %c0_i32_1 = arith.constant 0 : i32
    %c0_i32_2 = arith.constant 0 : i32
    return %c0_i32, %c0_i32_0, %c0_i32_1 : i32, i32, i32
  }
  func.func @transform_9(%arg0: i32) -> (i32, i32) {
    %c0_i32 = arith.constant 0 : i32
    %c0_i32_0 = arith.constant 0 : i32
    %c0_i32_1 = arith.constant 0 : i32
    return %c0_i32, %c0_i32_0 : i32, i32
  }
  func.func @transform_10(%arg0: i32) -> (i32, i32, i32) {
    %c0_i32 = arith.constant 0 : i32
    %c0_i32_0 = arith.constant 0 : i32
    %c0_i32_1 = arith.constant 0 : i32
    %c0_i32_2 = arith.constant 0 : i32
    return %c0_i32, %c0_i32_0, %c0_i32_1 : i32, i32, i32
  }
  func.func @transform_11(%arg0: i32) -> (i32, i32) {
    %c0_i32 = arith.constant 0 : i32
    %c0_i32_0 = arith.constant 0 : i32
    %c0_i32_1 = arith.constant 0 : i32
    return %c0_i32, %c0_i32_0 : i32, i32
  }
  func.func @transform_12(%arg0: i32) -> (i32, i32) {
    %c0_i32 = arith.constant 0 : i32
    %c0_i32_0 = arith.constant 0 : i32
    %c0_i32_1 = arith.constant 0 : i32
    return %c0_i32, %c0_i32_0 : i32, i32
  }
  func.func @transform_13(%arg0: i32) -> i32 {
    %c0_i32 = arith.constant 0 : i32
    %c0_i32_0 = arith.constant 0 : i32
    return %c0_i32 : i32
  }
  func.func @transform_14(%arg0: i32) -> (i32, i32) {
    %c0_i32 = arith.constant 0 : i32
    %c0_i32_0 = arith.constant 0 : i32
    %c0_i32_1 = arith.constant 0 : i32
    return %c0_i32, %c0_i32_0 : i32, i32
  }
}

</mosaic_0001>

<sc_bundles>
// kernel: kernel.10.cloned.1.call-start
scs
__scs_entry_jumppad:
0x0: {  	(pc) =	sbr.rel $0x88, $3  }
0x1: {  	(tag) =	ssettag $0x0;
	lr =	simm.s32 $0x1  }
0x2: {  	[smem:$0x3F91] =	sst lr;
	_ =	strace $0xD0000000  }
0x3: {  	_ = 	snop  }
0x4: {  	_ = 	snop  }
0x5: {  	_ = 	snop  }
0x6: {  	_ = 	snop  }
0x7: {  	_ = 	snop  }
__scs_overlays_trampoline_lowered:
0x8: {  	[smem:$0x3FA0] =	sst s0  }
0x9: {  	[smem:$0x3FA1] =	sst s1  }
0xa: {  	[smem:$0x3FA2] =	sst s2  }
0xb: {  	[smem:$0x3FA3] =	sst s3  }
0xc: {  	[smem:$0x3FA4] =	sst s4  }
0xd: {  	[smem:$0x3FA5] =	sst s5  }
0xe: {  	[smem:$0x3FA6] =	sst s6  }
0xf: {  	[smem:$0x3FA7] =	sst s7  }
0x10: {  	[smem:$0x3FA8] =	sst s8  }
0x11: {  	[smem:$0x3FA9] =	sst s9;
	s0 =	simm.s32 @!p0 $0x0  }
0x12: {  	s1 =	sld [smem:$0x3F8F];
	s0 =	simm.s32 @p0 $0x1  }
0x13: {  	[smem:$0x3FAA] =	sst s0;
	s0 =	simm.s32 @!p1 $0x0  }
0x14: {  	s2 =	sld [smem:$0x3F8E];
	s0 =	simm.s32 @p1 $0x1  }
0x15: {  	[smem:$0x3FAB] =	sst s0;
	s0 =	simm.s32 @!p2 $0x0  }
0x16: {  	s3 =	sld [smem:$0x3FDB];
	s0 =	simm.s32 @p2 $0x1  }
0x17: {  	s4 =	simm.s32 $0x1BF5;
	[smem:$0x3FAD] =	sst s0  }
0x18: {  	s0 =	sld [smem:$0x3F90];
	_ =	swait.ge [sflag:s4], $0x0  }
0x19: {  	s7 =	sld [smem:$0x3F91]  }
0x1a: {  	s8 =	sadd.s32 $0xFFFFE003, lr  }
0x1b: {  	s9 =	sadd.s32 $0xFFFFFEF7, lr;
	s5 =	simm.s32 $0xFFFFFFFF;
	p2 =	slt.u32 s8, $0xFFFFF086  }
0x1c: {  	p1 =	slt.u32 s9, $0xF7A;
	s5 =	simm.s32 @!p2 $0x0  }
0x1d: {  	s5 =	simm.s32 @p1 $0x1;
	p0 =	seq.s32 s7, s2  }
0x1e: {  	s7 =	smul.u32 @!p0 $0xF7A, s2;
	p2 =	seq.s32 @!p0 s5, $0x0  }
0x1f: {  	s9 =	smul.u32 $0xF7A, s1;
	s8 =	simm.s32 @!p0 $0x1BF5;
	p2 =	por !p2, p0  }
0x20: {  	[sflag:s8] =	ssyncset.s32 @!p0 $0xFFFFF086;
	s6 =	sadd.s32 @!p0 s3, s7;
	s7 =	simm.s32 @!p0 $0x108  }
0x21: {  	s3 =	sadd.s32 s3, s9;
	s6 =	sadd.s32 @!p0 $0x88, s6;
	s7 =	simm.s32 @p2 $0x1082  }
0x22: {  	[simem:s7], [sflag:s8] =	dma.local @!p0 [hbm:s6], $0xF7A  }
0x23: {  	s9 =	sor.u32 $0xD0000000, s2;
	s6 =	simm.s32 $0x108;
	_ =	swait.ge @!p0 [sflag:s8], $0x0  }
0x24: {  	s3 =	sadd.s32 $0x88, s3;
	s6 =	simm.s32 @!p1 $0x1082;
	[sflag:s4] =	ssyncset.s32 $0xFFFFF086  }
0x25: {  	[simem:s6], [sflag:s4] =	dma.local [hbm:s3], $0xF7A  }
0x26: {  	[smem:$0x3F91] =	sst s1;
	(tag) =	ssettag s2;
	_ =	strace s9  }
0x27: {  	s1 =	sld [smem:$0x3FA1]  }
0x28: {  	s2 =	sld [smem:$0x3FA2]  }
0x29: {  	s4 =	sld [smem:$0x3FA4]  }
0x2a: {  	p0 =	seq.s32 s5, $0x0;
	s5 =	sld [smem:$0x3FA5]  }
0x2b: {  	s6 =	sld [smem:$0x3FA6]  }
0x2c: {  	s7 =	sld [smem:$0x3FA7]  }
0x2d: {  	s3 =	simm.s32 $0x108;
	s8 =	sld [smem:$0x3FA8]  }
0x2e: {  	s3 =	simm.s32 @!p0 $0x1082;
	s9 =	sld [smem:$0x3FA9]  }
0x2f: {  	lr =	sadd.s32 s0, s3;
	s0 =	sld [smem:$0x3FA0]  }
0x30: {  	s3 =	sld [smem:$0x3FA3]  }
0x31: {  	[smem:$0x3FAC] =	sst s10  }
0x32: {  	s10 =	sld [smem:$0x3FAA];
	_ =	sdelay $0x3  }
0x33: {  	p0 =	seq.s32 s10, $0x1;
	s10 =	sld [smem:$0x3FAC];
	_ =	sdelay $0x3  }
0x34: {  	[smem:$0x3FAC] =	sst s10  }
0x35: {  	s10 =	sld [smem:$0x3FAB];
	_ =	sdelay $0x3  }
0x36: {  	p1 =	seq.s32 s10, $0x1;
	s10 =	sld [smem:$0x3FAC];
	_ =	sdelay $0x3  }
0x37: {  	[smem:$0x3FAC] =	sst s10  }
0x38: {  	s10 =	sld [smem:$0x3FAD]  }
0x39: {  	_ = 	snop;
	(pc) =	sbr.ind lr, $3  }
0x3a: {  	_ = 	snop  }
0x3b: {  	_ = 	snop  }
0x3c: {  	p2 =	seq.s32 s10, $0x1;
	s10 =	sld [smem:$0x3FAC]  }
0x3d: {  	_ =	shalt  }
0x3e: {  	_ =	shalt  }
0x3f: {  	_ =	shalt  }
0x40: {  	_ =	shalt  }
0x41: {  	_ =	shalt  }
0x42: {  	_ =	shalt  }
0x43: {  	_ =	shalt  }
0x44: {  	_ =	shalt  }
0x45: {  	_ =	shalt  }
0x46: {  	_ =	shalt  }
0x47: {  	_ =	shalt  }
0x48: {  	_ =	shalt  }
0x49: {  	_ =	shalt  }
0x4a: {  	_ =	shalt  }
0x4b: {  	_ =	shalt  }
0x4c: {  	_ =	shalt  }
0x4d: {  	_ =	shalt  }
0x4e: {  	_ =	shalt  }
0x4f: {  	_ =	shalt  }
0x50: {  	_ =	shalt  }
0x51: {  	_ =	shalt  }
0x52: {  	_ =	shalt  }
0x53: {  	_ =	shalt  }
0x54: {  	_ =	shalt  }
0x55: {  	_ =	shalt  }
0x56: {  	_ =	shalt  }
0x57: {  	_ =	shalt  }
0x58: {  	_ =	shalt  }
0x59: {  	_ =	shalt  }
0x5a: {  	_ =	shalt  }
0x5b: {  	_ =	shalt  }
0x5c: {  	_ =	shalt  }
0x5d: {  	_ =	shalt  }
0x5e: {  	_ =	shalt  }
0x5f: {  	_ =	shalt  }
0x60: {  	_ =	shalt  }
0x61: {  	_ =	shalt  }
0x62: {  	_ =	shalt  }
0x63: {  	_ =	shalt  }
0x64: {  	_ =	shalt  }
0x65: {  	_ =	shalt  }
0x66: {  	_ =	shalt  }
0x67: {  	_ =	shalt  }
0x68: {  	_ =	shalt  }
0x69: {  	_ =	shalt  }
0x6a: {  	_ =	shalt  }
0x6b: {  	_ =	shalt  }
0x6c: {  	_ =	shalt  }
0x6d: {  	_ =	shalt  }
0x6e: {  	_ =	shalt  }
0x6f: {  	_ =	shalt  }
0x70: {  	_ =	shalt  }
0x71: {  	_ =	shalt  }
0x72: {  	_ =	shalt  }
0x73: {  	_ =	shalt  }
0x74: {  	_ =	shalt  }
0x75: {  	_ =	shalt  }
0x76: {  	_ =	shalt  }
0x77: {  	_ =	shalt  }
0x78: {  	_ =	shalt  }
0x79: {  	_ =	shalt  }
0x7a: {  	_ =	shalt  }
0x7b: {  	_ =	shalt  }
0x7c: {  	_ =	shalt  }
0x7d: {  	_ =	shalt  }
0x7e: {  	_ =	shalt  }
0x7f: {  	_ =	shalt  }
0x80: {  	_ =	shalt  }
0x81: {  	_ =	shalt  }
0x82: {  	_ =	shalt  }
0x83: {  	_ =	shalt  }
0x84: {  	_ =	shalt  }
0x85: {  	_ =	shalt  }
0x86: {  	_ =	shalt  }
0x87: {  	_ =	shalt  }
.Lfunc_end0:
.L_simem_size_0:
called_computation_lowered:
.L_overlay_start_0:
0x88: {  	s2 =	sld [smem:$0x3FD9]  }
0x89: {  	s3 =	sld [smem:$0x3FFE];
	_ =	sdelay $0x1  }
0x8a: {  	s1 =	srdreg.scid  }
0x8b: {  	s0 =	sand.u32 $0x1, s1  }
0x8c: {  	s16 =	sshll.u32 s0, $0xA;
	s2 =	sadd.s32 s3, s2  }
0x8d: {  	s2 =	sadd.s32 s2, s16  }
0x8e: {  	[smem:$0x3FB8] =	sst s2  }
0x8f: {  	_ = 	snop  }
0x90: {  	(tm) =	ssettm $0x1  }
0x91: {  	s17 =	sld [smem:$0x3FFB];
	_ =	sdelay $0x3  }
0x92: {  	_ =	strace s17  }
0x93: {  	s2 =	sld [smem:$0x3FFC];
	_ =	sdelay $0x3  }
0x94: {  	_ =	strace s2  }
0x95: {  	s2 =	sld [smem:$0x3FFD];
	_ =	sdelay $0x3  }
0x96: {  	_ =	strace s2  }
0x97: {  	_ =	strace $0x8FFFFFFF  }
0x98: {  	s18 =	sld [smem:$0x3FDB];
	_ =	sdelay $0x1  }
0x99: {  	s19 =	simm.s32 $_scs_section_size  }
0x9a: {  	s4 =	simm.s32 $_size__tile_overlayer_lowered;
	s5 =	simm.s32 $_tile_overlayer_lowered  }
0x9b: {  	s22 =	simm.s32 $0x1BFF;
	s21 =	sshll.u32 s5, $0x1;
	s2 =	sadd.s32 s19, s18  }
0x9c: {  	s6 =	simm.s32 $0x0;
	s20 =	sshll.u32 s4, $0x1;
	s4 =	sadd.s32 s21, s2  }
0x9d: {  	[timem:s6], [sflag:s22] =	dma.local [hbm:s4], s20  }
0x9e: {  	_ =	swait.ge [sflag:s22], s20  }
0x9f: {  	s3 =	ssub.s32 $0x0, s20;
	[sflag:s22] =	ssyncset.done $0x0  }
0xa0: {  	[sflag:s22] =	ssyncadd.s32 s3;
	_ =	sdelay $0x1  }
0xa1: {  	s23 =	simm.s32 $0x1B8B  }
0xa2: {  	_ =	swait.ge [sflag:s23], $0x1  }
0xa3: {  	[sflag:s23] =	ssyncset.done $0x0  }
0xa4: {  	s25 =	simm.s32 $0x1B8E;
	s24 =	sld [smem:$0x3FFE];
	[sflag:s23] =	ssyncadd.s32 $0xFFFFFFFF  }
0xa5: {  	s26 =	simm.s32 $execute0_lowered;
	[smem:$0x3FD2] =	sst s25  }
0xa6: {  	s4 =	sshll.u32 s26, $0x1;
	_ =	strace $0x80000046;
	[dreg:$0x1] =	wrdreg $0xFFFFFFFF  }
0xa7: {  	s28 =	simm.s32 $_size_execute0_lowered;
	s2 =	sadd.s32 s2, s4;
	[dreg:$0x0] =	wrdreg $0x0  }
0xa8: {  	s4 =	sshll.u32 s28, $0x1;
	[dreg:$0x2] =	wrdreg s2  }
0xa9: {  	[dreg:$0x3] =	wrdreg s4  }
0xaa: {  	[dreg:$0x4] =	wrdreg $0xC0  }
0xab: {  	_ =	task [dreg:s6], $0x5FFFF  }
0xac: {  	[dreg:$0x1] =	wrdreg $0xFFFFFFFF  }
0xad: {  	[dreg:$0x0] =	wrdreg $0x60  }
0xae: {  	[dreg:$0x2] =	wrdreg s24  }
0xaf: {  	[dreg:$0x3] =	wrdreg $0x90000  }
0xb0: {  	[dreg:$0x4] =	wrdreg $0x9  }
0xb1: {  	_ =	task.clear_ibuf [dreg:s6], $0x5FFFF;
	_ =	strace $0x90000046  }
0xb2: {  	s29 =	simm.s32 $0x9;
	_ =	strace $0x80000048  }
0xb3: {  	_ =	swait.ge [sflag:s29], $0x1  }
0xb4: {  	[sflag:s29] =	ssyncadd.s32 $0xFFFFFFFF  }
0xb5: {  	_ =	strace $0x90000048  }
0xb6: {  	_ =	sfence  }
0xb7: {  	s30 =	sld [smem:$0x0];
	_ =	sdelay $0x2  }
0xb8: {  	s31 =	sshll.u32 s1, $0xD;
	s1 =	sshrl.u32 s1, $0x2  }
0xb9: {  	s3 =	sand.u32 $0x4000, s31;
	s1 =	sadd.s32 s1, s30  }
0xba: {  	s0 =	sor.u32 s3, s0;
	s1 =	sshll.u32 s1, $0x11  }
0xbb: {  	s0 =	sor.u32 s1, s0  }
0xbc: {  	s0 =	sadd.s32 $0x8F2B, s0  }
0xbd: {  	[sflag:s0] =	ssyncadd.remote.s32 $0x1  }
0xbe: {  	_ =	sfence.sel $0xFFFF  }
0xbf: {  	[dreg:$0x0] =	wrdreg $0xFFFFFFFF;
	(pc) =	sbr.abs _section_cstart, $3  }
0xc0: {  	[dreg:$0x1] =	wrdreg $0xFFFFFFFF  }
0xc1: {  	_ =	task.clear_ibuf [dreg:s6], $0x2FFFF;
	_ =	strace $0x9FFFFFFF  }
0xc2: {  	(tm) =	ssettm $0x7FFFFFFF  }
0xc3: {  	_ =	shalt  }
tec
execute0_lowered:
.L_overlay_start_1:
0x0: {  	(tag) =	ssettag $0x1  }
0x1: {  	s0 =	srdreg.scid;
	s6 =	rddreg [dreg:$0x0]  }
0x2: {  	s2 =	rddreg [dreg:$0x1];
	s3 =	simm.s32 $0x0;
	s18 =	simm.s32 $0x7D  }
0x3: {  	s19 =	simm.s32 $0x5000;
	s20 =	simm.s32 $0x1;
	s21 =	simm.s32 $0x0  }
0x4: {  	s5 =	sand.u32 $0x1, s0;
	s0 =	stileid.u32;
	[smem:$0x7FF] =	sst s3  }
0x5: {  	s4 =	sadd.s32 $0xD000, s6;
	s11 =	sadd.s32 $0x82400, s6;
	s9 =	smul.u32 $0x280, s0  }
0x6: {  	s1 =	sshll.u32 s5, $0x4;
	s10 =	smul.u32 $0x2800, s5;
	s29 =	ssub.s32 $0x2, s5  }
0x7: {  	s13 =	smul.u32 $0x50000, s0;
	s5 =	sadd.s32 $0xA0400, s6;
	s16 =	sshll.u32 s0, $0x6  }
0x8: {  	s7 =	sor.u32 s0, s1;
	s1 =	rddreg [dreg:$0x2];
	_ =	strace $0x80000047  }
0x9: {  	s14 =	sshrl.u32 s29, $0x1;
	s16 =	sor.u32 $0x1C02, s16;
	s8 =	smul.u32 $0x500, s7  }
0xa: {  	s9 =	sadd.s32 s9, s10;
	s7 =	smul.u32 $0x2800, s7;
	s30 =	sshrl.u32 s13, $0x2  }
0xb: {  	s14 =	ssub.s32 s29, s14;
	s9 =	sshll.u32 s9, $0x4;
	s17 =	sadd.s32 s30, s2  }
0xc: {  	s13 =	smax.u32 s14, $0x1;
	s14 =	simm.s32 $0x2800;
	s12 =	sadd.s32 s8, s6  }
0xd: {  	s15 =	sadd.s32 s9, s6;
	s31 =	sshrl.u32 s7, $0x3;
	s7 =	sadd.s32 s11, s8  }
0xe: {  	s17 =	sshrl.u32 s17, $0x3;
	s6 =	sadd.s32 $0x3000, s12;
	s11 =	sadd.s32 s11, s31  }
0xf: {  	s8 =	sadd.s32 $0xA2C00, s15;
	s10 =	sadd.s32 $0xF2C00, s15;
	s12 =	sadd.s32 $0x142C00, s15  }
0x10: {  	s15 =	simm.s32 $0x2;
	s9 =	sadd.s32 $0xA000, s11;
	s11 =	sadd.s32 $0x14000, s11  }
.LBB2_1:
0x11: {  	[tilespmem:s14], [sflag:$0x2] =	stream.linear.gather [hbm4b:s6+s3], $0x2800, $0x38;
	[tilespmem:$0x1D000] =	vst v63  }
0x12: {  	_ =	swait.ge [sflag:s15], $0x2800  }
0x13: {  	[sflag:s15] =	ssyncset.done $0x0  }
0x14: {  	[sflag:s15] =	ssyncadd.s32 $0xFFFFD800  }
0x15: {  	[tilespmem:s3], [sflag:$0x2] =	stream.linear.gather [hbm4b:s7+s3], $0x2800, $0x38;
	[tilespmem:$0x1D000] =	vst v63  }
0x16: {  	_ =	swait.ge [sflag:s15], $0x2800  }
0x17: {  	[sflag:s15] =	ssyncset.done $0x0  }
0x18: {  	[sflag:s15] =	ssyncadd.s32 $0xFFFFD800  }
0x19: {  	[spmem:s17], [sflag:s16] =	dma.local [hbm:s5], $0x2800  }
0x1a: {  	_ =	swait.ge [sflag:s15], $0x2800  }
0x1b: {  	[sflag:s15] =	ssyncset.done $0x0  }
0x1c: {  	[sflag:s15] =	ssyncadd.s32 $0xFFFFD800  }
0x1d: {  	s22 =	simm.s32 $0x0;
	[bflag:$0x0] =	sbarrier.arrive $0xFFFF  }
0x1e: {  	[tilespmem:s19], [sflag:$0x1] =	stream.indirect.gather [hbm4b:s4+s18], $0x80, s22, s18, $0xb8;
	[tilespmem:$0x1D000] =	vst v63  }
0x1f: {  	_ =	swait.ge [sflag:s20], $0x3E80  }
0x20: {  	[sflag:s20] =	ssyncset.done $0x0  }
0x21: {  	s31 =	simm.s32 $0x2800;
	[sflag:s20] =	ssyncadd.s32 $0xFFFFC180  }
0x22: {  	[spmem:s2] =	stream.indirect.scatter.add.f32 [tilespmem:s19], [sflag:$0x2], $0x80, s31, s18, $0xb8;
	[tilespmem:$0x1D000] =	vst v63  }
0x23: {  	_ =	swait.ge [sflag:s15], $0x3E80  }
0x24: {  	s23 =	simm.s32 $0x400;
	s22 =	simm.s32 $0x200;
	[sflag:s15] =	ssyncset.done $0x0  }
.LBB2_2:
0x25: {  	s24 =	sshra.s32 s22, $0x2  }
0x26: {  	[sflag:s15] =	ssyncadd.s32 $0xFFFFC180;
	s22 =	smov.u32 s23;
	s25 =	sadd.s32 $0x200, s23  }
0x27: {  	[tilespmem:s19], [sflag:$0x1] =	stream.indirect.gather [hbm4b:s4+s18], $0x80, s24, s18, $0xb8;
	[tilespmem:$0x1D000] =	vst v63  }
0x28: {  	p0 =	sne.s32 s23, $0x9E00;
	_ =	swait.ge [sflag:s20], $0x3E80  }
.Ltmp0:
0x29: {  	[sflag:s20] =	ssyncset.done $0x0;
	(pc) =	sbr.rel @p0 .LBB2_2-.Ltmp0, $4  }
0x2a: {  	s23 =	sadd.s32 $0x2800, s24;
	[sflag:s20] =	ssyncadd.s32 $0xFFFFC180  }
0x2b: {  	[spmem:s2] =	stream.indirect.scatter.add.f32 [tilespmem:s19], [sflag:$0x2], $0x80, s23, s18, $0xb8;
	[tilespmem:$0x1D000] =	vst v63  }
0x2c: {  	_ =	swait.ge [sflag:s15], $0x3E80  }
0x2d: {  	s23 =	smov.u32 s25;
	[sflag:s15] =	ssyncset.done $0x0  }
0x2e: {  	s22 =	sshra.s32 s22, $0x2;
	[sflag:s15] =	ssyncadd.s32 $0xFFFFC180  }
0x2f: {  	[tilespmem:s19], [sflag:$0x1] =	stream.indirect.gather [hbm4b:s4+s18], $0x80, s22, s18, $0xb8;
	[tilespmem:$0x1D000] =	vst v63  }
0x30: {  	_ =	swait.ge [sflag:s20], $0x3E80  }
0x31: {  	[sflag:s20] =	ssyncset.done $0x0  }
0x32: {  	s22 =	sadd.s32 $0x2800, s22;
	[sflag:s20] =	ssyncadd.s32 $0xFFFFC180  }
0x33: {  	[spmem:s2] =	stream.indirect.scatter.add.f32 [tilespmem:s19], [sflag:$0x2], $0x80, s22, s18, $0xb8;
	[tilespmem:$0x1D000] =	vst v63  }
0x34: {  	_ =	swait.ge [sflag:s15], $0x3E80  }
0x35: {  	[sflag:s15] =	ssyncset.done $0x0  }
0x36: {  	[sflag:s15] =	ssyncadd.s32 $0xFFFFC180  }
0x37: {  	[bflag:$0x0] =	sbarrier.arrive $0xFFFF  }
0x38: {  	[hbm:s8], [sflag:s16] =	dma.local [spmem:s17], $0x2800  }
0x39: {  	_ =	swait.ge [sflag:s15], $0x2800  }
0x3a: {  	[sflag:s15] =	ssyncset.done $0x0  }
0x3b: {  	s29 =	simm.s32 $0x0;
	[sflag:s15] =	ssyncadd.s32 $0xFFFFD800  }
0x3c: {  	[tilespmem:s29], [sflag:$0x2] =	stream.linear.gather [hbm4b:s9+s29], $0x2800, $0x38;
	[tilespmem:$0x1D000] =	vst v63  }
0x3d: {  	_ =	swait.ge [sflag:s15], $0x2800  }
0x3e: {  	[sflag:s15] =	ssyncset.done $0x0  }
0x3f: {  	[sflag:s15] =	ssyncadd.s32 $0xFFFFD800  }
0x40: {  	[spmem:s17], [sflag:s16] =	dma.local [hbm:s5], $0x2800  }
0x41: {  	_ =	swait.ge [sflag:s15], $0x2800  }
0x42: {  	[sflag:s15] =	ssyncset.done $0x0  }
0x43: {  	[sflag:s15] =	ssyncadd.s32 $0xFFFFD800  }
0x44: {  	s30 =	simm.s32 $0x0;
	[bflag:$0x0] =	sbarrier.arrive $0xFFFF  }
0x45: {  	[tilespmem:s19], [sflag:$0x1] =	stream.indirect.gather [hbm4b:s4+s18], $0x80, s30, s18, $0xb8;
	[tilespmem:$0x1D000] =	vst v63  }
0x46: {  	_ =	swait.ge [sflag:s20], $0x3E80  }
0x47: {  	[sflag:s20] =	ssyncset.done $0x0  }
0x48: {  	s31 =	simm.s32 $0x2800;
	[sflag:s20] =	ssyncadd.s32 $0xFFFFC180  }
0x49: {  	[spmem:s2] =	stream.indirect.scatter.add.f32 [tilespmem:s19], [sflag:$0x2], $0x80, s31, s18, $0xb8;
	[tilespmem:$0x1D000] =	vst v63  }
0x4a: {  	_ =	swait.ge [sflag:s15], $0x3E80  }
0x4b: {  	s23 =	simm.s32 $0x400;
	s22 =	simm.s32 $0x200;
	[sflag:s15] =	ssyncset.done $0x0  }
.LBB2_4:
0x4c: {  	s24 =	sshra.s32 s22, $0x2  }
0x4d: {  	[sflag:s15] =	ssyncadd.s32 $0xFFFFC180;
	s22 =	smov.u32 s23;
	s25 =	sadd.s32 $0x200, s23  }
0x4e: {  	[tilespmem:s19], [sflag:$0x1] =	stream.indirect.gather [hbm4b:s4+s18], $0x80, s24, s18, $0xb8;
	[tilespmem:$0x1D000] =	vst v63  }
0x4f: {  	p0 =	sne.s32 s23, $0x9E00;
	_ =	swait.ge [sflag:s20], $0x3E80  }
.Ltmp1:
0x50: {  	[sflag:s20] =	ssyncset.done $0x0;
	(pc) =	sbr.rel @p0 .LBB2_4-.Ltmp1, $4  }
0x51: {  	s23 =	sadd.s32 $0x2800, s24;
	[sflag:s20] =	ssyncadd.s32 $0xFFFFC180  }
0x52: {  	[spmem:s2] =	stream.indirect.scatter.add.f32 [tilespmem:s19], [sflag:$0x2], $0x80, s23, s18, $0xb8;
	[tilespmem:$0x1D000] =	vst v63  }
0x53: {  	_ =	swait.ge [sflag:s15], $0x3E80  }
0x54: {  	s23 =	smov.u32 s25;
	[sflag:s15] =	ssyncset.done $0x0  }
0x55: {  	s22 =	sshra.s32 s22, $0x2;
	[sflag:s15] =	ssyncadd.s32 $0xFFFFC180  }
0x56: {  	[tilespmem:s19], [sflag:$0x1] =	stream.indirect.gather [hbm4b:s4+s18], $0x80, s22, s18, $0xb8;
	[tilespmem:$0x1D000] =	vst v63  }
0x57: {  	_ =	swait.ge [sflag:s20], $0x3E80  }
0x58: {  	[sflag:s20] =	ssyncset.done $0x0  }
0x59: {  	s22 =	sadd.s32 $0x2800, s22;
	[sflag:s20] =	ssyncadd.s32 $0xFFFFC180  }
0x5a: {  	[spmem:s2] =	stream.indirect.scatter.add.f32 [tilespmem:s19], [sflag:$0x2], $0x80, s22, s18, $0xb8;
	[tilespmem:$0x1D000] =	vst v63  }
0x5b: {  	_ =	swait.ge [sflag:s15], $0x3E80  }
0x5c: {  	[sflag:s15] =	ssyncset.done $0x0  }
0x5d: {  	[sflag:s15] =	ssyncadd.s32 $0xFFFFC180  }
0x5e: {  	[bflag:$0x0] =	sbarrier.arrive $0xFFFF  }
0x5f: {  	[hbm:s10], [sflag:s16] =	dma.local [spmem:s17], $0x2800  }
0x60: {  	_ =	swait.ge [sflag:s15], $0x2800  }
0x61: {  	[sflag:s15] =	ssyncset.done $0x0  }
0x62: {  	s29 =	simm.s32 $0x0;
	[sflag:s15] =	ssyncadd.s32 $0xFFFFD800  }
0x63: {  	[tilespmem:s29], [sflag:$0x2] =	stream.linear.gather [hbm4b:s11+s29], $0x2800, $0x38;
	[tilespmem:$0x1D000] =	vst v63  }
0x64: {  	_ =	swait.ge [sflag:s15], $0x2800  }
0x65: {  	[sflag:s15] =	ssyncset.done $0x0  }
0x66: {  	[sflag:s15] =	ssyncadd.s32 $0xFFFFD800  }
0x67: {  	[spmem:s17], [sflag:s16] =	dma.local [hbm:s5], $0x2800  }
0x68: {  	_ =	swait.ge [sflag:s15], $0x2800  }
0x69: {  	[sflag:s15] =	ssyncset.done $0x0  }
0x6a: {  	[sflag:s15] =	ssyncadd.s32 $0xFFFFD800  }
0x6b: {  	s30 =	simm.s32 $0x0;
	[bflag:$0x0] =	sbarrier.arrive $0xFFFF  }
0x6c: {  	[tilespmem:s19], [sflag:$0x1] =	stream.indirect.gather [hbm4b:s4+s18], $0x80, s30, s18, $0xb8;
	[tilespmem:$0x1D000] =	vst v63  }
0x6d: {  	_ =	swait.ge [sflag:s20], $0x3E80  }
0x6e: {  	[sflag:s20] =	ssyncset.done $0x0  }
0x6f: {  	s31 =	simm.s32 $0x2800;
	[sflag:s20] =	ssyncadd.s32 $0xFFFFC180  }
0x70: {  	[spmem:s2] =	stream.indirect.scatter.add.f32 [tilespmem:s19], [sflag:$0x2], $0x80, s31, s18, $0xb8;
	[tilespmem:$0x1D000] =	vst v63  }
0x71: {  	_ =	swait.ge [sflag:s15], $0x3E80  }
0x72: {  	s23 =	simm.s32 $0x400;
	s22 =	simm.s32 $0x200;
	[sflag:s15] =	ssyncset.done $0x0  }
.LBB2_6:
0x73: {  	s24 =	sshra.s32 s22, $0x2  }
0x74: {  	[sflag:s15] =	ssyncadd.s32 $0xFFFFC180;
	s22 =	smov.u32 s23;
	s25 =	sadd.s32 $0x200, s23  }
0x75: {  	[tilespmem:s19], [sflag:$0x1] =	stream.indirect.gather [hbm4b:s4+s18], $0x80, s24, s18, $0xb8;
	[tilespmem:$0x1D000] =	vst v63  }
0x76: {  	p0 =	sne.s32 s23, $0x9E00;
	_ =	swait.ge [sflag:s20], $0x3E80  }
.Ltmp2:
0x77: {  	[sflag:s20] =	ssyncset.done $0x0;
	(pc) =	sbr.rel @p0 .LBB2_6-.Ltmp2, $4  }
0x78: {  	s23 =	sadd.s32 $0x2800, s24;
	[sflag:s20] =	ssyncadd.s32 $0xFFFFC180  }
0x79: {  	[spmem:s2] =	stream.indirect.scatter.add.f32 [tilespmem:s19], [sflag:$0x2], $0x80, s23, s18, $0xb8;
	[tilespmem:$0x1D000] =	vst v63  }
0x7a: {  	_ =	swait.ge [sflag:s15], $0x3E80  }
0x7b: {  	s23 =	smov.u32 s25;
	[sflag:s15] =	ssyncset.done $0x0  }
0x7c: {  	s22 =	sshra.s32 s22, $0x2;
	[sflag:s15] =	ssyncadd.s32 $0xFFFFC180  }
0x7d: {  	[tilespmem:s19], [sflag:$0x1] =	stream.indirect.gather [hbm4b:s4+s18], $0x80, s22, s18, $0xb8;
	[tilespmem:$0x1D000] =	vst v63  }
0x7e: {  	_ =	swait.ge [sflag:s20], $0x3E80  }
0x7f: {  	[sflag:s20] =	ssyncset.done $0x0  }
0x80: {  	s22 =	sadd.s32 $0x2800, s22;
	[sflag:s20] =	ssyncadd.s32 $0xFFFFC180  }
0x81: {  	[spmem:s2] =	stream.indirect.scatter.add.f32 [tilespmem:s19], [sflag:$0x2], $0x80, s22, s18, $0xb8;
	[tilespmem:$0x1D000] =	vst v63  }
0x82: {  	_ =	swait.ge [sflag:s15], $0x3E80  }
0x83: {  	s21 =	sadd.s32 $0x1, s21;
	[sflag:s15] =	ssyncset.done $0x0  }
0x84: {  	p0 =	sne.s32 s21, s13;
	[sflag:s15] =	ssyncadd.s32 $0xFFFFC180  }
.Ltmp3:
0x85: {  	[bflag:$0x0] =	sbarrier.arrive $0xFFFF;
	(pc) =	sbr.rel @p0 .LBB2_1-.Ltmp3, $4  }
0x86: {  	[hbm:s12], [sflag:s16] =	dma.local [spmem:s17], $0x2800  }
0x87: {  	_ =	swait.ge [sflag:s15], $0x2800  }
0x88: {  	[sflag:s15] =	ssyncset.done $0x0  }
0x89: {  	[sflag:s15] =	ssyncadd.s32 $0xFFFFD800  }
0x8a: {  	_ =	sfence.sel $0x180000  }
0x8b: {  	[bflag:$0x0] =	sbarrier.arrive $0xFFFF  }
0x8c: {  	p0 =	sne.s32 s0, $0x0;
	_ =	strace $0x90000047  }
0x8d: {  	s0 =	sadd.s32 @!p0 $0x100000, s1;
	[bflag:$0x2] =	sbarrier.arrive $0xFFFF  }
0x8e: {  	[sflag:s0] =	ssyncadd.tile.s32 @!p0 $0x1;
	_ =	shalt  }
.Lfunc_end2:
_tile_overlayer_lowered:
.L_overlay_start_2:
0x8f: {  	(tag) =	ssettag $0x2  }
0x90: {  	s0 =	rddreg [dreg:$0x0];
	s2 =	stileid.u32  }
0x91: {  	s1 =	rddreg [dreg:$0x1];
	p0 =	sne.s32 s2, $0x0  }
0x92: {  	s3 =	rddreg [dreg:$0x2];
	[bflag:$0x3] =	sbarrier.arrive $0xFFFF;
	s2 =	simm.s32 @!p0 $0x1C02  }
0x93: {  	[timem:s3], [sflag:s2] =	dma.local @!p0 [hbm:s0], s1  }
0x94: {  	s0 =	simm.s32 @!p0 $0x2  }
0x95: {  	_ =	swait.ge @!p0 [sflag:s0], s1  }
0x96: {  	s1 =	ssub.s32 @!p0 $0x0, s1;
	[sflag:s0] =	ssyncset.done @!p0 $0x0  }
0x97: {  	[sflag:s0] =	ssyncadd.s32 @!p0 s1  }
0x98: {  	[bflag:$0x3] =	sbarrier.arrive $0xFFFF  }
0x99: {  	_ =	shalt  }

// kernel: kernel.13.cloned.1.call-start
scs
__scs_entry_jumppad:
0x0: {  	(pc) =	sbr.rel $0x88, $3  }
0x1: {  	(tag) =	ssettag $0x0;
	lr =	simm.s32 $0x1  }
0x2: {  	[smem:$0x3F91] =	sst lr;
	_ =	strace $0xD0000000  }
0x3: {  	_ = 	snop  }
0x4: {  	_ = 	snop  }
0x5: {  	_ = 	snop  }
0x6: {  	_ = 	snop  }
0x7: {  	_ = 	snop  }
__scs_overlays_trampoline_lowered:
0x8: {  	[smem:$0x3FA0] =	sst s0  }
0x9: {  	[smem:$0x3FA1] =	sst s1  }
0xa: {  	[smem:$0x3FA2] =	sst s2  }
0xb: {  	[smem:$0x3FA3] =	sst s3  }
0xc: {  	[smem:$0x3FA4] =	sst s4  }
0xd: {  	[smem:$0x3FA5] =	sst s5  }
0xe: {  	[smem:$0x3FA6] =	sst s6  }
0xf: {  	[smem:$0x3FA7] =	sst s7  }
0x10: {  	[smem:$0x3FA8] =	sst s8  }
0x11: {  	[smem:$0x3FA9] =	sst s9;
	s0 =	simm.s32 @!p0 $0x0  }
0x12: {  	s1 =	sld [smem:$0x3F8F];
	s0 =	simm.s32 @p0 $0x1  }
0x13: {  	[smem:$0x3FAA] =	sst s0;
	s0 =	simm.s32 @!p1 $0x0  }
0x14: {  	s2 =	sld [smem:$0x3F8E];
	s0 =	simm.s32 @p1 $0x1  }
0x15: {  	[smem:$0x3FAB] =	sst s0;
	s0 =	simm.s32 @!p2 $0x0  }
0x16: {  	s3 =	sld [smem:$0x3FDB];
	s0 =	simm.s32 @p2 $0x1  }
0x17: {  	s4 =	simm.s32 $0x1BF5;
	[smem:$0x3FAD] =	sst s0  }
0x18: {  	s0 =	sld [smem:$0x3F90];
	_ =	swait.ge [sflag:s4], $0x0  }
0x19: {  	s7 =	sld [smem:$0x3F91]  }
0x1a: {  	s8 =	sadd.s32 $0xFFFFE003, lr  }
0x1b: {  	s9 =	sadd.s32 $0xFFFFFEF7, lr;
	s5 =	simm.s32 $0xFFFFFFFF;
	p2 =	slt.u32 s8, $0xFFFFF086  }
0x1c: {  	p1 =	slt.u32 s9, $0xF7A;
	s5 =	simm.s32 @!p2 $0x0  }
0x1d: {  	s5 =	simm.s32 @p1 $0x1;
	p0 =	seq.s32 s7, s2  }
0x1e: {  	s7 =	smul.u32 @!p0 $0xF7A, s2;
	p2 =	seq.s32 @!p0 s5, $0x0  }
0x1f: {  	s9 =	smul.u32 $0xF7A, s1;
	s8 =	simm.s32 @!p0 $0x1BF5;
	p2 =	por !p2, p0  }
0x20: {  	[sflag:s8] =	ssyncset.s32 @!p0 $0xFFFFF086;
	s6 =	sadd.s32 @!p0 s3, s7;
	s7 =	simm.s32 @!p0 $0x108  }
0x21: {  	s3 =	sadd.s32 s3, s9;
	s6 =	sadd.s32 @!p0 $0x88, s6;
	s7 =	simm.s32 @p2 $0x1082  }
0x22: {  	[simem:s7], [sflag:s8] =	dma.local @!p0 [hbm:s6], $0xF7A  }
0x23: {  	s9 =	sor.u32 $0xD0000000, s2;
	s6 =	simm.s32 $0x108;
	_ =	swait.ge @!p0 [sflag:s8], $0x0  }
0x24: {  	s3 =	sadd.s32 $0x88, s3;
	s6 =	simm.s32 @!p1 $0x1082;
	[sflag:s4] =	ssyncset.s32 $0xFFFFF086  }
0x25: {  	[simem:s6], [sflag:s4] =	dma.local [hbm:s3], $0xF7A  }
0x26: {  	[smem:$0x3F91] =	sst s1;
	(tag) =	ssettag s2;
	_ =	strace s9  }
0x27: {  	s1 =	sld [smem:$0x3FA1]  }
0x28: {  	s2 =	sld [smem:$0x3FA2]  }
0x29: {  	s4 =	sld [smem:$0x3FA4]  }
0x2a: {  	p0 =	seq.s32 s5, $0x0;
	s5 =	sld [smem:$0x3FA5]  }
0x2b: {  	s6 =	sld [smem:$0x3FA6]  }
0x2c: {  	s7 =	sld [smem:$0x3FA7]  }
0x2d: {  	s3 =	simm.s32 $0x108;
	s8 =	sld [smem:$0x3FA8]  }
0x2e: {  	s3 =	simm.s32 @!p0 $0x1082;
	s9 =	sld [smem:$0x3FA9]  }
0x2f: {  	lr =	sadd.s32 s0, s3;
	s0 =	sld [smem:$0x3FA0]  }
0x30: {  	s3 =	sld [smem:$0x3FA3]  }
0x31: {  	[smem:$0x3FAC] =	sst s10  }
0x32: {  	s10 =	sld [smem:$0x3FAA];
	_ =	sdelay $0x3  }
0x33: {  	p0 =	seq.s32 s10, $0x1;
	s10 =	sld [smem:$0x3FAC];
	_ =	sdelay $0x3  }
0x34: {  	[smem:$0x3FAC] =	sst s10  }
0x35: {  	s10 =	sld [smem:$0x3FAB];
	_ =	sdelay $0x3  }
0x36: {  	p1 =	seq.s32 s10, $0x1;
	s10 =	sld [smem:$0x3FAC];
	_ =	sdelay $0x3  }
0x37: {  	[smem:$0x3FAC] =	sst s10  }
0x38: {  	s10 =	sld [smem:$0x3FAD]  }
0x39: {  	_ = 	snop;
	(pc) =	sbr.ind lr, $3  }
0x3a: {  	_ = 	snop  }
0x3b: {  	_ = 	snop  }
0x3c: {  	p2 =	seq.s32 s10, $0x1;
	s10 =	sld [smem:$0x3FAC]  }
0x3d: {  	_ =	shalt  }
0x3e: {  	_ =	shalt  }
0x3f: {  	_ =	shalt  }
0x40: {  	_ =	shalt  }
0x41: {  	_ =	shalt  }
0x42: {  	_ =	shalt  }
0x43: {  	_ =	shalt  }
0x44: {  	_ =	shalt  }
0x45: {  	_ =	shalt  }
0x46: {  	_ =	shalt  }
0x47: {  	_ =	shalt  }
0x48: {  	_ =	shalt  }
0x49: {  	_ =	shalt  }
0x4a: {  	_ =	shalt  }
0x4b: {  	_ =	shalt  }
0x4c: {  	_ =	shalt  }
0x4d: {  	_ =	shalt  }
0x4e: {  	_ =	shalt  }
0x4f: {  	_ =	shalt  }
0x50: {  	_ =	shalt  }
0x51: {  	_ =	shalt  }
0x52: {  	_ =	shalt  }
0x53: {  	_ =	shalt  }
0x54: {  	_ =	shalt  }
0x55: {  	_ =	shalt  }
0x56: {  	_ =	shalt  }
0x57: {  	_ =	shalt  }
0x58: {  	_ =	shalt  }
0x59: {  	_ =	shalt  }
0x5a: {  	_ =	shalt  }
0x5b: {  	_ =	shalt  }
0x5c: {  	_ =	shalt  }
0x5d: {  	_ =	shalt  }
0x5e: {  	_ =	shalt  }
0x5f: {  	_ =	shalt  }
0x60: {  	_ =	shalt  }
0x61: {  	_ =	shalt  }
0x62: {  	_ =	shalt  }
0x63: {  	_ =	shalt  }
0x64: {  	_ =	shalt  }
0x65: {  	_ =	shalt  }
0x66: {  	_ =	shalt  }
0x67: {  	_ =	shalt  }
0x68: {  	_ =	shalt  }
0x69: {  	_ =	shalt  }
0x6a: {  	_ =	shalt  }
0x6b: {  	_ =	shalt  }
0x6c: {  	_ =	shalt  }
0x6d: {  	_ =	shalt  }
0x6e: {  	_ =	shalt  }
0x6f: {  	_ =	shalt  }
0x70: {  	_ =	shalt  }
0x71: {  	_ =	shalt  }
0x72: {  	_ =	shalt  }
0x73: {  	_ =	shalt  }
0x74: {  	_ =	shalt  }
0x75: {  	_ =	shalt  }
0x76: {  	_ =	shalt  }
0x77: {  	_ =	shalt  }
0x78: {  	_ =	shalt  }
0x79: {  	_ =	shalt  }
0x7a: {  	_ =	shalt  }
0x7b: {  	_ =	shalt  }
0x7c: {  	_ =	shalt  }
0x7d: {  	_ =	shalt  }
0x7e: {  	_ =	shalt  }
0x7f: {  	_ =	shalt  }
0x80: {  	_ =	shalt  }
0x81: {  	_ =	shalt  }
0x82: {  	_ =	shalt  }
0x83: {  	_ =	shalt  }
0x84: {  	_ =	shalt  }
0x85: {  	_ =	shalt  }
0x86: {  	_ =	shalt  }
0x87: {  	_ =	shalt  }
.Lfunc_end0:
.L_simem_size_0:
called_computation.1_lowered:
.L_overlay_start_0:
0x88: {  	s2 =	sld [smem:$0x3FD9]  }
0x89: {  	s3 =	sld [smem:$0x3FFE];
	_ =	sdelay $0x1  }
0x8a: {  	s1 =	srdreg.scid  }
0x8b: {  	s0 =	sand.u32 $0x1, s1  }
0x8c: {  	s16 =	sshll.u32 s0, $0xA;
	s2 =	sadd.s32 s3, s2  }
0x8d: {  	s2 =	sadd.s32 s2, s16  }
0x8e: {  	[smem:$0x3FB8] =	sst s2  }
0x8f: {  	_ = 	snop  }
0x90: {  	(tm) =	ssettm $0x1  }
0x91: {  	s17 =	sld [smem:$0x3FFB];
	_ =	sdelay $0x3  }
0x92: {  	_ =	strace s17  }
0x93: {  	s2 =	sld [smem:$0x3FFC];
	_ =	sdelay $0x3  }
0x94: {  	_ =	strace s2  }
0x95: {  	s2 =	sld [smem:$0x3FFD];
	_ =	sdelay $0x3  }
0x96: {  	_ =	strace s2  }
0x97: {  	_ =	strace $0x8FFFFFFF  }
0x98: {  	s18 =	sld [smem:$0x3FDB];
	_ =	sdelay $0x1  }
0x99: {  	s19 =	simm.s32 $_scs_section_size  }
0x9a: {  	s4 =	simm.s32 $_size__tile_overlayer_lowered;
	s5 =	simm.s32 $_tile_overlayer_lowered  }
0x9b: {  	s22 =	simm.s32 $0x1BFF;
	s21 =	sshll.u32 s5, $0x1;
	s2 =	sadd.s32 s19, s18  }
0x9c: {  	s6 =	simm.s32 $0x0;
	s20 =	sshll.u32 s4, $0x1;
	s4 =	sadd.s32 s21, s2  }
0x9d: {  	[timem:s6], [sflag:s22] =	dma.local [hbm:s4], s20  }
0x9e: {  	_ =	swait.ge [sflag:s22], s20  }
0x9f: {  	s3 =	ssub.s32 $0x0, s20;
	[sflag:s22] =	ssyncset.done $0x0  }
0xa0: {  	[sflag:s22] =	ssyncadd.s32 s3;
	_ =	sdelay $0x1  }
0xa1: {  	s23 =	simm.s32 $0x1B8B  }
0xa2: {  	_ =	swait.ge [sflag:s23], $0x1  }
0xa3: {  	[sflag:s23] =	ssyncset.done $0x0  }
0xa4: {  	s25 =	simm.s32 $0x1B8E;
	s24 =	sld [smem:$0x3FFE];
	[sflag:s23] =	ssyncadd.s32 $0xFFFFFFFF  }
0xa5: {  	s26 =	simm.s32 $execute0_lowered;
	[smem:$0x3FD2] =	sst s25  }
0xa6: {  	s4 =	sshll.u32 s26, $0x1;
	_ =	strace $0x80000049;
	[dreg:$0x1] =	wrdreg $0xFFFFFFFF  }
0xa7: {  	s28 =	simm.s32 $_size_execute0_lowered;
	s2 =	sadd.s32 s2, s4;
	[dreg:$0x0] =	wrdreg $0x0  }
0xa8: {  	s4 =	sshll.u32 s28, $0x1;
	[dreg:$0x2] =	wrdreg s2  }
0xa9: {  	[dreg:$0x3] =	wrdreg s4  }
0xaa: {  	[dreg:$0x4] =	wrdreg $0xC0  }
0xab: {  	_ =	task [dreg:s6], $0x5FFFF  }
0xac: {  	[dreg:$0x1] =	wrdreg $0xFFFFFFFF  }
0xad: {  	[dreg:$0x0] =	wrdreg $0x60  }
0xae: {  	[dreg:$0x2] =	wrdreg s24  }
0xaf: {  	[dreg:$0x3] =	wrdreg $0x90000  }
0xb0: {  	[dreg:$0x4] =	wrdreg $0x9  }
0xb1: {  	_ =	task.clear_ibuf [dreg:s6], $0x5FFFF;
	_ =	strace $0x90000049  }
0xb2: {  	s29 =	simm.s32 $0x9;
	_ =	strace $0x8000004B  }
0xb3: {  	_ =	swait.ge [sflag:s29], $0x1  }
0xb4: {  	[sflag:s29] =	ssyncadd.s32 $0xFFFFFFFF  }
0xb5: {  	_ =	strace $0x9000004B  }
0xb6: {  	_ =	sfence  }
0xb7: {  	s30 =	sld [smem:$0x0];
	_ =	sdelay $0x2  }
0xb8: {  	s31 =	sshll.u32 s1, $0xD;
	s1 =	sshrl.u32 s1, $0x2  }
0xb9: {  	s3 =	sand.u32 $0x4000, s31;
	s1 =	sadd.s32 s1, s30  }
0xba: {  	s0 =	sor.u32 s3, s0;
	s1 =	sshll.u32 s1, $0x11  }
0xbb: {  	s0 =	sor.u32 s1, s0  }
0xbc: {  	s0 =	sadd.s32 $0x8F2B, s0  }
0xbd: {  	[sflag:s0] =	ssyncadd.remote.s32 $0x1  }
0xbe: {  	_ =	sfence.sel $0xFFFF  }
0xbf: {  	[dreg:$0x0] =	wrdreg $0xFFFFFFFF;
	(pc) =	sbr.abs _section_cstart, $3  }
0xc0: {  	[dreg:$0x1] =	wrdreg $0xFFFFFFFF  }
0xc1: {  	_ =	task.clear_ibuf [dreg:s6], $0x2FFFF;
	_ =	strace $0x9FFFFFFF  }
0xc2: {  	(tm) =	ssettm $0x7FFFFFFF  }
0xc3: {  	_ =	shalt  }
tec
execute0_lowered:
.L_overlay_start_1:
0x0: {  	(tag) =	ssettag $0x1  }
0x1: {  	s0 =	srdreg.scid;
	s6 =	rddreg [dreg:$0x0]  }
0x2: {  	s2 =	rddreg [dreg:$0x1];
	s3 =	simm.s32 $0x0;
	s18 =	simm.s32 $0x7D  }
0x3: {  	s19 =	simm.s32 $0x5000;
	s20 =	simm.s32 $0x1;
	s21 =	simm.s32 $0x0  }
0x4: {  	s5 =	sand.u32 $0x1, s0;
	s0 =	stileid.u32;
	[smem:$0x7FF] =	sst s3  }
0x5: {  	s4 =	sadd.s32 $0xA2C00, s6;
	s11 =	sadd.s32 $0x82400, s6;
	s9 =	smul.u32 $0x280, s0  }
0x6: {  	s1 =	sshll.u32 s5, $0x4;
	s10 =	smul.u32 $0x2800, s5;
	s29 =	ssub.s32 $0x2, s5  }
0x7: {  	s13 =	smul.u32 $0x50000, s0;
	s5 =	sadd.s32 $0xA0400, s6;
	s16 =	sshll.u32 s0, $0x6  }
0x8: {  	s7 =	sor.u32 s0, s1;
	s1 =	rddreg [dreg:$0x2];
	_ =	strace $0x8000004A  }
0x9: {  	s14 =	sshrl.u32 s29, $0x1;
	s16 =	sor.u32 $0x1C02, s16;
	s8 =	smul.u32 $0x500, s7  }
0xa: {  	s9 =	sadd.s32 s9, s10;
	s7 =	smul.u32 $0x2800, s7;
	s30 =	sshrl.u32 s13, $0x2  }
0xb: {  	s14 =	ssub.s32 s29, s14;
	s9 =	sshll.u32 s9, $0x4;
	s17 =	sadd.s32 s30, s2  }
0xc: {  	s13 =	smax.u32 s14, $0x1;
	s14 =	simm.s32 $0x2800;
	s12 =	sadd.s32 s8, s6  }
0xd: {  	s15 =	sadd.s32 s9, s6;
	s31 =	sshrl.u32 s7, $0x3;
	s7 =	sadd.s32 s11, s8  }
0xe: {  	s17 =	sshrl.u32 s17, $0x3;
	s6 =	sadd.s32 $0x3000, s12;
	s11 =	sadd.s32 s11, s31  }
0xf: {  	s8 =	sadd.s32 $0x118000, s15;
	s10 =	sadd.s32 $0x168000, s15;
	s12 =	sadd.s32 $0x1B8000, s15  }
0x10: {  	s15 =	simm.s32 $0x2;
	s9 =	sadd.s32 $0xA000, s11;
	s11 =	sadd.s32 $0x14000, s11  }
.LBB2_1:
0x11: {  	[tilespmem:s14], [sflag:$0x2] =	stream.linear.gather [hbm4b:s6+s3], $0x2800, $0x38;
	[tilespmem:$0x1D000] =	vst v63  }
0x12: {  	_ =	swait.ge [sflag:s15], $0x2800  }
0x13: {  	[sflag:s15] =	ssyncset.done $0x0  }
0x14: {  	[sflag:s15] =	ssyncadd.s32 $0xFFFFD800  }
0x15: {  	[tilespmem:s3], [sflag:$0x2] =	stream.linear.gather [hbm4b:s7+s3], $0x2800, $0x38;
	[tilespmem:$0x1D000] =	vst v63  }
0x16: {  	_ =	swait.ge [sflag:s15], $0x2800  }
0x17: {  	[sflag:s15] =	ssyncset.done $0x0  }
0x18: {  	[sflag:s15] =	ssyncadd.s32 $0xFFFFD800  }
0x19: {  	[spmem:s17], [sflag:s16] =	dma.local [hbm:s5], $0x2800  }
0x1a: {  	_ =	swait.ge [sflag:s15], $0x2800  }
0x1b: {  	[sflag:s15] =	ssyncset.done $0x0  }
0x1c: {  	[sflag:s15] =	ssyncadd.s32 $0xFFFFD800  }
0x1d: {  	s22 =	simm.s32 $0x0;
	[bflag:$0x0] =	sbarrier.arrive $0xFFFF  }
0x1e: {  	[tilespmem:s19], [sflag:$0x1] =	stream.indirect.gather [hbm4b:s4+s18], $0x80, s22, s18, $0xb8;
	[tilespmem:$0x1D000] =	vst v63  }
0x1f: {  	_ =	swait.ge [sflag:s20], $0x3E80  }
0x20: {  	[sflag:s20] =	ssyncset.done $0x0  }
0x21: {  	s31 =	simm.s32 $0x2800;
	[sflag:s20] =	ssyncadd.s32 $0xFFFFC180  }
0x22: {  	[spmem:s2] =	stream.indirect.scatter.add.f32 [tilespmem:s19], [sflag:$0x2], $0x80, s31, s18, $0xb8;
	[tilespmem:$0x1D000] =	vst v63  }
0x23: {  	_ =	swait.ge [sflag:s15], $0x3E80  }
0x24: {  	s23 =	simm.s32 $0x400;
	s22 =	simm.s32 $0x200;
	[sflag:s15] =	ssyncset.done $0x0  }
.LBB2_2:
0x25: {  	s24 =	sshra.s32 s22, $0x2  }
0x26: {  	[sflag:s15] =	ssyncadd.s32 $0xFFFFC180;
	s22 =	smov.u32 s23;
	s25 =	sadd.s32 $0x200, s23  }
0x27: {  	[tilespmem:s19], [sflag:$0x1] =	stream.indirect.gather [hbm4b:s4+s18], $0x80, s24, s18, $0xb8;
	[tilespmem:$0x1D000] =	vst v63  }
0x28: {  	p0 =	sne.s32 s23, $0x9E00;
	_ =	swait.ge [sflag:s20], $0x3E80  }
.Ltmp0:
0x29: {  	[sflag:s20] =	ssyncset.done $0x0;
	(pc) =	sbr.rel @p0 .LBB2_2-.Ltmp0, $4  }
0x2a: {  	s23 =	sadd.s32 $0x2800, s24;
	[sflag:s20] =	ssyncadd.s32 $0xFFFFC180  }
0x2b: {  	[spmem:s2] =	stream.indirect.scatter.add.f32 [tilespmem:s19], [sflag:$0x2], $0x80, s23, s18, $0xb8;
	[tilespmem:$0x1D000] =	vst v63  }
0x2c: {  	_ =	swait.ge [sflag:s15], $0x3E80  }
0x2d: {  	s23 =	smov.u32 s25;
	[sflag:s15] =	ssyncset.done $0x0  }
0x2e: {  	s22 =	sshra.s32 s22, $0x2;
	[sflag:s15] =	ssyncadd.s32 $0xFFFFC180  }
0x2f: {  	[tilespmem:s19], [sflag:$0x1] =	stream.indirect.gather [hbm4b:s4+s18], $0x80, s22, s18, $0xb8;
	[tilespmem:$0x1D000] =	vst v63  }
0x30: {  	_ =	swait.ge [sflag:s20], $0x3E80  }
0x31: {  	[sflag:s20] =	ssyncset.done $0x0  }
0x32: {  	s22 =	sadd.s32 $0x2800, s22;
	[sflag:s20] =	ssyncadd.s32 $0xFFFFC180  }
0x33: {  	[spmem:s2] =	stream.indirect.scatter.add.f32 [tilespmem:s19], [sflag:$0x2], $0x80, s22, s18, $0xb8;
	[tilespmem:$0x1D000] =	vst v63  }
0x34: {  	_ =	swait.ge [sflag:s15], $0x3E80  }
0x35: {  	[sflag:s15] =	ssyncset.done $0x0  }
0x36: {  	[sflag:s15] =	ssyncadd.s32 $0xFFFFC180  }
0x37: {  	[bflag:$0x0] =	sbarrier.arrive $0xFFFF  }
0x38: {  	[hbm:s8], [sflag:s16] =	dma.local [spmem:s17], $0x2800  }
0x39: {  	_ =	swait.ge [sflag:s15], $0x2800  }
0x3a: {  	[sflag:s15] =	ssyncset.done $0x0  }
0x3b: {  	s29 =	simm.s32 $0x0;
	[sflag:s15] =	ssyncadd.s32 $0xFFFFD800  }
0x3c: {  	[tilespmem:s29], [sflag:$0x2] =	stream.linear.gather [hbm4b:s9+s29], $0x2800, $0x38;
	[tilespmem:$0x1D000] =	vst v63  }
0x3d: {  	_ =	swait.ge [sflag:s15], $0x2800  }
0x3e: {  	[sflag:s15] =	ssyncset.done $0x0  }
0x3f: {  	[sflag:s15] =	ssyncadd.s32 $0xFFFFD800  }
0x40: {  	[spmem:s17], [sflag:s16] =	dma.local [hbm:s5], $0x2800  }
0x41: {  	_ =	swait.ge [sflag:s15], $0x2800  }
0x42: {  	[sflag:s15] =	ssyncset.done $0x0  }
0x43: {  	[sflag:s15] =	ssyncadd.s32 $0xFFFFD800  }
0x44: {  	s30 =	simm.s32 $0x0;
	[bflag:$0x0] =	sbarrier.arrive $0xFFFF  }
0x45: {  	[tilespmem:s19], [sflag:$0x1] =	stream.indirect.gather [hbm4b:s4+s18], $0x80, s30, s18, $0xb8;
	[tilespmem:$0x1D000] =	vst v63  }
0x46: {  	_ =	swait.ge [sflag:s20], $0x3E80  }
0x47: {  	[sflag:s20] =	ssyncset.done $0x0  }
0x48: {  	s31 =	simm.s32 $0x2800;
	[sflag:s20] =	ssyncadd.s32 $0xFFFFC180  }
0x49: {  	[spmem:s2] =	stream.indirect.scatter.add.f32 [tilespmem:s19], [sflag:$0x2], $0x80, s31, s18, $0xb8;
	[tilespmem:$0x1D000] =	vst v63  }
0x4a: {  	_ =	swait.ge [sflag:s15], $0x3E80  }
0x4b: {  	s23 =	simm.s32 $0x400;
	s22 =	simm.s32 $0x200;
	[sflag:s15] =	ssyncset.done $0x0  }
.LBB2_4:
0x4c: {  	s24 =	sshra.s32 s22, $0x2  }
0x4d: {  	[sflag:s15] =	ssyncadd.s32 $0xFFFFC180;
	s22 =	smov.u32 s23;
	s25 =	sadd.s32 $0x200, s23  }
0x4e: {  	[tilespmem:s19], [sflag:$0x1] =	stream.indirect.gather [hbm4b:s4+s18], $0x80, s24, s18, $0xb8;
	[tilespmem:$0x1D000] =	vst v63  }
0x4f: {  	p0 =	sne.s32 s23, $0x9E00;
	_ =	swait.ge [sflag:s20], $0x3E80  }
.Ltmp1:
0x50: {  	[sflag:s20] =	ssyncset.done $0x0;
	(pc) =	sbr.rel @p0 .LBB2_4-.Ltmp1, $4  }
0x51: {  	s23 =	sadd.s32 $0x2800, s24;
	[sflag:s20] =	ssyncadd.s32 $0xFFFFC180  }
0x52: {  	[spmem:s2] =	stream.indirect.scatter.add.f32 [tilespmem:s19], [sflag:$0x2], $0x80, s23, s18, $0xb8;
	[tilespmem:$0x1D000] =	vst v63  }
0x53: {  	_ =	swait.ge [sflag:s15], $0x3E80  }
0x54: {  	s23 =	smov.u32 s25;
	[sflag:s15] =	ssyncset.done $0x0  }
0x55: {  	s22 =	sshra.s32 s22, $0x2;
	[sflag:s15] =	ssyncadd.s32 $0xFFFFC180  }
0x56: {  	[tilespmem:s19], [sflag:$0x1] =	stream.indirect.gather [hbm4b:s4+s18], $0x80, s22, s18, $0xb8;
	[tilespmem:$0x1D000] =	vst v63  }
0x57: {  	_ =	swait.ge [sflag:s20], $0x3E80  }
0x58: {  	[sflag:s20] =	ssyncset.done $0x0  }
0x59: {  	s22 =	sadd.s32 $0x2800, s22;
	[sflag:s20] =	ssyncadd.s32 $0xFFFFC180  }
0x5a: {  	[spmem:s2] =	stream.indirect.scatter.add.f32 [tilespmem:s19], [sflag:$0x2], $0x80, s22, s18, $0xb8;
	[tilespmem:$0x1D000] =	vst v63  }
0x5b: {  	_ =	swait.ge [sflag:s15], $0x3E80  }
0x5c: {  	[sflag:s15] =	ssyncset.done $0x0  }
0x5d: {  	[sflag:s15] =	ssyncadd.s32 $0xFFFFC180  }
0x5e: {  	[bflag:$0x0] =	sbarrier.arrive $0xFFFF  }
0x5f: {  	[hbm:s10], [sflag:s16] =	dma.local [spmem:s17], $0x2800  }
0x60: {  	_ =	swait.ge [sflag:s15], $0x2800  }
0x61: {  	[sflag:s15] =	ssyncset.done $0x0  }
0x62: {  	s29 =	simm.s32 $0x0;
	[sflag:s15] =	ssyncadd.s32 $0xFFFFD800  }
0x63: {  	[tilespmem:s29], [sflag:$0x2] =	stream.linear.gather [hbm4b:s11+s29], $0x2800, $0x38;
	[tilespmem:$0x1D000] =	vst v63  }
0x64: {  	_ =	swait.ge [sflag:s15], $0x2800  }
0x65: {  	[sflag:s15] =	ssyncset.done $0x0  }
0x66: {  	[sflag:s15] =	ssyncadd.s32 $0xFFFFD800  }
0x67: {  	[spmem:s17], [sflag:s16] =	dma.local [hbm:s5], $0x2800  }
0x68: {  	_ =	swait.ge [sflag:s15], $0x2800  }
0x69: {  	[sflag:s15] =	ssyncset.done $0x0  }
0x6a: {  	[sflag:s15] =	ssyncadd.s32 $0xFFFFD800  }
0x6b: {  	s30 =	simm.s32 $0x0;
	[bflag:$0x0] =	sbarrier.arrive $0xFFFF  }
0x6c: {  	[tilespmem:s19], [sflag:$0x1] =	stream.indirect.gather [hbm4b:s4+s18], $0x80, s30, s18, $0xb8;
	[tilespmem:$0x1D000] =	vst v63  }
0x6d: {  	_ =	swait.ge [sflag:s20], $0x3E80  }
0x6e: {  	[sflag:s20] =	ssyncset.done $0x0  }
0x6f: {  	s31 =	simm.s32 $0x2800;
	[sflag:s20] =	ssyncadd.s32 $0xFFFFC180  }
0x70: {  	[spmem:s2] =	stream.indirect.scatter.add.f32 [tilespmem:s19], [sflag:$0x2], $0x80, s31, s18, $0xb8;
	[tilespmem:$0x1D000] =	vst v63  }
0x71: {  	_ =	swait.ge [sflag:s15], $0x3E80  }
0x72: {  	s23 =	simm.s32 $0x400;
	s22 =	simm.s32 $0x200;
	[sflag:s15] =	ssyncset.done $0x0  }
.LBB2_6:
0x73: {  	s24 =	sshra.s32 s22, $0x2  }
0x74: {  	[sflag:s15] =	ssyncadd.s32 $0xFFFFC180;
	s22 =	smov.u32 s23;
	s25 =	sadd.s32 $0x200, s23  }
0x75: {  	[tilespmem:s19], [sflag:$0x1] =	stream.indirect.gather [hbm4b:s4+s18], $0x80, s24, s18, $0xb8;
	[tilespmem:$0x1D000] =	vst v63  }
0x76: {  	p0 =	sne.s32 s23, $0x9E00;
	_ =	swait.ge [sflag:s20], $0x3E80  }
.Ltmp2:
0x77: {  	[sflag:s20] =	ssyncset.done $0x0;
	(pc) =	sbr.rel @p0 .LBB2_6-.Ltmp2, $4  }
0x78: {  	s23 =	sadd.s32 $0x2800, s24;
	[sflag:s20] =	ssyncadd.s32 $0xFFFFC180  }
0x79: {  	[spmem:s2] =	stream.indirect.scatter.add.f32 [tilespmem:s19], [sflag:$0x2], $0x80, s23, s18, $0xb8;
	[tilespmem:$0x1D000] =	vst v63  }
0x7a: {  	_ =	swait.ge [sflag:s15], $0x3E80  }
0x7b: {  	s23 =	smov.u32 s25;
	[sflag:s15] =	ssyncset.done $0x0  }
0x7c: {  	s22 =	sshra.s32 s22, $0x2;
	[sflag:s15] =	ssyncadd.s32 $0xFFFFC180  }
0x7d: {  	[tilespmem:s19], [sflag:$0x1] =	stream.indirect.gather [hbm4b:s4+s18], $0x80, s22, s18, $0xb8;
	[tilespmem:$0x1D000] =	vst v63  }
0x7e: {  	_ =	swait.ge [sflag:s20], $0x3E80  }
0x7f: {  	[sflag:s20] =	ssyncset.done $0x0  }
0x80: {  	s22 =	sadd.s32 $0x2800, s22;
	[sflag:s20] =	ssyncadd.s32 $0xFFFFC180  }
0x81: {  	[spmem:s2] =	stream.indirect.scatter.add.f32 [tilespmem:s19], [sflag:$0x2], $0x80, s22, s18, $0xb8;
	[tilespmem:$0x1D000] =	vst v63  }
0x82: {  	_ =	swait.ge [sflag:s15], $0x3E80  }
0x83: {  	s21 =	sadd.s32 $0x1, s21;
	[sflag:s15] =	ssyncset.done $0x0  }
0x84: {  	p0 =	sne.s32 s21, s13;
	[sflag:s15] =	ssyncadd.s32 $0xFFFFC180  }
.Ltmp3:
0x85: {  	[bflag:$0x0] =	sbarrier.arrive $0xFFFF;
	(pc) =	sbr.rel @p0 .LBB2_1-.Ltmp3, $4  }
0x86: {  	[hbm:s12], [sflag:s16] =	dma.local [spmem:s17], $0x2800  }
0x87: {  	_ =	swait.ge [sflag:s15], $0x2800  }
0x88: {  	[sflag:s15] =	ssyncset.done $0x0  }
0x89: {  	[sflag:s15] =	ssyncadd.s32 $0xFFFFD800  }
0x8a: {  	_ =	sfence.sel $0x180000  }
0x8b: {  	[bflag:$0x0] =	sbarrier.arrive $0xFFFF  }
0x8c: {  	p0 =	sne.s32 s0, $0x0;
	_ =	strace $0x9000004A  }
0x8d: {  	s0 =	sadd.s32 @!p0 $0x100000, s1;
	[bflag:$0x2] =	sbarrier.arrive $0xFFFF  }
0x8e: {  	[sflag:s0] =	ssyncadd.tile.s32 @!p0 $0x1;
	_ =	shalt  }
.Lfunc_end2:
_tile_overlayer_lowered:
.L_overlay_start_2:
0x8f: {  	(tag) =	ssettag $0x2  }
0x90: {  	s0 =	rddreg [dreg:$0x0];
	s2 =	stileid.u32  }
0x91: {  	s1 =	rddreg [dreg:$0x1];
	p0 =	sne.s32 s2, $0x0  }
0x92: {  	s3 =	rddreg [dreg:$0x2];
	[bflag:$0x3] =	sbarrier.arrive $0xFFFF;
	s2 =	simm.s32 @!p0 $0x1C02  }
0x93: {  	[timem:s3], [sflag:s2] =	dma.local @!p0 [hbm:s0], s1  }
0x94: {  	s0 =	simm.s32 @!p0 $0x2  }
0x95: {  	_ =	swait.ge @!p0 [sflag:s0], s1  }
0x96: {  	s1 =	ssub.s32 @!p0 $0x0, s1;
	[sflag:s0] =	ssyncset.done @!p0 $0x0  }
0x97: {  	[sflag:s0] =	ssyncadd.s32 @!p0 s1  }
0x98: {  	[bflag:$0x3] =	sbarrier.arrive $0xFFFF  }
0x99: {  	_ =	shalt  }

// kernel: kernel.16.cloned.1.call-start
scs
__scs_entry_jumppad:
0x0: {  	(pc) =	sbr.rel $0x88, $3  }
0x1: {  	(tag) =	ssettag $0x0;
	lr =	simm.s32 $0x1  }
0x2: {  	[smem:$0x3F91] =	sst lr;
	_ =	strace $0xD0000000  }
0x3: {  	_ = 	snop  }
0x4: {  	_ = 	snop  }
0x5: {  	_ = 	snop  }
0x6: {  	_ = 	snop  }
0x7: {  	_ = 	snop  }
__scs_overlays_trampoline_lowered:
0x8: {  	[smem:$0x3FA0] =	sst s0  }
0x9: {  	[smem:$0x3FA1] =	sst s1  }
0xa: {  	[smem:$0x3FA2] =	sst s2  }
0xb: {  	[smem:$0x3FA3] =	sst s3  }
0xc: {  	[smem:$0x3FA4] =	sst s4  }
0xd: {  	[smem:$0x3FA5] =	sst s5  }
0xe: {  	[smem:$0x3FA6] =	sst s6  }
0xf: {  	[smem:$0x3FA7] =	sst s7  }
0x10: {  	[smem:$0x3FA8] =	sst s8  }
0x11: {  	[smem:$0x3FA9] =	sst s9;
	s0 =	simm.s32 @!p0 $0x0  }
0x12: {  	s1 =	sld [smem:$0x3F8F];
	s0 =	simm.s32 @p0 $0x1  }
0x13: {  	[smem:$0x3FAA] =	sst s0;
	s0 =	simm.s32 @!p1 $0x0  }
0x14: {  	s2 =	sld [smem:$0x3F8E];
	s0 =	simm.s32 @p1 $0x1  }
0x15: {  	[smem:$0x3FAB] =	sst s0;
	s0 =	simm.s32 @!p2 $0x0  }
0x16: {  	s3 =	sld [smem:$0x3FDB];
	s0 =	simm.s32 @p2 $0x1  }
0x17: {  	s4 =	simm.s32 $0x1BF5;
	[smem:$0x3FAD] =	sst s0  }
0x18: {  	s0 =	sld [smem:$0x3F90];
	_ =	swait.ge [sflag:s4], $0x0  }
0x19: {  	s7 =	sld [smem:$0x3F91]  }
0x1a: {  	s8 =	sadd.s32 $0xFFFFE003, lr  }
0x1b: {  	s9 =	sadd.s32 $0xFFFFFEF7, lr;
	s5 =	simm.s32 $0xFFFFFFFF;
	p2 =	slt.u32 s8, $0xFFFFF086  }
0x1c: {  	p1 =	slt.u32 s9, $0xF7A;
	s5 =	simm.s32 @!p2 $0x0  }
0x1d: {  	s5 =	simm.s32 @p1 $0x1;
	p0 =	seq.s32 s7, s2  }
0x1e: {  	s7 =	smul.u32 @!p0 $0xF7A, s2;
	p2 =	seq.s32 @!p0 s5, $0x0  }
0x1f: {  	s9 =	smul.u32 $0xF7A, s1;
	s8 =	simm.s32 @!p0 $0x1BF5;
	p2 =	por !p2, p0  }
0x20: {  	[sflag:s8] =	ssyncset.s32 @!p0 $0xFFFFF086;
	s6 =	sadd.s32 @!p0 s3, s7;
	s7 =	simm.s32 @!p0 $0x108  }
0x21: {  	s3 =	sadd.s32 s3, s9;
	s6 =	sadd.s32 @!p0 $0x88, s6;
	s7 =	simm.s32 @p2 $0x1082  }
0x22: {  	[simem:s7], [sflag:s8] =	dma.local @!p0 [hbm:s6], $0xF7A  }
0x23: {  	s9 =	sor.u32 $0xD0000000, s2;
	s6 =	simm.s32 $0x108;
	_ =	swait.ge @!p0 [sflag:s8], $0x0  }
0x24: {  	s3 =	sadd.s32 $0x88, s3;
	s6 =	simm.s32 @!p1 $0x1082;
	[sflag:s4] =	ssyncset.s32 $0xFFFFF086  }
0x25: {  	[simem:s6], [sflag:s4] =	dma.local [hbm:s3], $0xF7A  }
0x26: {  	[smem:$0x3F91] =	sst s1;
	(tag) =	ssettag s2;
	_ =	strace s9  }
0x27: {  	s1 =	sld [smem:$0x3FA1]  }
0x28: {  	s2 =	sld [smem:$0x3FA2]  }
0x29: {  	s4 =	sld [smem:$0x3FA4]  }
0x2a: {  	p0 =	seq.s32 s5, $0x0;
	s5 =	sld [smem:$0x3FA5]  }
0x2b: {  	s6 =	sld [smem:$0x3FA6]  }
0x2c: {  	s7 =	sld [smem:$0x3FA7]  }
0x2d: {  	s3 =	simm.s32 $0x108;
	s8 =	sld [smem:$0x3FA8]  }
0x2e: {  	s3 =	simm.s32 @!p0 $0x1082;
	s9 =	sld [smem:$0x3FA9]  }
0x2f: {  	lr =	sadd.s32 s0, s3;
	s0 =	sld [smem:$0x3FA0]  }
0x30: {  	s3 =	sld [smem:$0x3FA3]  }
0x31: {  	[smem:$0x3FAC] =	sst s10  }
0x32: {  	s10 =	sld [smem:$0x3FAA];
	_ =	sdelay $0x3  }
0x33: {  	p0 =	seq.s32 s10, $0x1;
	s10 =	sld [smem:$0x3FAC];
	_ =	sdelay $0x3  }
0x34: {  	[smem:$0x3FAC] =	sst s10  }
0x35: {  	s10 =	sld [smem:$0x3FAB];
	_ =	sdelay $0x3  }
0x36: {  	p1 =	seq.s32 s10, $0x1;
	s10 =	sld [smem:$0x3FAC];
	_ =	sdelay $0x3  }
0x37: {  	[smem:$0x3FAC] =	sst s10  }
0x38: {  	s10 =	sld [smem:$0x3FAD]  }
0x39: {  	_ = 	snop;
	(pc) =	sbr.ind lr, $3  }
0x3a: {  	_ = 	snop  }
0x3b: {  	_ = 	snop  }
0x3c: {  	p2 =	seq.s32 s10, $0x1;
	s10 =	sld [smem:$0x3FAC]  }
0x3d: {  	_ =	shalt  }
0x3e: {  	_ =	shalt  }
0x3f: {  	_ =	shalt  }
0x40: {  	_ =	shalt  }
0x41: {  	_ =	shalt  }
0x42: {  	_ =	shalt  }
0x43: {  	_ =	shalt  }
0x44: {  	_ =	shalt  }
0x45: {  	_ =	shalt  }
0x46: {  	_ =	shalt  }
0x47: {  	_ =	shalt  }
0x48: {  	_ =	shalt  }
0x49: {  	_ =	shalt  }
0x4a: {  	_ =	shalt  }
0x4b: {  	_ =	shalt  }
0x4c: {  	_ =	shalt  }
0x4d: {  	_ =	shalt  }
0x4e: {  	_ =	shalt  }
0x4f: {  	_ =	shalt  }
0x50: {  	_ =	shalt  }
0x51: {  	_ =	shalt  }
0x52: {  	_ =	shalt  }
0x53: {  	_ =	shalt  }
0x54: {  	_ =	shalt  }
0x55: {  	_ =	shalt  }
0x56: {  	_ =	shalt  }
0x57: {  	_ =	shalt  }
0x58: {  	_ =	shalt  }
0x59: {  	_ =	shalt  }
0x5a: {  	_ =	shalt  }
0x5b: {  	_ =	shalt  }
0x5c: {  	_ =	shalt  }
0x5d: {  	_ =	shalt  }
0x5e: {  	_ =	shalt  }
0x5f: {  	_ =	shalt  }
0x60: {  	_ =	shalt  }
0x61: {  	_ =	shalt  }
0x62: {  	_ =	shalt  }
0x63: {  	_ =	shalt  }
0x64: {  	_ =	shalt  }
0x65: {  	_ =	shalt  }
0x66: {  	_ =	shalt  }
0x67: {  	_ =	shalt  }
0x68: {  	_ =	shalt  }
0x69: {  	_ =	shalt  }
0x6a: {  	_ =	shalt  }
0x6b: {  	_ =	shalt  }
0x6c: {  	_ =	shalt  }
0x6d: {  	_ =	shalt  }
0x6e: {  	_ =	shalt  }
0x6f: {  	_ =	shalt  }
0x70: {  	_ =	shalt  }
0x71: {  	_ =	shalt  }
0x72: {  	_ =	shalt  }
0x73: {  	_ =	shalt  }
0x74: {  	_ =	shalt  }
0x75: {  	_ =	shalt  }
0x76: {  	_ =	shalt  }
0x77: {  	_ =	shalt  }
0x78: {  	_ =	shalt  }
0x79: {  	_ =	shalt  }
0x7a: {  	_ =	shalt  }
0x7b: {  	_ =	shalt  }
0x7c: {  	_ =	shalt  }
0x7d: {  	_ =	shalt  }
0x7e: {  	_ =	shalt  }
0x7f: {  	_ =	shalt  }
0x80: {  	_ =	shalt  }
0x81: {  	_ =	shalt  }
0x82: {  	_ =	shalt  }
0x83: {  	_ =	shalt  }
0x84: {  	_ =	shalt  }
0x85: {  	_ =	shalt  }
0x86: {  	_ =	shalt  }
0x87: {  	_ =	shalt  }
.Lfunc_end0:
.L_simem_size_0:
called_computation.2_lowered:
.L_overlay_start_0:
0x88: {  	s2 =	sld [smem:$0x3FD9]  }
0x89: {  	s3 =	sld [smem:$0x3FFE];
	_ =	sdelay $0x1  }
0x8a: {  	s1 =	srdreg.scid  }
0x8b: {  	s0 =	sand.u32 $0x1, s1  }
0x8c: {  	s16 =	sshll.u32 s0, $0xA;
	s2 =	sadd.s32 s3, s2  }
0x8d: {  	s2 =	sadd.s32 s2, s16  }
0x8e: {  	[smem:$0x3FB8] =	sst s2  }
0x8f: {  	_ = 	snop  }
0x90: {  	(tm) =	ssettm $0x1  }
0x91: {  	s17 =	sld [smem:$0x3FFB];
	_ =	sdelay $0x3  }
0x92: {  	_ =	strace s17  }
0x93: {  	s2 =	sld [smem:$0x3FFC];
	_ =	sdelay $0x3  }
0x94: {  	_ =	strace s2  }
0x95: {  	s2 =	sld [smem:$0x3FFD];
	_ =	sdelay $0x3  }
0x96: {  	_ =	strace s2  }
0x97: {  	_ =	strace $0x8FFFFFFF  }
0x98: {  	s18 =	sld [smem:$0x3FDB];
	_ =	sdelay $0x1  }
0x99: {  	s19 =	simm.s32 $_scs_section_size  }
0x9a: {  	s4 =	simm.s32 $_size__tile_overlayer_lowered;
	s5 =	simm.s32 $_tile_overlayer_lowered  }
0x9b: {  	s22 =	simm.s32 $0x1BFF;
	s21 =	sshll.u32 s5, $0x1;
	s2 =	sadd.s32 s19, s18  }
0x9c: {  	s6 =	simm.s32 $0x0;
	s20 =	sshll.u32 s4, $0x1;
	s4 =	sadd.s32 s21, s2  }
0x9d: {  	[timem:s6], [sflag:s22] =	dma.local [hbm:s4], s20  }
0x9e: {  	_ =	swait.ge [sflag:s22], s20  }
0x9f: {  	s3 =	ssub.s32 $0x0, s20;
	[sflag:s22] =	ssyncset.done $0x0  }
0xa0: {  	[sflag:s22] =	ssyncadd.s32 s3;
	_ =	sdelay $0x1  }
0xa1: {  	s23 =	simm.s32 $0x1B8B  }
0xa2: {  	_ =	swait.ge [sflag:s23], $0x1  }
0xa3: {  	[sflag:s23] =	ssyncset.done $0x0  }
0xa4: {  	s25 =	simm.s32 $0x1B8E;
	s24 =	sld [smem:$0x3FFE];
	[sflag:s23] =	ssyncadd.s32 $0xFFFFFFFF  }
0xa5: {  	s26 =	simm.s32 $execute0_lowered;
	[smem:$0x3FD2] =	sst s25  }
0xa6: {  	s4 =	sshll.u32 s26, $0x1;
	_ =	strace $0x8000004C;
	[dreg:$0x1] =	wrdreg $0xFFFFFFFF  }
0xa7: {  	s28 =	simm.s32 $_size_execute0_lowered;
	s2 =	sadd.s32 s2, s4;
	[dreg:$0x0] =	wrdreg $0x0  }
0xa8: {  	s4 =	sshll.u32 s28, $0x1;
	[dreg:$0x2] =	wrdreg s2  }
0xa9: {  	[dreg:$0x3] =	wrdreg s4  }
0xaa: {  	[dreg:$0x4] =	wrdreg $0xC0  }
0xab: {  	_ =	task [dreg:s6], $0x5FFFF  }
0xac: {  	[dreg:$0x1] =	wrdreg $0xFFFFFFFF  }
0xad: {  	[dreg:$0x0] =	wrdreg $0x60  }
0xae: {  	[dreg:$0x2] =	wrdreg s24  }
0xaf: {  	[dreg:$0x3] =	wrdreg $0x90000  }
0xb0: {  	[dreg:$0x4] =	wrdreg $0x9  }
0xb1: {  	_ =	task.clear_ibuf [dreg:s6], $0x5FFFF;
	_ =	strace $0x9000004C  }
0xb2: {  	s29 =	simm.s32 $0x9;
	_ =	strace $0x8000004E  }
0xb3: {  	_ =	swait.ge [sflag:s29], $0x1  }
0xb4: {  	[sflag:s29] =	ssyncadd.s32 $0xFFFFFFFF  }
0xb5: {  	_ =	strace $0x9000004E  }
0xb6: {  	_ =	sfence  }
0xb7: {  	s30 =	sld [smem:$0x0];
	_ =	sdelay $0x2  }
0xb8: {  	s31 =	sshll.u32 s1, $0xD;
	s1 =	sshrl.u32 s1, $0x2  }
0xb9: {  	s3 =	sand.u32 $0x4000, s31;
	s1 =	sadd.s32 s1, s30  }
0xba: {  	s0 =	sor.u32 s3, s0;
	s1 =	sshll.u32 s1, $0x11  }
0xbb: {  	s0 =	sor.u32 s1, s0  }
0xbc: {  	s0 =	sadd.s32 $0x8F2B, s0  }
0xbd: {  	[sflag:s0] =	ssyncadd.remote.s32 $0x1  }
0xbe: {  	_ =	sfence.sel $0xFFFF  }
0xbf: {  	[dreg:$0x0] =	wrdreg $0xFFFFFFFF;
	(pc) =	sbr.abs _section_cstart, $3  }
0xc0: {  	[dreg:$0x1] =	wrdreg $0xFFFFFFFF  }
0xc1: {  	_ =	task.clear_ibuf [dreg:s6], $0x2FFFF;
	_ =	strace $0x9FFFFFFF  }
0xc2: {  	(tm) =	ssettm $0x7FFFFFFF  }
0xc3: {  	_ =	shalt  }
tec
execute0_lowered:
.L_overlay_start_1:
0x0: {  	(tag) =	ssettag $0x1  }
0x1: {  	s0 =	srdreg.scid;
	s6 =	rddreg [dreg:$0x0]  }
0x2: {  	s2 =	rddreg [dreg:$0x1];
	s3 =	simm.s32 $0x0;
	s18 =	simm.s32 $0x7D  }
0x3: {  	s19 =	simm.s32 $0x5000;
	s20 =	simm.s32 $0x1;
	s21 =	simm.s32 $0x0  }
0x4: {  	s5 =	sand.u32 $0x1, s0;
	s0 =	stileid.u32;
	[smem:$0x7FF] =	sst s3  }
0x5: {  	s4 =	sadd.s32 $0xA2C00, s6;
	s11 =	sadd.s32 $0x82400, s6;
	s9 =	smul.u32 $0x280, s0  }
0x6: {  	s1 =	sshll.u32 s5, $0x4;
	s10 =	smul.u32 $0x2800, s5;
	s29 =	ssub.s32 $0x2, s5  }
0x7: {  	s13 =	smul.u32 $0x50000, s0;
	s5 =	sadd.s32 $0xA0400, s6;
	s16 =	sshll.u32 s0, $0x6  }
0x8: {  	s7 =	sor.u32 s0, s1;
	s1 =	rddreg [dreg:$0x2];
	_ =	strace $0x8000004D  }
0x9: {  	s14 =	sshrl.u32 s29, $0x1;
	s16 =	sor.u32 $0x1C02, s16;
	s8 =	smul.u32 $0x500, s7  }
0xa: {  	s9 =	sadd.s32 s9, s10;
	s7 =	smul.u32 $0x2800, s7;
	s30 =	sshrl.u32 s13, $0x2  }
0xb: {  	s14 =	ssub.s32 s29, s14;
	s9 =	sshll.u32 s9, $0x4;
	s17 =	sadd.s32 s30, s2  }
0xc: {  	s13 =	smax.u32 s14, $0x1;
	s14 =	simm.s32 $0x2800;
	s12 =	sadd.s32 s8, s6  }
0xd: {  	s15 =	sadd.s32 s9, s6;
	s31 =	sshrl.u32 s7, $0x3;
	s7 =	sadd.s32 s11, s8  }
0xe: {  	s17 =	sshrl.u32 s17, $0x3;
	s6 =	sadd.s32 $0x3000, s12;
	s11 =	sadd.s32 s11, s31  }
0xf: {  	s8 =	sadd.s32 $0x118000, s15;
	s10 =	sadd.s32 $0x168000, s15;
	s12 =	sadd.s32 $0x1B8000, s15  }
0x10: {  	s15 =	simm.s32 $0x2;
	s9 =	sadd.s32 $0xA000, s11;
	s11 =	sadd.s32 $0x14000, s11  }
.LBB2_1:
0x11: {  	[tilespmem:s14], [sflag:$0x2] =	stream.linear.gather [hbm4b:s6+s3], $0x2800, $0x38;
	[tilespmem:$0x1D000] =	vst v63  }
0x12: {  	_ =	swait.ge [sflag:s15], $0x2800  }
0x13: {  	[sflag:s15] =	ssyncset.done $0x0  }
0x14: {  	[sflag:s15] =	ssyncadd.s32 $0xFFFFD800  }
0x15: {  	[tilespmem:s3], [sflag:$0x2] =	stream.linear.gather [hbm4b:s7+s3], $0x2800, $0x38;
	[tilespmem:$0x1D000] =	vst v63  }
0x16: {  	_ =	swait.ge [sflag:s15], $0x2800  }
0x17: {  	[sflag:s15] =	ssyncset.done $0x0  }
0x18: {  	[sflag:s15] =	ssyncadd.s32 $0xFFFFD800  }
0x19: {  	[spmem:s17], [sflag:s16] =	dma.local [hbm:s5], $0x2800  }
0x1a: {  	_ =	swait.ge [sflag:s15], $0x2800  }
0x1b: {  	[sflag:s15] =	ssyncset.done $0x0  }
0x1c: {  	[sflag:s15] =	ssyncadd.s32 $0xFFFFD800  }
0x1d: {  	s22 =	simm.s32 $0x0;
	[bflag:$0x0] =	sbarrier.arrive $0xFFFF  }
0x1e: {  	[tilespmem:s19], [sflag:$0x1] =	stream.indirect.gather [hbm4b:s4+s18], $0x80, s22, s18, $0xb8;
	[tilespmem:$0x1D000] =	vst v63  }
0x1f: {  	_ =	swait.ge [sflag:s20], $0x3E80  }
0x20: {  	[sflag:s20] =	ssyncset.done $0x0  }
0x21: {  	s31 =	simm.s32 $0x2800;
	[sflag:s20] =	ssyncadd.s32 $0xFFFFC180  }
0x22: {  	[spmem:s2] =	stream.indirect.scatter.add.f32 [tilespmem:s19], [sflag:$0x2], $0x80, s31, s18, $0xb8;
	[tilespmem:$0x1D000] =	vst v63  }
0x23: {  	_ =	swait.ge [sflag:s15], $0x3E80  }
0x24: {  	s23 =	simm.s32 $0x400;
	s22 =	simm.s32 $0x200;
	[sflag:s15] =	ssyncset.done $0x0  }
.LBB2_2:
0x25: {  	s24 =	sshra.s32 s22, $0x2  }
0x26: {  	[sflag:s15] =	ssyncadd.s32 $0xFFFFC180;
	s22 =	smov.u32 s23;
	s25 =	sadd.s32 $0x200, s23  }
0x27: {  	[tilespmem:s19], [sflag:$0x1] =	stream.indirect.gather [hbm4b:s4+s18], $0x80, s24, s18, $0xb8;
	[tilespmem:$0x1D000] =	vst v63  }
0x28: {  	p0 =	sne.s32 s23, $0x9E00;
	_ =	swait.ge [sflag:s20], $0x3E80  }
.Ltmp0:
0x29: {  	[sflag:s20] =	ssyncset.done $0x0;
	(pc) =	sbr.rel @p0 .LBB2_2-.Ltmp0, $4  }
0x2a: {  	s23 =	sadd.s32 $0x2800, s24;
	[sflag:s20] =	ssyncadd.s32 $0xFFFFC180  }
0x2b: {  	[spmem:s2] =	stream.indirect.scatter.add.f32 [tilespmem:s19], [sflag:$0x2], $0x80, s23, s18, $0xb8;
	[tilespmem:$0x1D000] =	vst v63  }
0x2c: {  	_ =	swait.ge [sflag:s15], $0x3E80  }
0x2d: {  	s23 =	smov.u32 s25;
	[sflag:s15] =	ssyncset.done $0x0  }
0x2e: {  	s22 =	sshra.s32 s22, $0x2;
	[sflag:s15] =	ssyncadd.s32 $0xFFFFC180  }
0x2f: {  	[tilespmem:s19], [sflag:$0x1] =	stream.indirect.gather [hbm4b:s4+s18], $0x80, s22, s18, $0xb8;
	[tilespmem:$0x1D000] =	vst v63  }
0x30: {  	_ =	swait.ge [sflag:s20], $0x3E80  }
0x31: {  	[sflag:s20] =	ssyncset.done $0x0  }
0x32: {  	s22 =	sadd.s32 $0x2800, s22;
	[sflag:s20] =	ssyncadd.s32 $0xFFFFC180  }
0x33: {  	[spmem:s2] =	stream.indirect.scatter.add.f32 [tilespmem:s19], [sflag:$0x2], $0x80, s22, s18, $0xb8;
	[tilespmem:$0x1D000] =	vst v63  }
0x34: {  	_ =	swait.ge [sflag:s15], $0x3E80  }
0x35: {  	[sflag:s15] =	ssyncset.done $0x0  }
0x36: {  	[sflag:s15] =	ssyncadd.s32 $0xFFFFC180  }
0x37: {  	[bflag:$0x0] =	sbarrier.arrive $0xFFFF  }
0x38: {  	[hbm:s8], [sflag:s16] =	dma.local [spmem:s17], $0x2800  }
0x39: {  	_ =	swait.ge [sflag:s15], $0x2800  }
0x3a: {  	[sflag:s15] =	ssyncset.done $0x0  }
0x3b: {  	s29 =	simm.s32 $0x0;
	[sflag:s15] =	ssyncadd.s32 $0xFFFFD800  }
0x3c: {  	[tilespmem:s29], [sflag:$0x2] =	stream.linear.gather [hbm4b:s9+s29], $0x2800, $0x38;
	[tilespmem:$0x1D000] =	vst v63  }
0x3d: {  	_ =	swait.ge [sflag:s15], $0x2800  }
0x3e: {  	[sflag:s15] =	ssyncset.done $0x0  }
0x3f: {  	[sflag:s15] =	ssyncadd.s32 $0xFFFFD800  }
0x40: {  	[spmem:s17], [sflag:s16] =	dma.local [hbm:s5], $0x2800  }
0x41: {  	_ =	swait.ge [sflag:s15], $0x2800  }
0x42: {  	[sflag:s15] =	ssyncset.done $0x0  }
0x43: {  	[sflag:s15] =	ssyncadd.s32 $0xFFFFD800  }
0x44: {  	s30 =	simm.s32 $0x0;
	[bflag:$0x0] =	sbarrier.arrive $0xFFFF  }
0x45: {  	[tilespmem:s19], [sflag:$0x1] =	stream.indirect.gather [hbm4b:s4+s18], $0x80, s30, s18, $0xb8;
	[tilespmem:$0x1D000] =	vst v63  }
0x46: {  	_ =	swait.ge [sflag:s20], $0x3E80  }
0x47: {  	[sflag:s20] =	ssyncset.done $0x0  }
0x48: {  	s31 =	simm.s32 $0x2800;
	[sflag:s20] =	ssyncadd.s32 $0xFFFFC180  }
0x49: {  	[spmem:s2] =	stream.indirect.scatter.add.f32 [tilespmem:s19], [sflag:$0x2], $0x80, s31, s18, $0xb8;
	[tilespmem:$0x1D000] =	vst v63  }
0x4a: {  	_ =	swait.ge [sflag:s15], $0x3E80  }
0x4b: {  	s23 =	simm.s32 $0x400;
	s22 =	simm.s32 $0x200;
	[sflag:s15] =	ssyncset.done $0x0  }
.LBB2_4:
0x4c: {  	s24 =	sshra.s32 s22, $0x2  }
0x4d: {  	[sflag:s15] =	ssyncadd.s32 $0xFFFFC180;
	s22 =	smov.u32 s23;
	s25 =	sadd.s32 $0x200, s23  }
0x4e: {  	[tilespmem:s19], [sflag:$0x1] =	stream.indirect.gather [hbm4b:s4+s18], $0x80, s24, s18, $0xb8;
	[tilespmem:$0x1D000] =	vst v63  }
0x4f: {  	p0 =	sne.s32 s23, $0x9E00;
	_ =	swait.ge [sflag:s20], $0x3E80  }
.Ltmp1:
0x50: {  	[sflag:s20] =	ssyncset.done $0x0;
	(pc) =	sbr.rel @p0 .LBB2_4-.Ltmp1, $4  }
0x51: {  	s23 =	sadd.s32 $0x2800, s24;
	[sflag:s20] =	ssyncadd.s32 $0xFFFFC180  }
0x52: {  	[spmem:s2] =	stream.indirect.scatter.add.f32 [tilespmem:s19], [sflag:$0x2], $0x80, s23, s18, $0xb8;
	[tilespmem:$0x1D000] =	vst v63  }
0x53: {  	_ =	swait.ge [sflag:s15], $0x3E80  }
0x54: {  	s23 =	smov.u32 s25;
	[sflag:s15] =	ssyncset.done $0x0  }
0x55: {  	s22 =	sshra.s32 s22, $0x2;
	[sflag:s15] =	ssyncadd.s32 $0xFFFFC180  }
0x56: {  	[tilespmem:s19], [sflag:$0x1] =	stream.indirect.gather [hbm4b:s4+s18], $0x80, s22, s18, $0xb8;
	[tilespmem:$0x1D000] =	vst v63  }
0x57: {  	_ =	swait.ge [sflag:s20], $0x3E80  }
0x58: {  	[sflag:s20] =	ssyncset.done $0x0  }
0x59: {  	s22 =	sadd.s32 $0x2800, s22;
	[sflag:s20] =	ssyncadd.s32 $0xFFFFC180  }
0x5a: {  	[spmem:s2] =	stream.indirect.scatter.add.f32 [tilespmem:s19], [sflag:$0x2], $0x80, s22, s18, $0xb8;
	[tilespmem:$0x1D000] =	vst v63  }
0x5b: {  	_ =	swait.ge [sflag:s15], $0x3E80  }
0x5c: {  	[sflag:s15] =	ssyncset.done $0x0  }
0x5d: {  	[sflag:s15] =	ssyncadd.s32 $0xFFFFC180  }
0x5e: {  	[bflag:$0x0] =	sbarrier.arrive $0xFFFF  }
0x5f: {  	[hbm:s10], [sflag:s16] =	dma.local [spmem:s17], $0x2800  }
0x60: {  	_ =	swait.ge [sflag:s15], $0x2800  }
0x61: {  	[sflag:s15] =	ssyncset.done $0x0  }
0x62: {  	s29 =	simm.s32 $0x0;
	[sflag:s15] =	ssyncadd.s32 $0xFFFFD800  }
0x63: {  	[tilespmem:s29], [sflag:$0x2] =	stream.linear.gather [hbm4b:s11+s29], $0x2800, $0x38;
	[tilespmem:$0x1D000] =	vst v63  }
0x64: {  	_ =	swait.ge [sflag:s15], $0x2800  }
0x65: {  	[sflag:s15] =	ssyncset.done $0x0  }
0x66: {  	[sflag:s15] =	ssyncadd.s32 $0xFFFFD800  }
0x67: {  	[spmem:s17], [sflag:s16] =	dma.local [hbm:s5], $0x2800  }
0x68: {  	_ =	swait.ge [sflag:s15], $0x2800  }
0x69: {  	[sflag:s15] =	ssyncset.done $0x0  }
0x6a: {  	[sflag:s15] =	ssyncadd.s32 $0xFFFFD800  }
0x6b: {  	s30 =	simm.s32 $0x0;
	[bflag:$0x0] =	sbarrier.arrive $0xFFFF  }
0x6c: {  	[tilespmem:s19], [sflag:$0x1] =	stream.indirect.gather [hbm4b:s4+s18], $0x80, s30, s18, $0xb8;
	[tilespmem:$0x1D000] =	vst v63  }
0x6d: {  	_ =	swait.ge [sflag:s20], $0x3E80  }
0x6e: {  	[sflag:s20] =	ssyncset.done $0x0  }
0x6f: {  	s31 =	simm.s32 $0x2800;
	[sflag:s20] =	ssyncadd.s32 $0xFFFFC180  }
0x70: {  	[spmem:s2] =	stream.indirect.scatter.add.f32 [tilespmem:s19], [sflag:$0x2], $0x80, s31, s18, $0xb8;
	[tilespmem:$0x1D000] =	vst v63  }
0x71: {  	_ =	swait.ge [sflag:s15], $0x3E80  }
0x72: {  	s23 =	simm.s32 $0x400;
	s22 =	simm.s32 $0x200;
	[sflag:s15] =	ssyncset.done $0x0  }
.LBB2_6:
0x73: {  	s24 =	sshra.s32 s22, $0x2  }
0x74: {  	[sflag:s15] =	ssyncadd.s32 $0xFFFFC180;
	s22 =	smov.u32 s23;
	s25 =	sadd.s32 $0x200, s23  }
0x75: {  	[tilespmem:s19], [sflag:$0x1] =	stream.indirect.gather [hbm4b:s4+s18], $0x80, s24, s18, $0xb8;
	[tilespmem:$0x1D000] =	vst v63  }
0x76: {  	p0 =	sne.s32 s23, $0x9E00;
	_ =	swait.ge [sflag:s20], $0x3E80  }
.Ltmp2:
0x77: {  	[sflag:s20] =	ssyncset.done $0x0;
	(pc) =	sbr.rel @p0 .LBB2_6-.Ltmp2, $4  }
0x78: {  	s23 =	sadd.s32 $0x2800, s24;
	[sflag:s20] =	ssyncadd.s32 $0xFFFFC180  }
0x79: {  	[spmem:s2] =	stream.indirect.scatter.add.f32 [tilespmem:s19], [sflag:$0x2], $0x80, s23, s18, $0xb8;
	[tilespmem:$0x1D000] =	vst v63  }
0x7a: {  	_ =	swait.ge [sflag:s15], $0x3E80  }
0x7b: {  	s23 =	smov.u32 s25;
	[sflag:s15] =	ssyncset.done $0x0  }
0x7c: {  	s22 =	sshra.s32 s22, $0x2;
	[sflag:s15] =	ssyncadd.s32 $0xFFFFC180  }
0x7d: {  	[tilespmem:s19], [sflag:$0x1] =	stream.indirect.gather [hbm4b:s4+s18], $0x80, s22, s18, $0xb8;
	[tilespmem:$0x1D000] =	vst v63  }
0x7e: {  	_ =	swait.ge [sflag:s20], $0x3E80  }
0x7f: {  	[sflag:s20] =	ssyncset.done $0x0  }
0x80: {  	s22 =	sadd.s32 $0x2800, s22;
	[sflag:s20] =	ssyncadd.s32 $0xFFFFC180  }
0x81: {  	[spmem:s2] =	stream.indirect.scatter.add.f32 [tilespmem:s19], [sflag:$0x2], $0x80, s22, s18, $0xb8;
	[tilespmem:$0x1D000] =	vst v63  }
0x82: {  	_ =	swait.ge [sflag:s15], $0x3E80  }
0x83: {  	s21 =	sadd.s32 $0x1, s21;
	[sflag:s15] =	ssyncset.done $0x0  }
0x84: {  	p0 =	sne.s32 s21, s13;
	[sflag:s15] =	ssyncadd.s32 $0xFFFFC180  }
.Ltmp3:
0x85: {  	[bflag:$0x0] =	sbarrier.arrive $0xFFFF;
	(pc) =	sbr.rel @p0 .LBB2_1-.Ltmp3, $4  }
0x86: {  	[hbm:s12], [sflag:s16] =	dma.local [spmem:s17], $0x2800  }
0x87: {  	_ =	swait.ge [sflag:s15], $0x2800  }
0x88: {  	[sflag:s15] =	ssyncset.done $0x0  }
0x89: {  	[sflag:s15] =	ssyncadd.s32 $0xFFFFD800  }
0x8a: {  	_ =	sfence.sel $0x180000  }
0x8b: {  	[bflag:$0x0] =	sbarrier.arrive $0xFFFF  }
0x8c: {  	p0 =	sne.s32 s0, $0x0;
	_ =	strace $0x9000004D  }
0x8d: {  	s0 =	sadd.s32 @!p0 $0x100000, s1;
	[bflag:$0x2] =	sbarrier.arrive $0xFFFF  }
0x8e: {  	[sflag:s0] =	ssyncadd.tile.s32 @!p0 $0x1;
	_ =	shalt  }
.Lfunc_end2:
_tile_overlayer_lowered:
.L_overlay_start_2:
0x8f: {  	(tag) =	ssettag $0x2  }
0x90: {  	s0 =	rddreg [dreg:$0x0];
	s2 =	stileid.u32  }
0x91: {  	s1 =	rddreg [dreg:$0x1];
	p0 =	sne.s32 s2, $0x0  }
0x92: {  	s3 =	rddreg [dreg:$0x2];
	[bflag:$0x3] =	sbarrier.arrive $0xFFFF;
	s2 =	simm.s32 @!p0 $0x1C02  }
0x93: {  	[timem:s3], [sflag:s2] =	dma.local @!p0 [hbm:s0], s1  }
0x94: {  	s0 =	simm.s32 @!p0 $0x2  }
0x95: {  	_ =	swait.ge @!p0 [sflag:s0], s1  }
0x96: {  	s1 =	ssub.s32 @!p0 $0x0, s1;
	[sflag:s0] =	ssyncset.done @!p0 $0x0  }
0x97: {  	[sflag:s0] =	ssyncadd.s32 @!p0 s1  }
0x98: {  	[bflag:$0x3] =	sbarrier.arrive $0xFFFF  }
0x99: {  	_ =	shalt  }

</sc_bundles>
